<compile_context>
chip_gen: v7x
topology: tpu7x:2x2x1
jax: 0.10.2.dev20260603
libtpu: 0.0.44.dev20260713+nightly
codegen_flags: <defaults>
</compile_context>

<pallas_src>
import jax
import jax.numpy as jnp
from jax import lax
from jax.experimental import pallas as pl
from jax.experimental.pallas import tpu as pltpu
from jax.experimental.pallas import tpu_sc as plsc

N = 32768
K = 25
NS = 16
L = 16
CHUNK = N // NS
VPC = CHUNK // L
NBINS = 256
NBV = NBINS // L
ROWS = 1024


def _sc_topk_body(x_hbm, out_hbm, x_v, key_v, hist_v, mhist_v,
                  idx_v, eqi_v, eq_v, out_v, tmp_v, sem, sem2, sh_flat):
    sid = lax.axis_index("s")
    base = sid * CHUNK
    cp = pltpu.async_copy(x_hbm.at[pl.ds(base, CHUNK)], x_v, sem)

    iota = lax.iota(jnp.int32, L)
    zeros_i = jnp.zeros((L,), jnp.int32)
    ones_i = jnp.ones((L,), jnp.int32)

    for g in range(8):
        for t in range(8):
            idx_v[g, pl.ds(t * L, L)] = iota + (g * 128 + t * L)
    for t in range(4):
        tmp_v[pl.ds(t * L, L)] = zeros_i
    for t in range(NBV):
        hist_v[pl.ds(t * L, L)] = zeros_i
    pltpu.sync_copy(tmp_v.at[pl.ds(0, 64)], sh_flat.at[pl.ds(sid * 64, 64)])
    cp.wait()
    plsc.subcore_barrier()

    pref = jnp.zeros((L,), jnp.uint32)
    rem = jnp.full((L,), K, jnp.int32)

    def select_digit(rem):
        totals = zeros_i
        for t in range(NBV):
            h = mhist_v[pl.ds(t * L, L)]
            totals = totals + jnp.where(iota == t, jnp.sum(h), 0)
        rts = lax.rev(plsc.cumsum(lax.rev(totals, (0,))), (0,))
        tstar = plsc.all_reduce_population_count(rts >= rem) - 1
        excl = jnp.sum(jnp.where(iota == tstar, rts - totals, 0))
        ts = jnp.max(tstar)
        h = mhist_v[pl.ds(ts * L, L)]
        suf = lax.rev(plsc.cumsum(lax.rev(h, (0,))), (0,)) + excl
        cnt_in = plsc.all_reduce_population_count(suf >= rem)
        bstar = tstar * L + cnt_in - 1
        lane = cnt_in - 1
        suf_b = jnp.sum(jnp.where(iota == lane, suf, 0))
        h_b = jnp.sum(jnp.where(iota == lane, h, 0))
        return bstar, rem - (suf_b - h_b)

    def merge_and_read(r):
        c1 = pltpu.async_copy(hist_v.at[pl.ds(0, 128)],
                              sh_flat.at[idx_v.at[2 * r]], sem, add=True)
        c2 = pltpu.async_copy(hist_v.at[pl.ds(128, 128)],
                              sh_flat.at[idx_v.at[2 * r + 1]], sem2, add=True)
        c1.wait()
        c2.wait()
        plsc.subcore_barrier()
        pltpu.sync_copy(sh_flat.at[pl.ds(r * NBINS, NBINS)], mhist_v)

    @plsc.parallel_loop(0, VPC, unroll=8)
    def _(j):
        b = lax.bitcast_convert_type(x_v[pl.ds(j * L, L)], jnp.uint32)
        neg = (b >> 31) == jnp.uint32(1)
        key = jnp.where(neg, ~b, b | jnp.uint32(0x80000000))
        key_v[pl.ds(j * L, L)] = key
        digit = (key >> jnp.uint32(24)).astype(jnp.int32)
        plsc.addupdate_scatter(hist_v, [digit], ones_i)

    merge_and_read(0)
    bstar, rem = select_digit(rem)
    pref = bstar.astype(jnp.uint32) << jnp.uint32(24)

    for r in (1, 2, 3):
        shift = 24 - 8 * r
        hi = jnp.uint32(32 - 8 * r)
        for t in range(NBV):
            hist_v[pl.ds(t * L, L)] = zeros_i
        ph = pref >> hi

        @plsc.parallel_loop(0, VPC, unroll=8)
        def _(j, hi=hi, shift=shift, ph=ph):
            key = key_v[pl.ds(j * L, L)]
            active = (key >> hi) == ph
            digit = ((key >> jnp.uint32(shift)) & jnp.uint32(0xFF))
            plsc.addupdate_scatter(hist_v, [digit.astype(jnp.int32)],
                                   ones_i, mask=active)

        if r == 3:
            pltpu.sync_copy(hist_v,
                            sh_flat.at[pl.ds(ROWS + sid * NBINS, NBINS)])
        merge_and_read(r)
        bstar, rem = select_digit(rem)
        pref = pref | (bstar.astype(jnp.uint32) << jnp.uint32(shift))

    thresh = pref

    eqi_v[...] = ROWS + iota * NBINS + bstar
    pltpu.sync_copy(sh_flat.at[eqi_v], eq_v)
    ecnt = eq_v[...]
    exclv = plsc.cumsum(ecnt) - ecnt
    ecarry = jnp.sum(jnp.where(iota == sid, exclv, 0))

    @plsc.parallel_loop(0, VPC, unroll=8, carry=zeros_i)
    def _(j, qcarry):
        key = key_v[pl.ds(j * L, L)]
        x = x_v[pl.ds(j * L, L)]
        eq = key == thresh
        eqi = eq.astype(jnp.int32)
        incl = plsc.cumsum(eqi)
        rank = incl - eqi + qcarry + ecarry
        keep = (key > thresh) | (eq & (rank < rem))
        out_v[pl.ds(j * L, L)] = jnp.where(keep, x, jnp.float32(0.0))
        return qcarry + plsc.all_reduce_population_count(eq)

    pltpu.sync_copy(out_v, out_hbm.at[pl.ds(base, CHUNK)])


@jax.jit
def _topk_mask_sc(x_flat):
    mesh = plsc.VectorSubcoreMesh(core_axis_name="c", subcore_axis_name="s",
                                  num_cores=1, num_subcores=NS)
    return pl.kernel(
        _sc_topk_body,
        out_type=jax.ShapeDtypeStruct((N,), jnp.float32),
        mesh=mesh,
        compiler_params=pltpu.CompilerParams(needs_layout_passes=False),
        scratch_types=[
            pltpu.VMEM((CHUNK,), jnp.float32),
            pltpu.VMEM((CHUNK,), jnp.uint32),
            pltpu.VMEM((NBINS,), jnp.int32),
            pltpu.VMEM((NBINS,), jnp.int32),
            pltpu.VMEM((8, 128), jnp.int32),
            pltpu.VMEM((L,), jnp.int32),
            pltpu.VMEM((L,), jnp.int32),
            pltpu.VMEM((CHUNK,), jnp.float32),
            pltpu.VMEM((128,), jnp.int32),
            pltpu.SemaphoreType.DMA,
            pltpu.SemaphoreType.DMA,
            pltpu.VMEM_SHARED((5120,), jnp.int32),
        ],
    )(x_flat)


def kernel(score_vector):
    return _topk_mask_sc(score_vector.reshape(N)).reshape(1, N)

# --- scband reference (transcript-rebuilt; emitter-appended) ---
"""Pipeline reference for scband-top-kgroup-17781164606014 (READ-ONLY COPY).

The authoritative reference and input builder live on the scoring server;
editing this copy changes nothing except your own understanding.
"""

import jax, jax.numpy as jnp
import numpy as np

TOP_K = 25

def setup_inputs(seed: int = 0) -> dict:
    key = jax.random.key(seed)
    score_vector = jax.random.normal(key, (1, 32768), dtype=jnp.float32)
    return {"score_vector": score_vector}

def reference(score_vector):
    n = score_vector.shape[-1]
    k = min(TOP_K, n)
    _, top_k_indices = jax.lax.top_k(score_vector, k)
    top_k_indices = jnp.squeeze(top_k_indices, axis=0)
    mask = jnp.zeros((n,), dtype=score_vector.dtype)
    mask = mask.at[top_k_indices].set(1.0)
    mask = mask[None, :]
    return score_vector * mask

if __name__ == "__main__":
    import jax
    _d = setup_inputs()
    print(jax.jit(kernel)(*tuple(_d.values())))

</pallas_src>

<mosaic_0001>
#map = affine_map<(d0, d1) -> (0)>
module attributes {stable_mosaic.version = 14 : i64} {
  func.func @_sc_topk_body(%arg0: i32, %arg1: i32, %arg2: memref<32768xf32, #tpu.memory_space<hbm>>, %arg3: memref<32768xf32, #tpu.memory_space<hbm>>, %arg4: memref<2048xf32, #tpu.memory_space<vmem>>, %arg5: memref<2048xi32, #tpu.memory_space<vmem>>, %arg6: memref<256xi32, #tpu.memory_space<vmem>>, %arg7: memref<256xi32, #tpu.memory_space<vmem>>, %arg8: memref<8x128xi32, #tpu.memory_space<vmem>>, %arg9: memref<16xi32, #tpu.memory_space<vmem>>, %arg10: memref<16xi32, #tpu.memory_space<vmem>>, %arg11: memref<2048xf32, #tpu.memory_space<vmem>>, %arg12: memref<128xi32, #tpu.memory_space<vmem>>, %arg13: memref<!tpu.dma_semaphore, #tpu.memory_space<semaphore_mem>>, %arg14: memref<!tpu.dma_semaphore, #tpu.memory_space<semaphore_mem>>, %arg15: memref<5120xi32, #tpu.memory_space<vmem_shared>>) attributes {dimension_semantics = [#tpu.dimension_semantics<core_parallel>, #tpu.dimension_semantics<subcore_parallel>], iteration_bounds = array<i64: 1, 16>, scalar_prefetch = 0 : i64, scratch_operands = 12 : i64, tpu.core_type = #tpu.core_type<sc_vector_subcore>, window_params = [{transform_indices = #map}, {transform_indices = #map}]} {
    %mul3A = arith.constant 2048 : i32
    %mul3A_0 = arith.muli %arg1, %mul3A : i32
    %dma_start3A = tpu.memref_slice %arg2[%mul3A_0] : memref<32768xf32, #tpu.memory_space<hbm>> -> memref<2048xf32, #tpu.memory_space<hbm>>
    %dma_start3A_1 = tpu.memref_slice %arg2[%mul3A_0] : memref<32768xf32, #tpu.memory_space<hbm>> -> memref<2048xf32, #tpu.memory_space<hbm>>
    tpu.enqueue_dma source(%dma_start3A_1 : memref<2048xf32, #tpu.memory_space<hbm>>) target(%arg4 : memref<2048xf32, #tpu.memory_space<vmem>>) target_semaphore(%arg13 : memref<!tpu.dma_semaphore, #tpu.memory_space<semaphore_mem>>)
    %iota3A = tpu.iota {dimensions = array<i32: 0>} : vector<16xi32>
    %broadcast_in_dim3A = arith.constant 0 : i32
    %broadcast_in_dim3A_2 = vector.broadcast %broadcast_in_dim3A : i32 to vector<16xi32>
    %broadcast_in_dim3A_3 = arith.constant 1 : i32
    %broadcast_in_dim3A_4 = vector.broadcast %broadcast_in_dim3A_3 : i32 to vector<16xi32>
    %add3A = arith.constant 0 : i32
    %add3A_5 = vector.broadcast %add3A : i32 to vector<16xi32>
    %add3A_6 = arith.addi %iota3A, %add3A_5 : vector<16xi32>
    %swap3A = arith.constant 0 : i32
    %swap3A_7 = arith.index_cast %swap3A : i32 to index
    %swap3A_8 = arith.constant 0 : index
    %swap3A_9 = tpu.vector_load %arg8[%swap3A_7, %swap3A_8] {strides = array<i32>} : memref<8x128xi32, #tpu.memory_space<vmem>>, vector<16xi32>,
    tpu.vector_store %arg8[%swap3A_7, %swap3A_8], %add3A_6 {strides = array<i32>} : memref<8x128xi32, #tpu.memory_space<vmem>>, vector<16xi32>,
    %add3A_10 = arith.constant 16 : i32
    %add3A_11 = vector.broadcast %add3A_10 : i32 to vector<16xi32>
    %add3A_12 = arith.addi %iota3A, %add3A_11 : vector<16xi32>
    %swap3A_13 = arith.constant 0 : i32
    %swap3A_14 = arith.index_cast %swap3A_13 : i32 to index
    %swap3A_15 = arith.constant 16 : index
    %swap3A_16 = tpu.vector_load %arg8[%swap3A_14, %swap3A_15] {strides = array<i32>} : memref<8x128xi32, #tpu.memory_space<vmem>>, vector<16xi32>,
    tpu.vector_store %arg8[%swap3A_14, %swap3A_15], %add3A_12 {strides = array<i32>} : memref<8x128xi32, #tpu.memory_space<vmem>>, vector<16xi32>,
    %add3A_17 = arith.constant 32 : i32
    %add3A_18 = vector.broadcast %add3A_17 : i32 to vector<16xi32>
    %add3A_19 = arith.addi %iota3A, %add3A_18 : vector<16xi32>
    %swap3A_20 = arith.constant 0 : i32
    %swap3A_21 = arith.index_cast %swap3A_20 : i32 to index
    %swap3A_22 = arith.constant 32 : index
    %swap3A_23 = tpu.vector_load %arg8[%swap3A_21, %swap3A_22] {strides = array<i32>} : memref<8x128xi32, #tpu.memory_space<vmem>>, vector<16xi32>,
    tpu.vector_store %arg8[%swap3A_21, %swap3A_22], %add3A_19 {strides = array<i32>} : memref<8x128xi32, #tpu.memory_space<vmem>>, vector<16xi32>,
    %add3A_24 = arith.constant 48 : i32
    %add3A_25 = vector.broadcast %add3A_24 : i32 to vector<16xi32>
    %add3A_26 = arith.addi %iota3A, %add3A_25 : vector<16xi32>
    %swap3A_27 = arith.constant 0 : i32
    %swap3A_28 = arith.index_cast %swap3A_27 : i32 to index
    %swap3A_29 = arith.constant 48 : index
    %swap3A_30 = tpu.vector_load %arg8[%swap3A_28, %swap3A_29] {strides = array<i32>} : memref<8x128xi32, #tpu.memory_space<vmem>>, vector<16xi32>,
    tpu.vector_store %arg8[%swap3A_28, %swap3A_29], %add3A_26 {strides = array<i32>} : memref<8x128xi32, #tpu.memory_space<vmem>>, vector<16xi32>,
    %add3A_31 = arith.constant 64 : i32
    %add3A_32 = vector.broadcast %add3A_31 : i32 to vector<16xi32>
    %add3A_33 = arith.addi %iota3A, %add3A_32 : vector<16xi32>
    %swap3A_34 = arith.constant 0 : i32
    %swap3A_35 = arith.index_cast %swap3A_34 : i32 to index
    %swap3A_36 = arith.constant 64 : index
    %swap3A_37 = tpu.vector_load %arg8[%swap3A_35, %swap3A_36] {strides = array<i32>} : memref<8x128xi32, #tpu.memory_space<vmem>>, vector<16xi32>,
    tpu.vector_store %arg8[%swap3A_35, %swap3A_36], %add3A_33 {strides = array<i32>} : memref<8x128xi32, #tpu.memory_space<vmem>>, vector<16xi32>,
    %add3A_38 = arith.constant 80 : i32
    %add3A_39 = vector.broadcast %add3A_38 : i32 to vector<16xi32>
    %add3A_40 = arith.addi %iota3A, %add3A_39 : vector<16xi32>
    %swap3A_41 = arith.constant 0 : i32
    %swap3A_42 = arith.index_cast %swap3A_41 : i32 to index
    %swap3A_43 = arith.constant 80 : index
    %swap3A_44 = tpu.vector_load %arg8[%swap3A_42, %swap3A_43] {strides = array<i32>} : memref<8x128xi32, #tpu.memory_space<vmem>>, vector<16xi32>,
    tpu.vector_store %arg8[%swap3A_42, %swap3A_43], %add3A_40 {strides = array<i32>} : memref<8x128xi32, #tpu.memory_space<vmem>>, vector<16xi32>,
    %add3A_45 = arith.constant 96 : i32
    %add3A_46 = vector.broadcast %add3A_45 : i32 to vector<16xi32>
    %add3A_47 = arith.addi %iota3A, %add3A_46 : vector<16xi32>
    %swap3A_48 = arith.constant 0 : i32
    %swap3A_49 = arith.index_cast %swap3A_48 : i32 to index
    %swap3A_50 = arith.constant 96 : index
    %swap3A_51 = tpu.vector_load %arg8[%swap3A_49, %swap3A_50] {strides = array<i32>} : memref<8x128xi32, #tpu.memory_space<vmem>>, vector<16xi32>,
    tpu.vector_store %arg8[%swap3A_49, %swap3A_50], %add3A_47 {strides = array<i32>} : memref<8x128xi32, #tpu.memory_space<vmem>>, vector<16xi32>,
    %add3A_52 = arith.constant 112 : i32
    %add3A_53 = vector.broadcast %add3A_52 : i32 to vector<16xi32>
    %add3A_54 = arith.addi %iota3A, %add3A_53 : vector<16xi32>
    %swap3A_55 = arith.constant 0 : i32
    %swap3A_56 = arith.index_cast %swap3A_55 : i32 to index
    %swap3A_57 = arith.constant 112 : index
    %swap3A_58 = tpu.vector_load %arg8[%swap3A_56, %swap3A_57] {strides = array<i32>} : memref<8x128xi32, #tpu.memory_space<vmem>>, vector<16xi32>,
    tpu.vector_store %arg8[%swap3A_56, %swap3A_57], %add3A_54 {strides = array<i32>} : memref<8x128xi32, #tpu.memory_space<vmem>>, vector<16xi32>,
    %add3A_59 = arith.constant 128 : i32
    %add3A_60 = vector.broadcast %add3A_59 : i32 to vector<16xi32>
    %add3A_61 = arith.addi %iota3A, %add3A_60 : vector<16xi32>
    %swap3A_62 = arith.constant 1 : i32
    %swap3A_63 = arith.index_cast %swap3A_62 : i32 to index
    %swap3A_64 = arith.constant 0 : index
    %swap3A_65 = tpu.vector_load %arg8[%swap3A_63, %swap3A_64] {strides = array<i32>} : memref<8x128xi32, #tpu.memory_space<vmem>>, vector<16xi32>,
    tpu.vector_store %arg8[%swap3A_63, %swap3A_64], %add3A_61 {strides = array<i32>} : memref<8x128xi32, #tpu.memory_space<vmem>>, vector<16xi32>,
    %add3A_66 = arith.constant 144 : i32
    %add3A_67 = vector.broadcast %add3A_66 : i32 to vector<16xi32>
    %add3A_68 = arith.addi %iota3A, %add3A_67 : vector<16xi32>
    %swap3A_69 = arith.constant 1 : i32
    %swap3A_70 = arith.index_cast %swap3A_69 : i32 to index
    %swap3A_71 = arith.constant 16 : index
    %swap3A_72 = tpu.vector_load %arg8[%swap3A_70, %swap3A_71] {strides = array<i32>} : memref<8x128xi32, #tpu.memory_space<vmem>>, vector<16xi32>,
    tpu.vector_store %arg8[%swap3A_70, %swap3A_71], %add3A_68 {strides = array<i32>} : memref<8x128xi32, #tpu.memory_space<vmem>>, vector<16xi32>,
    %add3A_73 = arith.constant 160 : i32
    %add3A_74 = vector.broadcast %add3A_73 : i32 to vector<16xi32>
    %add3A_75 = arith.addi %iota3A, %add3A_74 : vector<16xi32>
    %swap3A_76 = arith.constant 1 : i32
    %swap3A_77 = arith.index_cast %swap3A_76 : i32 to index
    %swap3A_78 = arith.constant 32 : index
    %swap3A_79 = tpu.vector_load %arg8[%swap3A_77, %swap3A_78] {strides = array<i32>} : memref<8x128xi32, #tpu.memory_space<vmem>>, vector<16xi32>,
    tpu.vector_store %arg8[%swap3A_77, %swap3A_78], %add3A_75 {strides = array<i32>} : memref<8x128xi32, #tpu.memory_space<vmem>>, vector<16xi32>,
    %add3A_80 = arith.constant 176 : i32
    %add3A_81 = vector.broadcast %add3A_80 : i32 to vector<16xi32>
    %add3A_82 = arith.addi %iota3A, %add3A_81 : vector<16xi32>
    %swap3A_83 = arith.constant 1 : i32
    %swap3A_84 = arith.index_cast %swap3A_83 : i32 to index
    %swap3A_85 = arith.constant 48 : index
    %swap3A_86 = tpu.vector_load %arg8[%swap3A_84, %swap3A_85] {strides = array<i32>} : memref<8x128xi32, #tpu.memory_space<vmem>>, vector<16xi32>,
    tpu.vector_store %arg8[%swap3A_84, %swap3A_85], %add3A_82 {strides = array<i32>} : memref<8x128xi32, #tpu.memory_space<vmem>>, vector<16xi32>,
    %add3A_87 = arith.constant 192 : i32
    %add3A_88 = vector.broadcast %add3A_87 : i32 to vector<16xi32>
    %add3A_89 = arith.addi %iota3A, %add3A_88 : vector<16xi32>
    %swap3A_90 = arith.constant 1 : i32
    %swap3A_91 = arith.index_cast %swap3A_90 : i32 to index
    %swap3A_92 = arith.constant 64 : index
    %swap3A_93 = tpu.vector_load %arg8[%swap3A_91, %swap3A_92] {strides = array<i32>} : memref<8x128xi32, #tpu.memory_space<vmem>>, vector<16xi32>,
    tpu.vector_store %arg8[%swap3A_91, %swap3A_92], %add3A_89 {strides = array<i32>} : memref<8x128xi32, #tpu.memory_space<vmem>>, vector<16xi32>,
    %add3A_94 = arith.constant 208 : i32
    %add3A_95 = vector.broadcast %add3A_94 : i32 to vector<16xi32>
    %add3A_96 = arith.addi %iota3A, %add3A_95 : vector<16xi32>
    %swap3A_97 = arith.constant 1 : i32
    %swap3A_98 = arith.index_cast %swap3A_97 : i32 to index
    %swap3A_99 = arith.constant 80 : index
    %swap3A_100 = tpu.vector_load %arg8[%swap3A_98, %swap3A_99] {strides = array<i32>} : memref<8x128xi32, #tpu.memory_space<vmem>>, vector<16xi32>,
    tpu.vector_store %arg8[%swap3A_98, %swap3A_99], %add3A_96 {strides = array<i32>} : memref<8x128xi32, #tpu.memory_space<vmem>>, vector<16xi32>,
    %add3A_101 = arith.constant 224 : i32
    %add3A_102 = vector.broadcast %add3A_101 : i32 to vector<16xi32>
    %add3A_103 = arith.addi %iota3A, %add3A_102 : vector<16xi32>
    %swap3A_104 = arith.constant 1 : i32
    %swap3A_105 = arith.index_cast %swap3A_104 : i32 to index
    %swap3A_106 = arith.constant 96 : index
    %swap3A_107 = tpu.vector_load %arg8[%swap3A_105, %swap3A_106] {strides = array<i32>} : memref<8x128xi32, #tpu.memory_space<vmem>>, vector<16xi32>,
    tpu.vector_store %arg8[%swap3A_105, %swap3A_106], %add3A_103 {strides = array<i32>} : memref<8x128xi32, #tpu.memory_space<vmem>>, vector<16xi32>,
    %add3A_108 = arith.constant 240 : i32
    %add3A_109 = vector.broadcast %add3A_108 : i32 to vector<16xi32>
    %add3A_110 = arith.addi %iota3A, %add3A_109 : vector<16xi32>
    %swap3A_111 = arith.constant 1 : i32
    %swap3A_112 = arith.index_cast %swap3A_111 : i32 to index
    %swap3A_113 = arith.constant 112 : index
    %swap3A_114 = tpu.vector_load %arg8[%swap3A_112, %swap3A_113] {strides = array<i32>} : memref<8x128xi32, #tpu.memory_space<vmem>>, vector<16xi32>,
    tpu.vector_store %arg8[%swap3A_112, %swap3A_113], %add3A_110 {strides = array<i32>} : memref<8x128xi32, #tpu.memory_space<vmem>>, vector<16xi32>,
    %add3A_115 = arith.constant 256 : i32
    %add3A_116 = vector.broadcast %add3A_115 : i32 to vector<16xi32>
    %add3A_117 = arith.addi %iota3A, %add3A_116 : vector<16xi32>
    %swap3A_118 = arith.constant 2 : i32
    %swap3A_119 = arith.index_cast %swap3A_118 : i32 to index
    %swap3A_120 = arith.constant 0 : index
    %swap3A_121 = tpu.vector_load %arg8[%swap3A_119, %swap3A_120] {strides = array<i32>} : memref<8x128xi32, #tpu.memory_space<vmem>>, vector<16xi32>,
    tpu.vector_store %arg8[%swap3A_119, %swap3A_120], %add3A_117 {strides = array<i32>} : memref<8x128xi32, #tpu.memory_space<vmem>>, vector<16xi32>,
    %add3A_122 = arith.constant 272 : i32
    %add3A_123 = vector.broadcast %add3A_122 : i32 to vector<16xi32>
    %add3A_124 = arith.addi %iota3A, %add3A_123 : vector<16xi32>
    %swap3A_125 = arith.constant 2 : i32
    %swap3A_126 = arith.index_cast %swap3A_125 : i32 to index
    %swap3A_127 = arith.constant 16 : index
    %swap3A_128 = tpu.vector_load %arg8[%swap3A_126, %swap3A_127] {strides = array<i32>} : memref<8x128xi32, #tpu.memory_space<vmem>>, vector<16xi32>,
    tpu.vector_store %arg8[%swap3A_126, %swap3A_127], %add3A_124 {strides = array<i32>} : memref<8x128xi32, #tpu.memory_space<vmem>>, vector<16xi32>,
    %add3A_129 = arith.constant 288 : i32
    %add3A_130 = vector.broadcast %add3A_129 : i32 to vector<16xi32>
    %add3A_131 = arith.addi %iota3A, %add3A_130 : vector<16xi32>
    %swap3A_132 = arith.constant 2 : i32
    %swap3A_133 = arith.index_cast %swap3A_132 : i32 to index
    %swap3A_134 = arith.constant 32 : index
    %swap3A_135 = tpu.vector_load %arg8[%swap3A_133, %swap3A_134] {strides = array<i32>} : memref<8x128xi32, #tpu.memory_space<vmem>>, vector<16xi32>,
    tpu.vector_store %arg8[%swap3A_133, %swap3A_134], %add3A_131 {strides = array<i32>} : memref<8x128xi32, #tpu.memory_space<vmem>>, vector<16xi32>,
    %add3A_136 = arith.constant 304 : i32
    %add3A_137 = vector.broadcast %add3A_136 : i32 to vector<16xi32>
    %add3A_138 = arith.addi %iota3A, %add3A_137 : vector<16xi32>
    %swap3A_139 = arith.constant 2 : i32
    %swap3A_140 = arith.index_cast %swap3A_139 : i32 to index
    %swap3A_141 = arith.constant 48 : index
    %swap3A_142 = tpu.vector_load %arg8[%swap3A_140, %swap3A_141] {strides = array<i32>} : memref<8x128xi32, #tpu.memory_space<vmem>>, vector<16xi32>,
    tpu.vector_store %arg8[%swap3A_140, %swap3A_141], %add3A_138 {strides = array<i32>} : memref<8x128xi32, #tpu.memory_space<vmem>>, vector<16xi32>,
    %add3A_143 = arith.constant 320 : i32
    %add3A_144 = vector.broadcast %add3A_143 : i32 to vector<16xi32>
    %add3A_145 = arith.addi %iota3A, %add3A_144 : vector<16xi32>
    %swap3A_146 = arith.constant 2 : i32
    %swap3A_147 = arith.index_cast %swap3A_146 : i32 to index
    %swap3A_148 = arith.constant 64 : index
    %swap3A_149 = tpu.vector_load %arg8[%swap3A_147, %swap3A_148] {strides = array<i32>} : memref<8x128xi32, #tpu.memory_space<vmem>>, vector<16xi32>,
    tpu.vector_store %arg8[%swap3A_147, %swap3A_148], %add3A_145 {strides = array<i32>} : memref<8x128xi32, #tpu.memory_space<vmem>>, vector<16xi32>,
    %add3A_150 = arith.constant 336 : i32
    %add3A_151 = vector.broadcast %add3A_150 : i32 to vector<16xi32>
    %add3A_152 = arith.addi %iota3A, %add3A_151 : vector<16xi32>
    %swap3A_153 = arith.constant 2 : i32
    %swap3A_154 = arith.index_cast %swap3A_153 : i32 to index
    %swap3A_155 = arith.constant 80 : index
    %swap3A_156 = tpu.vector_load %arg8[%swap3A_154, %swap3A_155] {strides = array<i32>} : memref<8x128xi32, #tpu.memory_space<vmem>>, vector<16xi32>,
    tpu.vector_store %arg8[%swap3A_154, %swap3A_155], %add3A_152 {strides = array<i32>} : memref<8x128xi32, #tpu.memory_space<vmem>>, vector<16xi32>,
    %add3A_157 = arith.constant 352 : i32
    %add3A_158 = vector.broadcast %add3A_157 : i32 to vector<16xi32>
    %add3A_159 = arith.addi %iota3A, %add3A_158 : vector<16xi32>
    %swap3A_160 = arith.constant 2 : i32
    %swap3A_161 = arith.index_cast %swap3A_160 : i32 to index
    %swap3A_162 = arith.constant 96 : index
    %swap3A_163 = tpu.vector_load %arg8[%swap3A_161, %swap3A_162] {strides = array<i32>} : memref<8x128xi32, #tpu.memory_space<vmem>>, vector<16xi32>,
    tpu.vector_store %arg8[%swap3A_161, %swap3A_162], %add3A_159 {strides = array<i32>} : memref<8x128xi32, #tpu.memory_space<vmem>>, vector<16xi32>,
    %add3A_164 = arith.constant 368 : i32
    %add3A_165 = vector.broadcast %add3A_164 : i32 to vector<16xi32>
    %add3A_166 = arith.addi %iota3A, %add3A_165 : vector<16xi32>
    %swap3A_167 = arith.constant 2 : i32
    %swap3A_168 = arith.index_cast %swap3A_167 : i32 to index
    %swap3A_169 = arith.constant 112 : index
    %swap3A_170 = tpu.vector_load %arg8[%swap3A_168, %swap3A_169] {strides = array<i32>} : memref<8x128xi32, #tpu.memory_space<vmem>>, vector<16xi32>,
    tpu.vector_store %arg8[%swap3A_168, %swap3A_169], %add3A_166 {strides = array<i32>} : memref<8x128xi32, #tpu.memory_space<vmem>>, vector<16xi32>,
    %add3A_171 = arith.constant 384 : i32
    %add3A_172 = vector.broadcast %add3A_171 : i32 to vector<16xi32>
    %add3A_173 = arith.addi %iota3A, %add3A_172 : vector<16xi32>
    %swap3A_174 = arith.constant 3 : i32
    %swap3A_175 = arith.index_cast %swap3A_174 : i32 to index
    %swap3A_176 = arith.constant 0 : index
    %swap3A_177 = tpu.vector_load %arg8[%swap3A_175, %swap3A_176] {strides = array<i32>} : memref<8x128xi32, #tpu.memory_space<vmem>>, vector<16xi32>,
    tpu.vector_store %arg8[%swap3A_175, %swap3A_176], %add3A_173 {strides = array<i32>} : memref<8x128xi32, #tpu.memory_space<vmem>>, vector<16xi32>,
    %add3A_178 = arith.constant 400 : i32
    %add3A_179 = vector.broadcast %add3A_178 : i32 to vector<16xi32>
    %add3A_180 = arith.addi %iota3A, %add3A_179 : vector<16xi32>
    %swap3A_181 = arith.constant 3 : i32
    %swap3A_182 = arith.index_cast %swap3A_181 : i32 to index
    %swap3A_183 = arith.constant 16 : index
    %swap3A_184 = tpu.vector_load %arg8[%swap3A_182, %swap3A_183] {strides = array<i32>} : memref<8x128xi32, #tpu.memory_space<vmem>>, vector<16xi32>,
    tpu.vector_store %arg8[%swap3A_182, %swap3A_183], %add3A_180 {strides = array<i32>} : memref<8x128xi32, #tpu.memory_space<vmem>>, vector<16xi32>,
    %add3A_185 = arith.constant 416 : i32
    %add3A_186 = vector.broadcast %add3A_185 : i32 to vector<16xi32>
    %add3A_187 = arith.addi %iota3A, %add3A_186 : vector<16xi32>
    %swap3A_188 = arith.constant 3 : i32
    %swap3A_189 = arith.index_cast %swap3A_188 : i32 to index
    %swap3A_190 = arith.constant 32 : index
    %swap3A_191 = tpu.vector_load %arg8[%swap3A_189, %swap3A_190] {strides = array<i32>} : memref<8x128xi32, #tpu.memory_space<vmem>>, vector<16xi32>,
    tpu.vector_store %arg8[%swap3A_189, %swap3A_190], %add3A_187 {strides = array<i32>} : memref<8x128xi32, #tpu.memory_space<vmem>>, vector<16xi32>,
    %add3A_192 = arith.constant 432 : i32
    %add3A_193 = vector.broadcast %add3A_192 : i32 to vector<16xi32>
    %add3A_194 = arith.addi %iota3A, %add3A_193 : vector<16xi32>
    %swap3A_195 = arith.constant 3 : i32
    %swap3A_196 = arith.index_cast %swap3A_195 : i32 to index
    %swap3A_197 = arith.constant 48 : index
    %swap3A_198 = tpu.vector_load %arg8[%swap3A_196, %swap3A_197] {strides = array<i32>} : memref<8x128xi32, #tpu.memory_space<vmem>>, vector<16xi32>,
    tpu.vector_store %arg8[%swap3A_196, %swap3A_197], %add3A_194 {strides = array<i32>} : memref<8x128xi32, #tpu.memory_space<vmem>>, vector<16xi32>,
    %add3A_199 = arith.constant 448 : i32
    %add3A_200 = vector.broadcast %add3A_199 : i32 to vector<16xi32>
    %add3A_201 = arith.addi %iota3A, %add3A_200 : vector<16xi32>
    %swap3A_202 = arith.constant 3 : i32
    %swap3A_203 = arith.index_cast %swap3A_202 : i32 to index
    %swap3A_204 = arith.constant 64 : index
    %swap3A_205 = tpu.vector_load %arg8[%swap3A_203, %swap3A_204] {strides = array<i32>} : memref<8x128xi32, #tpu.memory_space<vmem>>, vector<16xi32>,
    tpu.vector_store %arg8[%swap3A_203, %swap3A_204], %add3A_201 {strides = array<i32>} : memref<8x128xi32, #tpu.memory_space<vmem>>, vector<16xi32>,
    %add3A_206 = arith.constant 464 : i32
    %add3A_207 = vector.broadcast %add3A_206 : i32 to vector<16xi32>
    %add3A_208 = arith.addi %iota3A, %add3A_207 : vector<16xi32>
    %swap3A_209 = arith.constant 3 : i32
    %swap3A_210 = arith.index_cast %swap3A_209 : i32 to index
    %swap3A_211 = arith.constant 80 : index
    %swap3A_212 = tpu.vector_load %arg8[%swap3A_210, %swap3A_211] {strides = array<i32>} : memref<8x128xi32, #tpu.memory_space<vmem>>, vector<16xi32>,
    tpu.vector_store %arg8[%swap3A_210, %swap3A_211], %add3A_208 {strides = array<i32>} : memref<8x128xi32, #tpu.memory_space<vmem>>, vector<16xi32>,
    %add3A_213 = arith.constant 480 : i32
    %add3A_214 = vector.broadcast %add3A_213 : i32 to vector<16xi32>
    %add3A_215 = arith.addi %iota3A, %add3A_214 : vector<16xi32>
    %swap3A_216 = arith.constant 3 : i32
    %swap3A_217 = arith.index_cast %swap3A_216 : i32 to index
    %swap3A_218 = arith.constant 96 : index
    %swap3A_219 = tpu.vector_load %arg8[%swap3A_217, %swap3A_218] {strides = array<i32>} : memref<8x128xi32, #tpu.memory_space<vmem>>, vector<16xi32>,
    tpu.vector_store %arg8[%swap3A_217, %swap3A_218], %add3A_215 {strides = array<i32>} : memref<8x128xi32, #tpu.memory_space<vmem>>, vector<16xi32>,
    %add3A_220 = arith.constant 496 : i32
    %add3A_221 = vector.broadcast %add3A_220 : i32 to vector<16xi32>
    %add3A_222 = arith.addi %iota3A, %add3A_221 : vector<16xi32>
    %swap3A_223 = arith.constant 3 : i32
    %swap3A_224 = arith.index_cast %swap3A_223 : i32 to index
    %swap3A_225 = arith.constant 112 : index
    %swap3A_226 = tpu.vector_load %arg8[%swap3A_224, %swap3A_225] {strides = array<i32>} : memref<8x128xi32, #tpu.memory_space<vmem>>, vector<16xi32>,
    tpu.vector_store %arg8[%swap3A_224, %swap3A_225], %add3A_222 {strides = array<i32>} : memref<8x128xi32, #tpu.memory_space<vmem>>, vector<16xi32>,
    %add3A_227 = arith.constant 512 : i32
    %add3A_228 = vector.broadcast %add3A_227 : i32 to vector<16xi32>
    %add3A_229 = arith.addi %iota3A, %add3A_228 : vector<16xi32>
    %swap3A_230 = arith.constant 4 : i32
    %swap3A_231 = arith.index_cast %swap3A_230 : i32 to index
    %swap3A_232 = arith.constant 0 : index
    %swap3A_233 = tpu.vector_load %arg8[%swap3A_231, %swap3A_232] {strides = array<i32>} : memref<8x128xi32, #tpu.memory_space<vmem>>, vector<16xi32>,
    tpu.vector_store %arg8[%swap3A_231, %swap3A_232], %add3A_229 {strides = array<i32>} : memref<8x128xi32, #tpu.memory_space<vmem>>, vector<16xi32>,
    %add3A_234 = arith.constant 528 : i32
    %add3A_235 = vector.broadcast %add3A_234 : i32 to vector<16xi32>
    %add3A_236 = arith.addi %iota3A, %add3A_235 : vector<16xi32>
    %swap3A_237 = arith.constant 4 : i32
    %swap3A_238 = arith.index_cast %swap3A_237 : i32 to index
    %swap3A_239 = arith.constant 16 : index
    %swap3A_240 = tpu.vector_load %arg8[%swap3A_238, %swap3A_239] {strides = array<i32>} : memref<8x128xi32, #tpu.memory_space<vmem>>, vector<16xi32>,
    tpu.vector_store %arg8[%swap3A_238, %swap3A_239], %add3A_236 {strides = array<i32>} : memref<8x128xi32, #tpu.memory_space<vmem>>, vector<16xi32>,
    %add3A_241 = arith.constant 544 : i32
    %add3A_242 = vector.broadcast %add3A_241 : i32 to vector<16xi32>
    %add3A_243 = arith.addi %iota3A, %add3A_242 : vector<16xi32>
    %swap3A_244 = arith.constant 4 : i32
    %swap3A_245 = arith.index_cast %swap3A_244 : i32 to index
    %swap3A_246 = arith.constant 32 : index
    %swap3A_247 = tpu.vector_load %arg8[%swap3A_245, %swap3A_246] {strides = array<i32>} : memref<8x128xi32, #tpu.memory_space<vmem>>, vector<16xi32>,
    tpu.vector_store %arg8[%swap3A_245, %swap3A_246], %add3A_243 {strides = array<i32>} : memref<8x128xi32, #tpu.memory_space<vmem>>, vector<16xi32>,
    %add3A_248 = arith.constant 560 : i32
    %add3A_249 = vector.broadcast %add3A_248 : i32 to vector<16xi32>
    %add3A_250 = arith.addi %iota3A, %add3A_249 : vector<16xi32>
    %swap3A_251 = arith.constant 4 : i32
    %swap3A_252 = arith.index_cast %swap3A_251 : i32 to index
    %swap3A_253 = arith.constant 48 : index
    %swap3A_254 = tpu.vector_load %arg8[%swap3A_252, %swap3A_253] {strides = array<i32>} : memref<8x128xi32, #tpu.memory_space<vmem>>, vector<16xi32>,
    tpu.vector_store %arg8[%swap3A_252, %swap3A_253], %add3A_250 {strides = array<i32>} : memref<8x128xi32, #tpu.memory_space<vmem>>, vector<16xi32>,
    %add3A_255 = arith.constant 576 : i32
    %add3A_256 = vector.broadcast %add3A_255 : i32 to vector<16xi32>
    %add3A_257 = arith.addi %iota3A, %add3A_256 : vector<16xi32>
    %swap3A_258 = arith.constant 4 : i32
    %swap3A_259 = arith.index_cast %swap3A_258 : i32 to index
    %swap3A_260 = arith.constant 64 : index
    %swap3A_261 = tpu.vector_load %arg8[%swap3A_259, %swap3A_260] {strides = array<i32>} : memref<8x128xi32, #tpu.memory_space<vmem>>, vector<16xi32>,
    tpu.vector_store %arg8[%swap3A_259, %swap3A_260], %add3A_257 {strides = array<i32>} : memref<8x128xi32, #tpu.memory_space<vmem>>, vector<16xi32>,
    %add3A_262 = arith.constant 592 : i32
    %add3A_263 = vector.broadcast %add3A_262 : i32 to vector<16xi32>
    %add3A_264 = arith.addi %iota3A, %add3A_263 : vector<16xi32>
    %swap3A_265 = arith.constant 4 : i32
    %swap3A_266 = arith.index_cast %swap3A_265 : i32 to index
    %swap3A_267 = arith.constant 80 : index
    %swap3A_268 = tpu.vector_load %arg8[%swap3A_266, %swap3A_267] {strides = array<i32>} : memref<8x128xi32, #tpu.memory_space<vmem>>, vector<16xi32>,
    tpu.vector_store %arg8[%swap3A_266, %swap3A_267], %add3A_264 {strides = array<i32>} : memref<8x128xi32, #tpu.memory_space<vmem>>, vector<16xi32>,
    %add3A_269 = arith.constant 608 : i32
    %add3A_270 = vector.broadcast %add3A_269 : i32 to vector<16xi32>
    %add3A_271 = arith.addi %iota3A, %add3A_270 : vector<16xi32>
    %swap3A_272 = arith.constant 4 : i32
    %swap3A_273 = arith.index_cast %swap3A_272 : i32 to index
    %swap3A_274 = arith.constant 96 : index
    %swap3A_275 = tpu.vector_load %arg8[%swap3A_273, %swap3A_274] {strides = array<i32>} : memref<8x128xi32, #tpu.memory_space<vmem>>, vector<16xi32>,
    tpu.vector_store %arg8[%swap3A_273, %swap3A_274], %add3A_271 {strides = array<i32>} : memref<8x128xi32, #tpu.memory_space<vmem>>, vector<16xi32>,
    %add3A_276 = arith.constant 624 : i32
    %add3A_277 = vector.broadcast %add3A_276 : i32 to vector<16xi32>
    %add3A_278 = arith.addi %iota3A, %add3A_277 : vector<16xi32>
    %swap3A_279 = arith.constant 4 : i32
    %swap3A_280 = arith.index_cast %swap3A_279 : i32 to index
    %swap3A_281 = arith.constant 112 : index
    %swap3A_282 = tpu.vector_load %arg8[%swap3A_280, %swap3A_281] {strides = array<i32>} : memref<8x128xi32, #tpu.memory_space<vmem>>, vector<16xi32>,
    tpu.vector_store %arg8[%swap3A_280, %swap3A_281], %add3A_278 {strides = array<i32>} : memref<8x128xi32, #tpu.memory_space<vmem>>, vector<16xi32>,
    %add3A_283 = arith.constant 640 : i32
    %add3A_284 = vector.broadcast %add3A_283 : i32 to vector<16xi32>
    %add3A_285 = arith.addi %iota3A, %add3A_284 : vector<16xi32>
    %swap3A_286 = arith.constant 5 : i32
    %swap3A_287 = arith.index_cast %swap3A_286 : i32 to index
    %swap3A_288 = arith.constant 0 : index
    %swap3A_289 = tpu.vector_load %arg8[%swap3A_287, %swap3A_288] {strides = array<i32>} : memref<8x128xi32, #tpu.memory_space<vmem>>, vector<16xi32>,
    tpu.vector_store %arg8[%swap3A_287, %swap3A_288], %add3A_285 {strides = array<i32>} : memref<8x128xi32, #tpu.memory_space<vmem>>, vector<16xi32>,
    %add3A_290 = arith.constant 656 : i32
    %add3A_291 = vector.broadcast %add3A_290 : i32 to vector<16xi32>
    %add3A_292 = arith.addi %iota3A, %add3A_291 : vector<16xi32>
    %swap3A_293 = arith.constant 5 : i32
    %swap3A_294 = arith.index_cast %swap3A_293 : i32 to index
    %swap3A_295 = arith.constant 16 : index
    %swap3A_296 = tpu.vector_load %arg8[%swap3A_294, %swap3A_295] {strides = array<i32>} : memref<8x128xi32, #tpu.memory_space<vmem>>, vector<16xi32>,
    tpu.vector_store %arg8[%swap3A_294, %swap3A_295], %add3A_292 {strides = array<i32>} : memref<8x128xi32, #tpu.memory_space<vmem>>, vector<16xi32>,
    %add3A_297 = arith.constant 672 : i32
    %add3A_298 = vector.broadcast %add3A_297 : i32 to vector<16xi32>
    %add3A_299 = arith.addi %iota3A, %add3A_298 : vector<16xi32>
    %swap3A_300 = arith.constant 5 : i32
    %swap3A_301 = arith.index_cast %swap3A_300 : i32 to index
    %swap3A_302 = arith.constant 32 : index
    %swap3A_303 = tpu.vector_load %arg8[%swap3A_301, %swap3A_302] {strides = array<i32>} : memref<8x128xi32, #tpu.memory_space<vmem>>, vector<16xi32>,
    tpu.vector_store %arg8[%swap3A_301, %swap3A_302], %add3A_299 {strides = array<i32>} : memref<8x128xi32, #tpu.memory_space<vmem>>, vector<16xi32>,
    %add3A_304 = arith.constant 688 : i32
    %add3A_305 = vector.broadcast %add3A_304 : i32 to vector<16xi32>
    %add3A_306 = arith.addi %iota3A, %add3A_305 : vector<16xi32>
    %swap3A_307 = arith.constant 5 : i32
    %swap3A_308 = arith.index_cast %swap3A_307 : i32 to index
    %swap3A_309 = arith.constant 48 : index
    %swap3A_310 = tpu.vector_load %arg8[%swap3A_308, %swap3A_309] {strides = array<i32>} : memref<8x128xi32, #tpu.memory_space<vmem>>, vector<16xi32>,
    tpu.vector_store %arg8[%swap3A_308, %swap3A_309], %add3A_306 {strides = array<i32>} : memref<8x128xi32, #tpu.memory_space<vmem>>, vector<16xi32>,
    %add3A_311 = arith.constant 704 : i32
    %add3A_312 = vector.broadcast %add3A_311 : i32 to vector<16xi32>
    %add3A_313 = arith.addi %iota3A, %add3A_312 : vector<16xi32>
    %swap3A_314 = arith.constant 5 : i32
    %swap3A_315 = arith.index_cast %swap3A_314 : i32 to index
    %swap3A_316 = arith.constant 64 : index
    %swap3A_317 = tpu.vector_load %arg8[%swap3A_315, %swap3A_316] {strides = array<i32>} : memref<8x128xi32, #tpu.memory_space<vmem>>, vector<16xi32>,
    tpu.vector_store %arg8[%swap3A_315, %swap3A_316], %add3A_313 {strides = array<i32>} : memref<8x128xi32, #tpu.memory_space<vmem>>, vector<16xi32>,
    %add3A_318 = arith.constant 720 : i32
    %add3A_319 = vector.broadcast %add3A_318 : i32 to vector<16xi32>
    %add3A_320 = arith.addi %iota3A, %add3A_319 : vector<16xi32>
    %swap3A_321 = arith.constant 5 : i32
    %swap3A_322 = arith.index_cast %swap3A_321 : i32 to index
    %swap3A_323 = arith.constant 80 : index
    %swap3A_324 = tpu.vector_load %arg8[%swap3A_322, %swap3A_323] {strides = array<i32>} : memref<8x128xi32, #tpu.memory_space<vmem>>, vector<16xi32>,
    tpu.vector_store %arg8[%swap3A_322, %swap3A_323], %add3A_320 {strides = array<i32>} : memref<8x128xi32, #tpu.memory_space<vmem>>, vector<16xi32>,
    %add3A_325 = arith.constant 736 : i32
    %add3A_326 = vector.broadcast %add3A_325 : i32 to vector<16xi32>
    %add3A_327 = arith.addi %iota3A, %add3A_326 : vector<16xi32>
    %swap3A_328 = arith.constant 5 : i32
    %swap3A_329 = arith.index_cast %swap3A_328 : i32 to index
    %swap3A_330 = arith.constant 96 : index
    %swap3A_331 = tpu.vector_load %arg8[%swap3A_329, %swap3A_330] {strides = array<i32>} : memref<8x128xi32, #tpu.memory_space<vmem>>, vector<16xi32>,
    tpu.vector_store %arg8[%swap3A_329, %swap3A_330], %add3A_327 {strides = array<i32>} : memref<8x128xi32, #tpu.memory_space<vmem>>, vector<16xi32>,
    %add3A_332 = arith.constant 752 : i32
    %add3A_333 = vector.broadcast %add3A_332 : i32 to vector<16xi32>
    %add3A_334 = arith.addi %iota3A, %add3A_333 : vector<16xi32>
    %swap3A_335 = arith.constant 5 : i32
    %swap3A_336 = arith.index_cast %swap3A_335 : i32 to index
    %swap3A_337 = arith.constant 112 : index
    %swap3A_338 = tpu.vector_load %arg8[%swap3A_336, %swap3A_337] {strides = array<i32>} : memref<8x128xi32, #tpu.memory_space<vmem>>, vector<16xi32>,
    tpu.vector_store %arg8[%swap3A_336, %swap3A_337], %add3A_334 {strides = array<i32>} : memref<8x128xi32, #tpu.memory_space<vmem>>, vector<16xi32>,
    %add3A_339 = arith.constant 768 : i32
    %add3A_340 = vector.broadcast %add3A_339 : i32 to vector<16xi32>
    %add3A_341 = arith.addi %iota3A, %add3A_340 : vector<16xi32>
    %swap3A_342 = arith.constant 6 : i32
    %swap3A_343 = arith.index_cast %swap3A_342 : i32 to index
    %swap3A_344 = arith.constant 0 : index
    %swap3A_345 = tpu.vector_load %arg8[%swap3A_343, %swap3A_344] {strides = array<i32>} : memref<8x128xi32, #tpu.memory_space<vmem>>, vector<16xi32>,
    tpu.vector_store %arg8[%swap3A_343, %swap3A_344], %add3A_341 {strides = array<i32>} : memref<8x128xi32, #tpu.memory_space<vmem>>, vector<16xi32>,
    %add3A_346 = arith.constant 784 : i32
    %add3A_347 = vector.broadcast %add3A_346 : i32 to vector<16xi32>
    %add3A_348 = arith.addi %iota3A, %add3A_347 : vector<16xi32>
    %swap3A_349 = arith.constant 6 : i32
    %swap3A_350 = arith.index_cast %swap3A_349 : i32 to index
    %swap3A_351 = arith.constant 16 : index
    %swap3A_352 = tpu.vector_load %arg8[%swap3A_350, %swap3A_351] {strides = array<i32>} : memref<8x128xi32, #tpu.memory_space<vmem>>, vector<16xi32>,
    tpu.vector_store %arg8[%swap3A_350, %swap3A_351], %add3A_348 {strides = array<i32>} : memref<8x128xi32, #tpu.memory_space<vmem>>, vector<16xi32>,
    %add3A_353 = arith.constant 800 : i32
    %add3A_354 = vector.broadcast %add3A_353 : i32 to vector<16xi32>
    %add3A_355 = arith.addi %iota3A, %add3A_354 : vector<16xi32>
    %swap3A_356 = arith.constant 6 : i32
    %swap3A_357 = arith.index_cast %swap3A_356 : i32 to index
    %swap3A_358 = arith.constant 32 : index
    %swap3A_359 = tpu.vector_load %arg8[%swap3A_357, %swap3A_358] {strides = array<i32>} : memref<8x128xi32, #tpu.memory_space<vmem>>, vector<16xi32>,
    tpu.vector_store %arg8[%swap3A_357, %swap3A_358], %add3A_355 {strides = array<i32>} : memref<8x128xi32, #tpu.memory_space<vmem>>, vector<16xi32>,
    %add3A_360 = arith.constant 816 : i32
    %add3A_361 = vector.broadcast %add3A_360 : i32 to vector<16xi32>
    %add3A_362 = arith.addi %iota3A, %add3A_361 : vector<16xi32>
    %swap3A_363 = arith.constant 6 : i32
    %swap3A_364 = arith.index_cast %swap3A_363 : i32 to index
    %swap3A_365 = arith.constant 48 : index
    %swap3A_366 = tpu.vector_load %arg8[%swap3A_364, %swap3A_365] {strides = array<i32>} : memref<8x128xi32, #tpu.memory_space<vmem>>, vector<16xi32>,
    tpu.vector_store %arg8[%swap3A_364, %swap3A_365], %add3A_362 {strides = array<i32>} : memref<8x128xi32, #tpu.memory_space<vmem>>, vector<16xi32>,
    %add3A_367 = arith.constant 832 : i32
    %add3A_368 = vector.broadcast %add3A_367 : i32 to vector<16xi32>
    %add3A_369 = arith.addi %iota3A, %add3A_368 : vector<16xi32>
    %swap3A_370 = arith.constant 6 : i32
    %swap3A_371 = arith.index_cast %swap3A_370 : i32 to index
    %swap3A_372 = arith.constant 64 : index
    %swap3A_373 = tpu.vector_load %arg8[%swap3A_371, %swap3A_372] {strides = array<i32>} : memref<8x128xi32, #tpu.memory_space<vmem>>, vector<16xi32>,
    tpu.vector_store %arg8[%swap3A_371, %swap3A_372], %add3A_369 {strides = array<i32>} : memref<8x128xi32, #tpu.memory_space<vmem>>, vector<16xi32>,
    %add3A_374 = arith.constant 848 : i32
    %add3A_375 = vector.broadcast %add3A_374 : i32 to vector<16xi32>
    %add3A_376 = arith.addi %iota3A, %add3A_375 : vector<16xi32>
    %swap3A_377 = arith.constant 6 : i32
    %swap3A_378 = arith.index_cast %swap3A_377 : i32 to index
    %swap3A_379 = arith.constant 80 : index
    %swap3A_380 = tpu.vector_load %arg8[%swap3A_378, %swap3A_379] {strides = array<i32>} : memref<8x128xi32, #tpu.memory_space<vmem>>, vector<16xi32>,
    tpu.vector_store %arg8[%swap3A_378, %swap3A_379], %add3A_376 {strides = array<i32>} : memref<8x128xi32, #tpu.memory_space<vmem>>, vector<16xi32>,
    %add3A_381 = arith.constant 864 : i32
    %add3A_382 = vector.broadcast %add3A_381 : i32 to vector<16xi32>
    %add3A_383 = arith.addi %iota3A, %add3A_382 : vector<16xi32>
    %swap3A_384 = arith.constant 6 : i32
    %swap3A_385 = arith.index_cast %swap3A_384 : i32 to index
    %swap3A_386 = arith.constant 96 : index
    %swap3A_387 = tpu.vector_load %arg8[%swap3A_385, %swap3A_386] {strides = array<i32>} : memref<8x128xi32, #tpu.memory_space<vmem>>, vector<16xi32>,
    tpu.vector_store %arg8[%swap3A_385, %swap3A_386], %add3A_383 {strides = array<i32>} : memref<8x128xi32, #tpu.memory_space<vmem>>, vector<16xi32>,
    %add3A_388 = arith.constant 880 : i32
    %add3A_389 = vector.broadcast %add3A_388 : i32 to vector<16xi32>
    %add3A_390 = arith.addi %iota3A, %add3A_389 : vector<16xi32>
    %swap3A_391 = arith.constant 6 : i32
    %swap3A_392 = arith.index_cast %swap3A_391 : i32 to index
    %swap3A_393 = arith.constant 112 : index
    %swap3A_394 = tpu.vector_load %arg8[%swap3A_392, %swap3A_393] {strides = array<i32>} : memref<8x128xi32, #tpu.memory_space<vmem>>, vector<16xi32>,
    tpu.vector_store %arg8[%swap3A_392, %swap3A_393], %add3A_390 {strides = array<i32>} : memref<8x128xi32, #tpu.memory_space<vmem>>, vector<16xi32>,
    %add3A_395 = arith.constant 896 : i32
    %add3A_396 = vector.broadcast %add3A_395 : i32 to vector<16xi32>
    %add3A_397 = arith.addi %iota3A, %add3A_396 : vector<16xi32>
    %swap3A_398 = arith.constant 7 : i32
    %swap3A_399 = arith.index_cast %swap3A_398 : i32 to index
    %swap3A_400 = arith.constant 0 : index
    %swap3A_401 = tpu.vector_load %arg8[%swap3A_399, %swap3A_400] {strides = array<i32>} : memref<8x128xi32, #tpu.memory_space<vmem>>, vector<16xi32>,
    tpu.vector_store %arg8[%swap3A_399, %swap3A_400], %add3A_397 {strides = array<i32>} : memref<8x128xi32, #tpu.memory_space<vmem>>, vector<16xi32>,
    %add3A_402 = arith.constant 912 : i32
    %add3A_403 = vector.broadcast %add3A_402 : i32 to vector<16xi32>
    %add3A_404 = arith.addi %iota3A, %add3A_403 : vector<16xi32>
    %swap3A_405 = arith.constant 7 : i32
    %swap3A_406 = arith.index_cast %swap3A_405 : i32 to index
    %swap3A_407 = arith.constant 16 : index
    %swap3A_408 = tpu.vector_load %arg8[%swap3A_406, %swap3A_407] {strides = array<i32>} : memref<8x128xi32, #tpu.memory_space<vmem>>, vector<16xi32>,
    tpu.vector_store %arg8[%swap3A_406, %swap3A_407], %add3A_404 {strides = array<i32>} : memref<8x128xi32, #tpu.memory_space<vmem>>, vector<16xi32>,
    %add3A_409 = arith.constant 928 : i32
    %add3A_410 = vector.broadcast %add3A_409 : i32 to vector<16xi32>
    %add3A_411 = arith.addi %iota3A, %add3A_410 : vector<16xi32>
    %swap3A_412 = arith.constant 7 : i32
    %swap3A_413 = arith.index_cast %swap3A_412 : i32 to index
    %swap3A_414 = arith.constant 32 : index
    %swap3A_415 = tpu.vector_load %arg8[%swap3A_413, %swap3A_414] {strides = array<i32>} : memref<8x128xi32, #tpu.memory_space<vmem>>, vector<16xi32>,
    tpu.vector_store %arg8[%swap3A_413, %swap3A_414], %add3A_411 {strides = array<i32>} : memref<8x128xi32, #tpu.memory_space<vmem>>, vector<16xi32>,
    %add3A_416 = arith.constant 944 : i32
    %add3A_417 = vector.broadcast %add3A_416 : i32 to vector<16xi32>
    %add3A_418 = arith.addi %iota3A, %add3A_417 : vector<16xi32>
    %swap3A_419 = arith.constant 7 : i32
    %swap3A_420 = arith.index_cast %swap3A_419 : i32 to index
    %swap3A_421 = arith.constant 48 : index
    %swap3A_422 = tpu.vector_load %arg8[%swap3A_420, %swap3A_421] {strides = array<i32>} : memref<8x128xi32, #tpu.memory_space<vmem>>, vector<16xi32>,
    tpu.vector_store %arg8[%swap3A_420, %swap3A_421], %add3A_418 {strides = array<i32>} : memref<8x128xi32, #tpu.memory_space<vmem>>, vector<16xi32>,
    %add3A_423 = arith.constant 960 : i32
    %add3A_424 = vector.broadcast %add3A_423 : i32 to vector<16xi32>
    %add3A_425 = arith.addi %iota3A, %add3A_424 : vector<16xi32>
    %swap3A_426 = arith.constant 7 : i32
    %swap3A_427 = arith.index_cast %swap3A_426 : i32 to index
    %swap3A_428 = arith.constant 64 : index
    %swap3A_429 = tpu.vector_load %arg8[%swap3A_427, %swap3A_428] {strides = array<i32>} : memref<8x128xi32, #tpu.memory_space<vmem>>, vector<16xi32>,
    tpu.vector_store %arg8[%swap3A_427, %swap3A_428], %add3A_425 {strides = array<i32>} : memref<8x128xi32, #tpu.memory_space<vmem>>, vector<16xi32>,
    %add3A_430 = arith.constant 976 : i32
    %add3A_431 = vector.broadcast %add3A_430 : i32 to vector<16xi32>
    %add3A_432 = arith.addi %iota3A, %add3A_431 : vector<16xi32>
    %swap3A_433 = arith.constant 7 : i32
    %swap3A_434 = arith.index_cast %swap3A_433 : i32 to index
    %swap3A_435 = arith.constant 80 : index
    %swap3A_436 = tpu.vector_load %arg8[%swap3A_434, %swap3A_435] {strides = array<i32>} : memref<8x128xi32, #tpu.memory_space<vmem>>, vector<16xi32>,
    tpu.vector_store %arg8[%swap3A_434, %swap3A_435], %add3A_432 {strides = array<i32>} : memref<8x128xi32, #tpu.memory_space<vmem>>, vector<16xi32>,
    %add3A_437 = arith.constant 992 : i32
    %add3A_438 = vector.broadcast %add3A_437 : i32 to vector<16xi32>
    %add3A_439 = arith.addi %iota3A, %add3A_438 : vector<16xi32>
    %swap3A_440 = arith.constant 7 : i32
    %swap3A_441 = arith.index_cast %swap3A_440 : i32 to index
    %swap3A_442 = arith.constant 96 : index
    %swap3A_443 = tpu.vector_load %arg8[%swap3A_441, %swap3A_442] {strides = array<i32>} : memref<8x128xi32, #tpu.memory_space<vmem>>, vector<16xi32>,
    tpu.vector_store %arg8[%swap3A_441, %swap3A_442], %add3A_439 {strides = array<i32>} : memref<8x128xi32, #tpu.memory_space<vmem>>, vector<16xi32>,
    %add3A_444 = arith.constant 1008 : i32
    %add3A_445 = vector.broadcast %add3A_444 : i32 to vector<16xi32>
    %add3A_446 = arith.addi %iota3A, %add3A_445 : vector<16xi32>
    %swap3A_447 = arith.constant 7 : i32
    %swap3A_448 = arith.index_cast %swap3A_447 : i32 to index
    %swap3A_449 = arith.constant 112 : index
    %swap3A_450 = tpu.vector_load %arg8[%swap3A_448, %swap3A_449] {strides = array<i32>} : memref<8x128xi32, #tpu.memory_space<vmem>>, vector<16xi32>,
    tpu.vector_store %arg8[%swap3A_448, %swap3A_449], %add3A_446 {strides = array<i32>} : memref<8x128xi32, #tpu.memory_space<vmem>>, vector<16xi32>,
    %swap3A_451 = arith.constant 0 : index
    %swap3A_452 = tpu.vector_load %arg12[%swap3A_451] {strides = array<i32>} : memref<128xi32, #tpu.memory_space<vmem>>, vector<16xi32>,
    tpu.vector_store %arg12[%swap3A_451], %broadcast_in_dim3A_2 {strides = array<i32>} : memref<128xi32, #tpu.memory_space<vmem>>, vector<16xi32>,
    %swap3A_453 = arith.constant 16 : index
    %swap3A_454 = tpu.vector_load %arg12[%swap3A_453] {strides = array<i32>} : memref<128xi32, #tpu.memory_space<vmem>>, vector<16xi32>,
    tpu.vector_store %arg12[%swap3A_453], %broadcast_in_dim3A_2 {strides = array<i32>} : memref<128xi32, #tpu.memory_space<vmem>>, vector<16xi32>,
    %swap3A_455 = arith.constant 32 : index
    %swap3A_456 = tpu.vector_load %arg12[%swap3A_455] {strides = array<i32>} : memref<128xi32, #tpu.memory_space<vmem>>, vector<16xi32>,
    tpu.vector_store %arg12[%swap3A_455], %broadcast_in_dim3A_2 {strides = array<i32>} : memref<128xi32, #tpu.memory_space<vmem>>, vector<16xi32>,
    %swap3A_457 = arith.constant 48 : index
    %swap3A_458 = tpu.vector_load %arg12[%swap3A_457] {strides = array<i32>} : memref<128xi32, #tpu.memory_space<vmem>>, vector<16xi32>,
    tpu.vector_store %arg12[%swap3A_457], %broadcast_in_dim3A_2 {strides = array<i32>} : memref<128xi32, #tpu.memory_space<vmem>>, vector<16xi32>,
    %swap3A_459 = arith.constant 0 : index
    %swap3A_460 = tpu.vector_load %arg6[%swap3A_459] {strides = array<i32>} : memref<256xi32, #tpu.memory_space<vmem>>, vector<16xi32>,
    tpu.vector_store %arg6[%swap3A_459], %broadcast_in_dim3A_2 {strides = array<i32>} : memref<256xi32, #tpu.memory_space<vmem>>, vector<16xi32>,
    %swap3A_461 = arith.constant 16 : index
    %swap3A_462 = tpu.vector_load %arg6[%swap3A_461] {strides = array<i32>} : memref<256xi32, #tpu.memory_space<vmem>>, vector<16xi32>,
    tpu.vector_store %arg6[%swap3A_461], %broadcast_in_dim3A_2 {strides = array<i32>} : memref<256xi32, #tpu.memory_space<vmem>>, vector<16xi32>,
    %swap3A_463 = arith.constant 32 : index
    %swap3A_464 = tpu.vector_load %arg6[%swap3A_463] {strides = array<i32>} : memref<256xi32, #tpu.memory_space<vmem>>, vector<16xi32>,
    tpu.vector_store %arg6[%swap3A_463], %broadcast_in_dim3A_2 {strides = array<i32>} : memref<256xi32, #tpu.memory_space<vmem>>, vector<16xi32>,
    %swap3A_465 = arith.constant 48 : index
    %swap3A_466 = tpu.vector_load %arg6[%swap3A_465] {strides = array<i32>} : memref<256xi32, #tpu.memory_space<vmem>>, vector<16xi32>,
    tpu.vector_store %arg6[%swap3A_465], %broadcast_in_dim3A_2 {strides = array<i32>} : memref<256xi32, #tpu.memory_space<vmem>>, vector<16xi32>,
    %swap3A_467 = arith.constant 64 : index
    %swap3A_468 = tpu.vector_load %arg6[%swap3A_467] {strides = array<i32>} : memref<256xi32, #tpu.memory_space<vmem>>, vector<16xi32>,
    tpu.vector_store %arg6[%swap3A_467], %broadcast_in_dim3A_2 {strides = array<i32>} : memref<256xi32, #tpu.memory_space<vmem>>, vector<16xi32>,
    %swap3A_469 = arith.constant 80 : index
    %swap3A_470 = tpu.vector_load %arg6[%swap3A_469] {strides = array<i32>} : memref<256xi32, #tpu.memory_space<vmem>>, vector<16xi32>,
    tpu.vector_store %arg6[%swap3A_469], %broadcast_in_dim3A_2 {strides = array<i32>} : memref<256xi32, #tpu.memory_space<vmem>>, vector<16xi32>,
    %swap3A_471 = arith.constant 96 : index
    %swap3A_472 = tpu.vector_load %arg6[%swap3A_471] {strides = array<i32>} : memref<256xi32, #tpu.memory_space<vmem>>, vector<16xi32>,
    tpu.vector_store %arg6[%swap3A_471], %broadcast_in_dim3A_2 {strides = array<i32>} : memref<256xi32, #tpu.memory_space<vmem>>, vector<16xi32>,
    %swap3A_473 = arith.constant 112 : index
    %swap3A_474 = tpu.vector_load %arg6[%swap3A_473] {strides = array<i32>} : memref<256xi32, #tpu.memory_space<vmem>>, vector<16xi32>,
    tpu.vector_store %arg6[%swap3A_473], %broadcast_in_dim3A_2 {strides = array<i32>} : memref<256xi32, #tpu.memory_space<vmem>>, vector<16xi32>,
    %swap3A_475 = arith.constant 128 : index
    %swap3A_476 = tpu.vector_load %arg6[%swap3A_475] {strides = array<i32>} : memref<256xi32, #tpu.memory_space<vmem>>, vector<16xi32>,
    tpu.vector_store %arg6[%swap3A_475], %broadcast_in_dim3A_2 {strides = array<i32>} : memref<256xi32, #tpu.memory_space<vmem>>, vector<16xi32>,
    %swap3A_477 = arith.constant 144 : index
    %swap3A_478 = tpu.vector_load %arg6[%swap3A_477] {strides = array<i32>} : memref<256xi32, #tpu.memory_space<vmem>>, vector<16xi32>,
    tpu.vector_store %arg6[%swap3A_477], %broadcast_in_dim3A_2 {strides = array<i32>} : memref<256xi32, #tpu.memory_space<vmem>>, vector<16xi32>,
    %swap3A_479 = arith.constant 160 : index
    %swap3A_480 = tpu.vector_load %arg6[%swap3A_479] {strides = array<i32>} : memref<256xi32, #tpu.memory_space<vmem>>, vector<16xi32>,
    tpu.vector_store %arg6[%swap3A_479], %broadcast_in_dim3A_2 {strides = array<i32>} : memref<256xi32, #tpu.memory_space<vmem>>, vector<16xi32>,
    %swap3A_481 = arith.constant 176 : index
    %swap3A_482 = tpu.vector_load %arg6[%swap3A_481] {strides = array<i32>} : memref<256xi32, #tpu.memory_space<vmem>>, vector<16xi32>,
    tpu.vector_store %arg6[%swap3A_481], %broadcast_in_dim3A_2 {strides = array<i32>} : memref<256xi32, #tpu.memory_space<vmem>>, vector<16xi32>,
    %swap3A_483 = arith.constant 192 : index
    %swap3A_484 = tpu.vector_load %arg6[%swap3A_483] {strides = array<i32>} : memref<256xi32, #tpu.memory_space<vmem>>, vector<16xi32>,
    tpu.vector_store %arg6[%swap3A_483], %broadcast_in_dim3A_2 {strides = array<i32>} : memref<256xi32, #tpu.memory_space<vmem>>, vector<16xi32>,
    %swap3A_485 = arith.constant 208 : index
    %swap3A_486 = tpu.vector_load %arg6[%swap3A_485] {strides = array<i32>} : memref<256xi32, #tpu.memory_space<vmem>>, vector<16xi32>,
    tpu.vector_store %arg6[%swap3A_485], %broadcast_in_dim3A_2 {strides = array<i32>} : memref<256xi32, #tpu.memory_space<vmem>>, vector<16xi32>,
    %swap3A_487 = arith.constant 224 : index
    %swap3A_488 = tpu.vector_load %arg6[%swap3A_487] {strides = array<i32>} : memref<256xi32, #tpu.memory_space<vmem>>, vector<16xi32>,
    tpu.vector_store %arg6[%swap3A_487], %broadcast_in_dim3A_2 {strides = array<i32>} : memref<256xi32, #tpu.memory_space<vmem>>, vector<16xi32>,
    %swap3A_489 = arith.constant 240 : index
    %swap3A_490 = tpu.vector_load %arg6[%swap3A_489] {strides = array<i32>} : memref<256xi32, #tpu.memory_space<vmem>>, vector<16xi32>,
    tpu.vector_store %arg6[%swap3A_489], %broadcast_in_dim3A_2 {strides = array<i32>} : memref<256xi32, #tpu.memory_space<vmem>>, vector<16xi32>,
    %mul3A_491 = arith.constant 64 : i32
    %mul3A_492 = arith.muli %arg1, %mul3A_491 : i32
    "tpu.region"() ({
      %run_scoped3A = tpu.sem_alloc : memref<!tpu.dma_semaphore, #tpu.memory_space<semaphore_mem>>
      %dma_start3A_2018 = arith.constant 0 : i32
      %dma_start3A_2019 = tpu.memref_slice %arg12[%dma_start3A_2018] : memref<128xi32, #tpu.memory_space<vmem>> -> memref<64xi32, #tpu.memory_space<vmem>>
      %dma_start3A_2020 = tpu.memref_slice %arg15[%mul3A_492] : memref<5120xi32, #tpu.memory_space<vmem_shared>> -> memref<64xi32, #tpu.memory_space<vmem_shared>>
      %dma_start3A_2021 = tpu.memref_slice %arg15[%mul3A_492] : memref<5120xi32, #tpu.memory_space<vmem_shared>> -> memref<64xi32, #tpu.memory_space<vmem_shared>>
      %dma_start3A_2022 = arith.constant 0 : i32
      %dma_start3A_2023 = tpu.memref_slice %arg12[%dma_start3A_2022] : memref<128xi32, #tpu.memory_space<vmem>> -> memref<64xi32, #tpu.memory_space<vmem>>
      tpu.enqueue_dma source(%dma_start3A_2023 : memref<64xi32, #tpu.memory_space<vmem>>) target(%dma_start3A_2021 : memref<64xi32, #tpu.memory_space<vmem_shared>>) target_semaphore(%run_scoped3A : memref<!tpu.dma_semaphore, #tpu.memory_space<semaphore_mem>>)
      %dma_wait3A_2024 = arith.constant 0 : i32
      %dma_wait3A_2025 = tpu.memref_slice %arg12[%dma_wait3A_2024] : memref<128xi32, #tpu.memory_space<vmem>> -> memref<64xi32, #tpu.memory_space<vmem>>
      %dma_wait3A_2026 = tpu.memref_slice %arg15[%mul3A_492] : memref<5120xi32, #tpu.memory_space<vmem_shared>> -> memref<64xi32, #tpu.memory_space<vmem_shared>>
      %dma_wait3A_2027 = tpu.memref_slice %arg15[%mul3A_492] : memref<5120xi32, #tpu.memory_space<vmem_shared>> -> memref<64xi32, #tpu.memory_space<vmem_shared>>
      %dma_wait3A_2028 = arith.constant 0 : i32
      %dma_wait3A_2029 = tpu.memref_slice %arg12[%dma_wait3A_2028] : memref<128xi32, #tpu.memory_space<vmem>> -> memref<64xi32, #tpu.memory_space<vmem>>
      tpu.wait_dma2 semaphore(%run_scoped3A : memref<!tpu.dma_semaphore, #tpu.memory_space<semaphore_mem>>) src(%dma_wait3A_2029 : memref<64xi32, #tpu.memory_space<vmem>>) dst(%dma_wait3A_2027 : memref<64xi32, #tpu.memory_space<vmem_shared>>)
      tpu.yield
    }) : () -> ()
    %dma_wait3A = tpu.memref_slice %arg2[%mul3A_0] : memref<32768xf32, #tpu.memory_space<hbm>> -> memref<2048xf32, #tpu.memory_space<hbm>>
    %dma_wait3A_493 = tpu.memref_slice %arg2[%mul3A_0] : memref<32768xf32, #tpu.memory_space<hbm>> -> memref<2048xf32, #tpu.memory_space<hbm>>
    tpu.wait_dma2 semaphore(%arg13 : memref<!tpu.dma_semaphore, #tpu.memory_space<semaphore_mem>>) src(%dma_wait3A_493 : memref<2048xf32, #tpu.memory_space<hbm>>) dst(%arg4 : memref<2048xf32, #tpu.memory_space<vmem>>)
    %barrier3A = arith.constant 0 : index
    tpu.barrier barrier_id(%barrier3A)
    %broadcast_in_dim3A_494 = arith.constant 0 : i32
    %broadcast_in_dim3A_495 = vector.broadcast %broadcast_in_dim3A_494 : i32 to vector<16xi32>
    %broadcast_in_dim3A_496 = arith.constant 25 : i32
    %broadcast_in_dim3A_497 = vector.broadcast %broadcast_in_dim3A_496 : i32 to vector<16xi32>
    %parallel_loop3A = arith.constant 0 : i32
    %parallel_loop3A_498 = arith.constant 128 : i32
    %parallel_loop3A_499 = arith.constant 1 : i32
    scf.for %parallel_loop3A_2018 = %parallel_loop3A to %parallel_loop3A_498 step %parallel_loop3A_499  : i32 {
      %parallel_loop3A_2019 = arith.constant 16 : i32
      %parallel_loop3A_2020 = arith.muli %parallel_loop3A_2018, %parallel_loop3A_2019 : i32
      %parallel_loop3A_2021 = arith.index_cast %parallel_loop3A_2020 : i32 to index
      %parallel_loop3A_2022 = tpu.vector_load %arg4[%parallel_loop3A_2021] {strides = array<i32>} : memref<2048xf32, #tpu.memory_space<vmem>>, vector<16xf32>,
      %parallel_loop3A_2023 = tpu.bitcast %parallel_loop3A_2022 : vector<16xf32> -> vector<16xi32>
      %parallel_loop3A_2024 = arith.constant 31 : i32
      %parallel_loop3A_2025 = vector.broadcast %parallel_loop3A_2024 : i32 to vector<16xi32>
      %parallel_loop3A_2026 = arith.shrui %parallel_loop3A_2023, %parallel_loop3A_2025 : vector<16xi32>
      %parallel_loop3A_2027 = arith.constant 1 : i32
      %parallel_loop3A_2028 = vector.broadcast %parallel_loop3A_2027 : i32 to vector<16xi32>
      %parallel_loop3A_2029 = arith.cmpi eq, %parallel_loop3A_2026, %parallel_loop3A_2028 : vector<16xi32>
      %parallel_loop3A_2030 = arith.constant dense<-1> : vector<16xi32>
      %parallel_loop3A_2031 = arith.xori %parallel_loop3A_2023, %parallel_loop3A_2030 : vector<16xi32>
      %parallel_loop3A_2032 = arith.constant -2147483648 : i32
      %parallel_loop3A_2033 = vector.broadcast %parallel_loop3A_2032 : i32 to vector<16xi32>
      %parallel_loop3A_2034 = arith.ori %parallel_loop3A_2023, %parallel_loop3A_2033 : vector<16xi32>
      %parallel_loop3A_2035 = arith.select %parallel_loop3A_2029, %parallel_loop3A_2031, %parallel_loop3A_2034 : vector<16xi1>, vector<16xi32>
      %parallel_loop3A_2036 = arith.constant 16 : i32
      %parallel_loop3A_2037 = arith.muli %parallel_loop3A_2018, %parallel_loop3A_2036 : i32
      %parallel_loop3A_2038 = arith.index_cast %parallel_loop3A_2037 : i32 to index
      %parallel_loop3A_2039 = tpu.vector_load %arg5[%parallel_loop3A_2038] {strides = array<i32>} : memref<2048xi32, #tpu.memory_space<vmem>>, vector<16xi32>,
      tpu.vector_store %arg5[%parallel_loop3A_2038], %parallel_loop3A_2035 {strides = array<i32>} : memref<2048xi32, #tpu.memory_space<vmem>>, vector<16xi32>,
      %parallel_loop3A_2040 = arith.constant 24 : i32
      %parallel_loop3A_2041 = vector.broadcast %parallel_loop3A_2040 : i32 to vector<16xi32>
      %parallel_loop3A_2042 = arith.shrui %parallel_loop3A_2035, %parallel_loop3A_2041 : vector<16xi32>
      tpu.vector_store_idx %arg6[%parallel_loop3A_2042], %broadcast_in_dim3A_4 {add = true} : memref<256xi32, #tpu.memory_space<vmem>>[vector<16xi32>], vector<16xi32>,
    } {sc.loop_unroll_factor = 8 : i64, sc.parallel_access}
    %dma_start3A_500 = arith.constant 0 : i32
    %dma_start3A_501 = arith.constant 0 : i32
    %dma_start3A_502 = tpu.memref_slice %arg6[%dma_start3A_501] : memref<256xi32, #tpu.memory_space<vmem>> -> memref<128xi32, #tpu.memory_space<vmem>>
    %dma_start3A_503 = arith.constant 0 : i32
    %dma_start3A_504 = tpu.memref_slice %arg8[%dma_start3A_500, %dma_start3A_503] : memref<8x128xi32, #tpu.memory_space<vmem>> -> memref<1x128xi32, #tpu.memory_space<vmem>>
    %dma_start3A_505 = tpu.memref_squeeze %dma_start3A_504 : memref<1x128xi32, #tpu.memory_space<vmem>> -> memref<128xi32, #tpu.memory_space<vmem>>
    %dma_start3A_506 = arith.constant 0 : i32
    %dma_start3A_507 = tpu.memref_slice %arg15[%dma_start3A_506] : memref<5120xi32, #tpu.memory_space<vmem_shared>> -> memref<5120xi32, #tpu.memory_space<vmem_shared>>
    tpu.enqueue_indirect_dma source(%dma_start3A_502 : memref<128xi32, #tpu.memory_space<vmem>>) target(%dma_start3A_507 : memref<5120xi32, #tpu.memory_space<vmem_shared>>) offsets(%dma_start3A_505 : memref<128xi32, #tpu.memory_space<vmem>>) semaphore(%arg13 : memref<!tpu.dma_semaphore, #tpu.memory_space<semaphore_mem>>) {add = true}
    %dma_start3A_508 = arith.constant 1 : i32
    %dma_start3A_509 = arith.constant 128 : i32
    %dma_start3A_510 = tpu.memref_slice %arg6[%dma_start3A_509] : memref<256xi32, #tpu.memory_space<vmem>> -> memref<128xi32, #tpu.memory_space<vmem>>
    %dma_start3A_511 = arith.constant 0 : i32
    %dma_start3A_512 = tpu.memref_slice %arg8[%dma_start3A_508, %dma_start3A_511] : memref<8x128xi32, #tpu.memory_space<vmem>> -> memref<1x128xi32, #tpu.memory_space<vmem>>
    %dma_start3A_513 = tpu.memref_squeeze %dma_start3A_512 : memref<1x128xi32, #tpu.memory_space<vmem>> -> memref<128xi32, #tpu.memory_space<vmem>>
    %dma_start3A_514 = arith.constant 0 : i32
    %dma_start3A_515 = tpu.memref_slice %arg15[%dma_start3A_514] : memref<5120xi32, #tpu.memory_space<vmem_shared>> -> memref<5120xi32, #tpu.memory_space<vmem_shared>>
    tpu.enqueue_indirect_dma source(%dma_start3A_510 : memref<128xi32, #tpu.memory_space<vmem>>) target(%dma_start3A_515 : memref<5120xi32, #tpu.memory_space<vmem_shared>>) offsets(%dma_start3A_513 : memref<128xi32, #tpu.memory_space<vmem>>) semaphore(%arg14 : memref<!tpu.dma_semaphore, #tpu.memory_space<semaphore_mem>>) {add = true}
    %dma_wait3A_516 = arith.constant 0 : i32
    %dma_wait3A_517 = arith.constant 0 : i32
    %dma_wait3A_518 = tpu.memref_slice %arg6[%dma_wait3A_517] : memref<256xi32, #tpu.memory_space<vmem>> -> memref<128xi32, #tpu.memory_space<vmem>>
    %dma_wait3A_519 = arith.constant 0 : i32
    %dma_wait3A_520 = tpu.memref_slice %arg8[%dma_wait3A_516, %dma_wait3A_519] : memref<8x128xi32, #tpu.memory_space<vmem>> -> memref<1x128xi32, #tpu.memory_space<vmem>>
    %dma_wait3A_521 = tpu.memref_squeeze %dma_wait3A_520 : memref<1x128xi32, #tpu.memory_space<vmem>> -> memref<128xi32, #tpu.memory_space<vmem>>
    %dma_wait3A_522 = arith.constant 0 : i32
    %dma_wait3A_523 = tpu.memref_slice %arg15[%dma_wait3A_522] : memref<5120xi32, #tpu.memory_space<vmem_shared>> -> memref<5120xi32, #tpu.memory_space<vmem_shared>>
    tpu.wait_indirect_dma semaphore(%arg13 : memref<!tpu.dma_semaphore, #tpu.memory_space<semaphore_mem>>) src(%dma_wait3A_518 : memref<128xi32, #tpu.memory_space<vmem>>) dst(%dma_wait3A_523 : memref<5120xi32, #tpu.memory_space<vmem_shared>>)
    %dma_wait3A_524 = arith.constant 1 : i32
    %dma_wait3A_525 = arith.constant 128 : i32
    %dma_wait3A_526 = tpu.memref_slice %arg6[%dma_wait3A_525] : memref<256xi32, #tpu.memory_space<vmem>> -> memref<128xi32, #tpu.memory_space<vmem>>
    %dma_wait3A_527 = arith.constant 0 : i32
    %dma_wait3A_528 = tpu.memref_slice %arg8[%dma_wait3A_524, %dma_wait3A_527] : memref<8x128xi32, #tpu.memory_space<vmem>> -> memref<1x128xi32, #tpu.memory_space<vmem>>
    %dma_wait3A_529 = tpu.memref_squeeze %dma_wait3A_528 : memref<1x128xi32, #tpu.memory_space<vmem>> -> memref<128xi32, #tpu.memory_space<vmem>>
    %dma_wait3A_530 = arith.constant 0 : i32
    %dma_wait3A_531 = tpu.memref_slice %arg15[%dma_wait3A_530] : memref<5120xi32, #tpu.memory_space<vmem_shared>> -> memref<5120xi32, #tpu.memory_space<vmem_shared>>
    tpu.wait_indirect_dma semaphore(%arg14 : memref<!tpu.dma_semaphore, #tpu.memory_space<semaphore_mem>>) src(%dma_wait3A_526 : memref<128xi32, #tpu.memory_space<vmem>>) dst(%dma_wait3A_531 : memref<5120xi32, #tpu.memory_space<vmem_shared>>)
    %barrier3A_532 = arith.constant 0 : index
    tpu.barrier barrier_id(%barrier3A_532)
    "tpu.region"() ({
      %run_scoped3A = tpu.sem_alloc : memref<!tpu.dma_semaphore, #tpu.memory_space<semaphore_mem>>
      %dma_start3A_2018 = arith.constant 0 : i32
      %dma_start3A_2019 = tpu.memref_slice %arg15[%dma_start3A_2018] : memref<5120xi32, #tpu.memory_space<vmem_shared>> -> memref<256xi32, #tpu.memory_space<vmem_shared>>
      %dma_start3A_2020 = arith.constant 0 : i32
      %dma_start3A_2021 = tpu.memref_slice %arg15[%dma_start3A_2020] : memref<5120xi32, #tpu.memory_space<vmem_shared>> -> memref<256xi32, #tpu.memory_space<vmem_shared>>
      tpu.enqueue_dma source(%dma_start3A_2021 : memref<256xi32, #tpu.memory_space<vmem_shared>>) target(%arg7 : memref<256xi32, #tpu.memory_space<vmem>>) target_semaphore(%run_scoped3A : memref<!tpu.dma_semaphore, #tpu.memory_space<semaphore_mem>>)
      %dma_wait3A_2022 = arith.constant 0 : i32
      %dma_wait3A_2023 = tpu.memref_slice %arg15[%dma_wait3A_2022] : memref<5120xi32, #tpu.memory_space<vmem_shared>> -> memref<256xi32, #tpu.memory_space<vmem_shared>>
      %dma_wait3A_2024 = arith.constant 0 : i32
      %dma_wait3A_2025 = tpu.memref_slice %arg15[%dma_wait3A_2024] : memref<5120xi32, #tpu.memory_space<vmem_shared>> -> memref<256xi32, #tpu.memory_space<vmem_shared>>
      tpu.wait_dma2 semaphore(%run_scoped3A : memref<!tpu.dma_semaphore, #tpu.memory_space<semaphore_mem>>) src(%dma_wait3A_2025 : memref<256xi32, #tpu.memory_space<vmem_shared>>) dst(%arg7 : memref<256xi32, #tpu.memory_space<vmem>>)
      tpu.yield
    }) : () -> ()
    %get3A = arith.constant 0 : index
    %get3A_533 = tpu.vector_load %arg7[%get3A] {strides = array<i32>} : memref<256xi32, #tpu.memory_space<vmem>>, vector<16xi32>,
    %eq3A = arith.constant 0 : i32
    %eq3A_534 = vector.broadcast %eq3A : i32 to vector<16xi32>
    %eq3A_535 = arith.cmpi eq, %iota3A, %eq3A_534 : vector<16xi32>
    %reduce_sum3A = arith.constant true
    %reduce_sum3A_536 = vector.broadcast %reduce_sum3A : i1 to vector<16xi1>
    %reduce_sum3A_537 = tpu.scan <sum>, %get3A_533 masked %reduce_sum3A_536 : vector<16xi32>, vector<16xi1> -> vector<16xi32>
    %reduce_sum3A_538 = vector.extract %reduce_sum3A_537[15] : i32 from vector<16xi32>
    %jit3A = arith.constant 0 : i32
    %broadcast_in_dim3A_539 = vector.broadcast %reduce_sum3A_538 : i32 to vector<16xi32>
    %broadcast_in_dim3A_540 = vector.broadcast %jit3A : i32 to vector<16xi32>
    %select_n3A = arith.select %eq3A_535, %broadcast_in_dim3A_539, %broadcast_in_dim3A_540 : vector<16xi1>, vector<16xi32>
    %add3A_541 = arith.addi %broadcast_in_dim3A_2, %select_n3A : vector<16xi32>
    %get3A_542 = arith.constant 16 : index
    %get3A_543 = tpu.vector_load %arg7[%get3A_542] {strides = array<i32>} : memref<256xi32, #tpu.memory_space<vmem>>, vector<16xi32>,
    %eq3A_544 = arith.constant 1 : i32
    %eq3A_545 = vector.broadcast %eq3A_544 : i32 to vector<16xi32>
    %eq3A_546 = arith.cmpi eq, %iota3A, %eq3A_545 : vector<16xi32>
    %reduce_sum3A_547 = arith.constant true
    %reduce_sum3A_548 = vector.broadcast %reduce_sum3A_547 : i1 to vector<16xi1>
    %reduce_sum3A_549 = tpu.scan <sum>, %get3A_543 masked %reduce_sum3A_548 : vector<16xi32>, vector<16xi1> -> vector<16xi32>
    %reduce_sum3A_550 = vector.extract %reduce_sum3A_549[15] : i32 from vector<16xi32>
    %jit3A_551 = arith.constant 0 : i32
    %broadcast_in_dim3A_552 = vector.broadcast %reduce_sum3A_550 : i32 to vector<16xi32>
    %broadcast_in_dim3A_553 = vector.broadcast %jit3A_551 : i32 to vector<16xi32>
    %select_n3A_554 = arith.select %eq3A_546, %broadcast_in_dim3A_552, %broadcast_in_dim3A_553 : vector<16xi1>, vector<16xi32>
    %add3A_555 = arith.addi %add3A_541, %select_n3A_554 : vector<16xi32>
    %get3A_556 = arith.constant 32 : index
    %get3A_557 = tpu.vector_load %arg7[%get3A_556] {strides = array<i32>} : memref<256xi32, #tpu.memory_space<vmem>>, vector<16xi32>,
    %eq3A_558 = arith.constant 2 : i32
    %eq3A_559 = vector.broadcast %eq3A_558 : i32 to vector<16xi32>
    %eq3A_560 = arith.cmpi eq, %iota3A, %eq3A_559 : vector<16xi32>
    %reduce_sum3A_561 = arith.constant true
    %reduce_sum3A_562 = vector.broadcast %reduce_sum3A_561 : i1 to vector<16xi1>
    %reduce_sum3A_563 = tpu.scan <sum>, %get3A_557 masked %reduce_sum3A_562 : vector<16xi32>, vector<16xi1> -> vector<16xi32>
    %reduce_sum3A_564 = vector.extract %reduce_sum3A_563[15] : i32 from vector<16xi32>
    %jit3A_565 = arith.constant 0 : i32
    %broadcast_in_dim3A_566 = vector.broadcast %reduce_sum3A_564 : i32 to vector<16xi32>
    %broadcast_in_dim3A_567 = vector.broadcast %jit3A_565 : i32 to vector<16xi32>
    %select_n3A_568 = arith.select %eq3A_560, %broadcast_in_dim3A_566, %broadcast_in_dim3A_567 : vector<16xi1>, vector<16xi32>
    %add3A_569 = arith.addi %add3A_555, %select_n3A_568 : vector<16xi32>
    %get3A_570 = arith.constant 48 : index
    %get3A_571 = tpu.vector_load %arg7[%get3A_570] {strides = array<i32>} : memref<256xi32, #tpu.memory_space<vmem>>, vector<16xi32>,
    %eq3A_572 = arith.constant 3 : i32
    %eq3A_573 = vector.broadcast %eq3A_572 : i32 to vector<16xi32>
    %eq3A_574 = arith.cmpi eq, %iota3A, %eq3A_573 : vector<16xi32>
    %reduce_sum3A_575 = arith.constant true
    %reduce_sum3A_576 = vector.broadcast %reduce_sum3A_575 : i1 to vector<16xi1>
    %reduce_sum3A_577 = tpu.scan <sum>, %get3A_571 masked %reduce_sum3A_576 : vector<16xi32>, vector<16xi1> -> vector<16xi32>
    %reduce_sum3A_578 = vector.extract %reduce_sum3A_577[15] : i32 from vector<16xi32>
    %jit3A_579 = arith.constant 0 : i32
    %broadcast_in_dim3A_580 = vector.broadcast %reduce_sum3A_578 : i32 to vector<16xi32>
    %broadcast_in_dim3A_581 = vector.broadcast %jit3A_579 : i32 to vector<16xi32>
    %select_n3A_582 = arith.select %eq3A_574, %broadcast_in_dim3A_580, %broadcast_in_dim3A_581 : vector<16xi1>, vector<16xi32>
    %add3A_583 = arith.addi %add3A_569, %select_n3A_582 : vector<16xi32>
    %get3A_584 = arith.constant 64 : index
    %get3A_585 = tpu.vector_load %arg7[%get3A_584] {strides = array<i32>} : memref<256xi32, #tpu.memory_space<vmem>>, vector<16xi32>,
    %eq3A_586 = arith.constant 4 : i32
    %eq3A_587 = vector.broadcast %eq3A_586 : i32 to vector<16xi32>
    %eq3A_588 = arith.cmpi eq, %iota3A, %eq3A_587 : vector<16xi32>
    %reduce_sum3A_589 = arith.constant true
    %reduce_sum3A_590 = vector.broadcast %reduce_sum3A_589 : i1 to vector<16xi1>
    %reduce_sum3A_591 = tpu.scan <sum>, %get3A_585 masked %reduce_sum3A_590 : vector<16xi32>, vector<16xi1> -> vector<16xi32>
    %reduce_sum3A_592 = vector.extract %reduce_sum3A_591[15] : i32 from vector<16xi32>
    %jit3A_593 = arith.constant 0 : i32
    %broadcast_in_dim3A_594 = vector.broadcast %reduce_sum3A_592 : i32 to vector<16xi32>
    %broadcast_in_dim3A_595 = vector.broadcast %jit3A_593 : i32 to vector<16xi32>
    %select_n3A_596 = arith.select %eq3A_588, %broadcast_in_dim3A_594, %broadcast_in_dim3A_595 : vector<16xi1>, vector<16xi32>
    %add3A_597 = arith.addi %add3A_583, %select_n3A_596 : vector<16xi32>
    %get3A_598 = arith.constant 80 : index
    %get3A_599 = tpu.vector_load %arg7[%get3A_598] {strides = array<i32>} : memref<256xi32, #tpu.memory_space<vmem>>, vector<16xi32>,
    %eq3A_600 = arith.constant 5 : i32
    %eq3A_601 = vector.broadcast %eq3A_600 : i32 to vector<16xi32>
    %eq3A_602 = arith.cmpi eq, %iota3A, %eq3A_601 : vector<16xi32>
    %reduce_sum3A_603 = arith.constant true
    %reduce_sum3A_604 = vector.broadcast %reduce_sum3A_603 : i1 to vector<16xi1>
    %reduce_sum3A_605 = tpu.scan <sum>, %get3A_599 masked %reduce_sum3A_604 : vector<16xi32>, vector<16xi1> -> vector<16xi32>
    %reduce_sum3A_606 = vector.extract %reduce_sum3A_605[15] : i32 from vector<16xi32>
    %jit3A_607 = arith.constant 0 : i32
    %broadcast_in_dim3A_608 = vector.broadcast %reduce_sum3A_606 : i32 to vector<16xi32>
    %broadcast_in_dim3A_609 = vector.broadcast %jit3A_607 : i32 to vector<16xi32>
    %select_n3A_610 = arith.select %eq3A_602, %broadcast_in_dim3A_608, %broadcast_in_dim3A_609 : vector<16xi1>, vector<16xi32>
    %add3A_611 = arith.addi %add3A_597, %select_n3A_610 : vector<16xi32>
    %get3A_612 = arith.constant 96 : index
    %get3A_613 = tpu.vector_load %arg7[%get3A_612] {strides = array<i32>} : memref<256xi32, #tpu.memory_space<vmem>>, vector<16xi32>,
    %eq3A_614 = arith.constant 6 : i32
    %eq3A_615 = vector.broadcast %eq3A_614 : i32 to vector<16xi32>
    %eq3A_616 = arith.cmpi eq, %iota3A, %eq3A_615 : vector<16xi32>
    %reduce_sum3A_617 = arith.constant true
    %reduce_sum3A_618 = vector.broadcast %reduce_sum3A_617 : i1 to vector<16xi1>
    %reduce_sum3A_619 = tpu.scan <sum>, %get3A_613 masked %reduce_sum3A_618 : vector<16xi32>, vector<16xi1> -> vector<16xi32>
    %reduce_sum3A_620 = vector.extract %reduce_sum3A_619[15] : i32 from vector<16xi32>
    %jit3A_621 = arith.constant 0 : i32
    %broadcast_in_dim3A_622 = vector.broadcast %reduce_sum3A_620 : i32 to vector<16xi32>
    %broadcast_in_dim3A_623 = vector.broadcast %jit3A_621 : i32 to vector<16xi32>
    %select_n3A_624 = arith.select %eq3A_616, %broadcast_in_dim3A_622, %broadcast_in_dim3A_623 : vector<16xi1>, vector<16xi32>
    %add3A_625 = arith.addi %add3A_611, %select_n3A_624 : vector<16xi32>
    %get3A_626 = arith.constant 112 : index
    %get3A_627 = tpu.vector_load %arg7[%get3A_626] {strides = array<i32>} : memref<256xi32, #tpu.memory_space<vmem>>, vector<16xi32>,
    %eq3A_628 = arith.constant 7 : i32
    %eq3A_629 = vector.broadcast %eq3A_628 : i32 to vector<16xi32>
    %eq3A_630 = arith.cmpi eq, %iota3A, %eq3A_629 : vector<16xi32>
    %reduce_sum3A_631 = arith.constant true
    %reduce_sum3A_632 = vector.broadcast %reduce_sum3A_631 : i1 to vector<16xi1>
    %reduce_sum3A_633 = tpu.scan <sum>, %get3A_627 masked %reduce_sum3A_632 : vector<16xi32>, vector<16xi1> -> vector<16xi32>
    %reduce_sum3A_634 = vector.extract %reduce_sum3A_633[15] : i32 from vector<16xi32>
    %jit3A_635 = arith.constant 0 : i32
    %broadcast_in_dim3A_636 = vector.broadcast %reduce_sum3A_634 : i32 to vector<16xi32>
    %broadcast_in_dim3A_637 = vector.broadcast %jit3A_635 : i32 to vector<16xi32>
    %select_n3A_638 = arith.select %eq3A_630, %broadcast_in_dim3A_636, %broadcast_in_dim3A_637 : vector<16xi1>, vector<16xi32>
    %add3A_639 = arith.addi %add3A_625, %select_n3A_638 : vector<16xi32>
    %get3A_640 = arith.constant 128 : index
    %get3A_641 = tpu.vector_load %arg7[%get3A_640] {strides = array<i32>} : memref<256xi32, #tpu.memory_space<vmem>>, vector<16xi32>,
    %eq3A_642 = arith.constant 8 : i32
    %eq3A_643 = vector.broadcast %eq3A_642 : i32 to vector<16xi32>
    %eq3A_644 = arith.cmpi eq, %iota3A, %eq3A_643 : vector<16xi32>
    %reduce_sum3A_645 = arith.constant true
    %reduce_sum3A_646 = vector.broadcast %reduce_sum3A_645 : i1 to vector<16xi1>
    %reduce_sum3A_647 = tpu.scan <sum>, %get3A_641 masked %reduce_sum3A_646 : vector<16xi32>, vector<16xi1> -> vector<16xi32>
    %reduce_sum3A_648 = vector.extract %reduce_sum3A_647[15] : i32 from vector<16xi32>
    %jit3A_649 = arith.constant 0 : i32
    %broadcast_in_dim3A_650 = vector.broadcast %reduce_sum3A_648 : i32 to vector<16xi32>
    %broadcast_in_dim3A_651 = vector.broadcast %jit3A_649 : i32 to vector<16xi32>
    %select_n3A_652 = arith.select %eq3A_644, %broadcast_in_dim3A_650, %broadcast_in_dim3A_651 : vector<16xi1>, vector<16xi32>
    %add3A_653 = arith.addi %add3A_639, %select_n3A_652 : vector<16xi32>
    %get3A_654 = arith.constant 144 : index
    %get3A_655 = tpu.vector_load %arg7[%get3A_654] {strides = array<i32>} : memref<256xi32, #tpu.memory_space<vmem>>, vector<16xi32>,
    %eq3A_656 = arith.constant 9 : i32
    %eq3A_657 = vector.broadcast %eq3A_656 : i32 to vector<16xi32>
    %eq3A_658 = arith.cmpi eq, %iota3A, %eq3A_657 : vector<16xi32>
    %reduce_sum3A_659 = arith.constant true
    %reduce_sum3A_660 = vector.broadcast %reduce_sum3A_659 : i1 to vector<16xi1>
    %reduce_sum3A_661 = tpu.scan <sum>, %get3A_655 masked %reduce_sum3A_660 : vector<16xi32>, vector<16xi1> -> vector<16xi32>
    %reduce_sum3A_662 = vector.extract %reduce_sum3A_661[15] : i32 from vector<16xi32>
    %jit3A_663 = arith.constant 0 : i32
    %broadcast_in_dim3A_664 = vector.broadcast %reduce_sum3A_662 : i32 to vector<16xi32>
    %broadcast_in_dim3A_665 = vector.broadcast %jit3A_663 : i32 to vector<16xi32>
    %select_n3A_666 = arith.select %eq3A_658, %broadcast_in_dim3A_664, %broadcast_in_dim3A_665 : vector<16xi1>, vector<16xi32>
    %add3A_667 = arith.addi %add3A_653, %select_n3A_666 : vector<16xi32>
    %get3A_668 = arith.constant 160 : index
    %get3A_669 = tpu.vector_load %arg7[%get3A_668] {strides = array<i32>} : memref<256xi32, #tpu.memory_space<vmem>>, vector<16xi32>,
    %eq3A_670 = arith.constant 10 : i32
    %eq3A_671 = vector.broadcast %eq3A_670 : i32 to vector<16xi32>
    %eq3A_672 = arith.cmpi eq, %iota3A, %eq3A_671 : vector<16xi32>
    %reduce_sum3A_673 = arith.constant true
    %reduce_sum3A_674 = vector.broadcast %reduce_sum3A_673 : i1 to vector<16xi1>
    %reduce_sum3A_675 = tpu.scan <sum>, %get3A_669 masked %reduce_sum3A_674 : vector<16xi32>, vector<16xi1> -> vector<16xi32>
    %reduce_sum3A_676 = vector.extract %reduce_sum3A_675[15] : i32 from vector<16xi32>
    %jit3A_677 = arith.constant 0 : i32
    %broadcast_in_dim3A_678 = vector.broadcast %reduce_sum3A_676 : i32 to vector<16xi32>
    %broadcast_in_dim3A_679 = vector.broadcast %jit3A_677 : i32 to vector<16xi32>
    %select_n3A_680 = arith.select %eq3A_672, %broadcast_in_dim3A_678, %broadcast_in_dim3A_679 : vector<16xi1>, vector<16xi32>
    %add3A_681 = arith.addi %add3A_667, %select_n3A_680 : vector<16xi32>
    %get3A_682 = arith.constant 176 : index
    %get3A_683 = tpu.vector_load %arg7[%get3A_682] {strides = array<i32>} : memref<256xi32, #tpu.memory_space<vmem>>, vector<16xi32>,
    %eq3A_684 = arith.constant 11 : i32
    %eq3A_685 = vector.broadcast %eq3A_684 : i32 to vector<16xi32>
    %eq3A_686 = arith.cmpi eq, %iota3A, %eq3A_685 : vector<16xi32>
    %reduce_sum3A_687 = arith.constant true
    %reduce_sum3A_688 = vector.broadcast %reduce_sum3A_687 : i1 to vector<16xi1>
    %reduce_sum3A_689 = tpu.scan <sum>, %get3A_683 masked %reduce_sum3A_688 : vector<16xi32>, vector<16xi1> -> vector<16xi32>
    %reduce_sum3A_690 = vector.extract %reduce_sum3A_689[15] : i32 from vector<16xi32>
    %jit3A_691 = arith.constant 0 : i32
    %broadcast_in_dim3A_692 = vector.broadcast %reduce_sum3A_690 : i32 to vector<16xi32>
    %broadcast_in_dim3A_693 = vector.broadcast %jit3A_691 : i32 to vector<16xi32>
    %select_n3A_694 = arith.select %eq3A_686, %broadcast_in_dim3A_692, %broadcast_in_dim3A_693 : vector<16xi1>, vector<16xi32>
    %add3A_695 = arith.addi %add3A_681, %select_n3A_694 : vector<16xi32>
    %get3A_696 = arith.constant 192 : index
    %get3A_697 = tpu.vector_load %arg7[%get3A_696] {strides = array<i32>} : memref<256xi32, #tpu.memory_space<vmem>>, vector<16xi32>,
    %eq3A_698 = arith.constant 12 : i32
    %eq3A_699 = vector.broadcast %eq3A_698 : i32 to vector<16xi32>
    %eq3A_700 = arith.cmpi eq, %iota3A, %eq3A_699 : vector<16xi32>
    %reduce_sum3A_701 = arith.constant true
    %reduce_sum3A_702 = vector.broadcast %reduce_sum3A_701 : i1 to vector<16xi1>
    %reduce_sum3A_703 = tpu.scan <sum>, %get3A_697 masked %reduce_sum3A_702 : vector<16xi32>, vector<16xi1> -> vector<16xi32>
    %reduce_sum3A_704 = vector.extract %reduce_sum3A_703[15] : i32 from vector<16xi32>
    %jit3A_705 = arith.constant 0 : i32
    %broadcast_in_dim3A_706 = vector.broadcast %reduce_sum3A_704 : i32 to vector<16xi32>
    %broadcast_in_dim3A_707 = vector.broadcast %jit3A_705 : i32 to vector<16xi32>
    %select_n3A_708 = arith.select %eq3A_700, %broadcast_in_dim3A_706, %broadcast_in_dim3A_707 : vector<16xi1>, vector<16xi32>
    %add3A_709 = arith.addi %add3A_695, %select_n3A_708 : vector<16xi32>
    %get3A_710 = arith.constant 208 : index
    %get3A_711 = tpu.vector_load %arg7[%get3A_710] {strides = array<i32>} : memref<256xi32, #tpu.memory_space<vmem>>, vector<16xi32>,
    %eq3A_712 = arith.constant 13 : i32
    %eq3A_713 = vector.broadcast %eq3A_712 : i32 to vector<16xi32>
    %eq3A_714 = arith.cmpi eq, %iota3A, %eq3A_713 : vector<16xi32>
    %reduce_sum3A_715 = arith.constant true
    %reduce_sum3A_716 = vector.broadcast %reduce_sum3A_715 : i1 to vector<16xi1>
    %reduce_sum3A_717 = tpu.scan <sum>, %get3A_711 masked %reduce_sum3A_716 : vector<16xi32>, vector<16xi1> -> vector<16xi32>
    %reduce_sum3A_718 = vector.extract %reduce_sum3A_717[15] : i32 from vector<16xi32>
    %jit3A_719 = arith.constant 0 : i32
    %broadcast_in_dim3A_720 = vector.broadcast %reduce_sum3A_718 : i32 to vector<16xi32>
    %broadcast_in_dim3A_721 = vector.broadcast %jit3A_719 : i32 to vector<16xi32>
    %select_n3A_722 = arith.select %eq3A_714, %broadcast_in_dim3A_720, %broadcast_in_dim3A_721 : vector<16xi1>, vector<16xi32>
    %add3A_723 = arith.addi %add3A_709, %select_n3A_722 : vector<16xi32>
    %get3A_724 = arith.constant 224 : index
    %get3A_725 = tpu.vector_load %arg7[%get3A_724] {strides = array<i32>} : memref<256xi32, #tpu.memory_space<vmem>>, vector<16xi32>,
    %eq3A_726 = arith.constant 14 : i32
    %eq3A_727 = vector.broadcast %eq3A_726 : i32 to vector<16xi32>
    %eq3A_728 = arith.cmpi eq, %iota3A, %eq3A_727 : vector<16xi32>
    %reduce_sum3A_729 = arith.constant true
    %reduce_sum3A_730 = vector.broadcast %reduce_sum3A_729 : i1 to vector<16xi1>
    %reduce_sum3A_731 = tpu.scan <sum>, %get3A_725 masked %reduce_sum3A_730 : vector<16xi32>, vector<16xi1> -> vector<16xi32>
    %reduce_sum3A_732 = vector.extract %reduce_sum3A_731[15] : i32 from vector<16xi32>
    %jit3A_733 = arith.constant 0 : i32
    %broadcast_in_dim3A_734 = vector.broadcast %reduce_sum3A_732 : i32 to vector<16xi32>
    %broadcast_in_dim3A_735 = vector.broadcast %jit3A_733 : i32 to vector<16xi32>
    %select_n3A_736 = arith.select %eq3A_728, %broadcast_in_dim3A_734, %broadcast_in_dim3A_735 : vector<16xi1>, vector<16xi32>
    %add3A_737 = arith.addi %add3A_723, %select_n3A_736 : vector<16xi32>
    %get3A_738 = arith.constant 240 : index
    %get3A_739 = tpu.vector_load %arg7[%get3A_738] {strides = array<i32>} : memref<256xi32, #tpu.memory_space<vmem>>, vector<16xi32>,
    %eq3A_740 = arith.constant 15 : i32
    %eq3A_741 = vector.broadcast %eq3A_740 : i32 to vector<16xi32>
    %eq3A_742 = arith.cmpi eq, %iota3A, %eq3A_741 : vector<16xi32>
    %reduce_sum3A_743 = arith.constant true
    %reduce_sum3A_744 = vector.broadcast %reduce_sum3A_743 : i1 to vector<16xi1>
    %reduce_sum3A_745 = tpu.scan <sum>, %get3A_739 masked %reduce_sum3A_744 : vector<16xi32>, vector<16xi1> -> vector<16xi32>
    %reduce_sum3A_746 = vector.extract %reduce_sum3A_745[15] : i32 from vector<16xi32>
    %jit3A_747 = arith.constant 0 : i32
    %broadcast_in_dim3A_748 = vector.broadcast %reduce_sum3A_746 : i32 to vector<16xi32>
    %broadcast_in_dim3A_749 = vector.broadcast %jit3A_747 : i32 to vector<16xi32>
    %select_n3A_750 = arith.select %eq3A_742, %broadcast_in_dim3A_748, %broadcast_in_dim3A_749 : vector<16xi1>, vector<16xi32>
    %add3A_751 = arith.addi %add3A_737, %select_n3A_750 : vector<16xi32>
    %rev3A = arith.constant 15 : i32
    %rev3A_752 = vector.broadcast %rev3A : i32 to vector<16xi32>
    %rev3A_753 = tpu.iota {dimensions = array<i32: 0>} : vector<16xi32>
    %rev3A_754 = arith.subi %rev3A_752, %rev3A_753 : vector<16xi32>
    %rev3A_755 = tpu.dynamic_gather %add3A_751[%rev3A_754] in [0] : vector<16xi32>, vector<16xi32> -> vector<16xi32>
    %broadcast_in_dim3A_756 = arith.constant true
    %broadcast_in_dim3A_757 = vector.broadcast %broadcast_in_dim3A_756 : i1 to vector<16xi1>
    %masked_cumsum3A = tpu.scan <sum>, %rev3A_755 masked %broadcast_in_dim3A_757 : vector<16xi32>, vector<16xi1> -> vector<16xi32>
    %rev3A_758 = arith.constant 15 : i32
    %rev3A_759 = vector.broadcast %rev3A_758 : i32 to vector<16xi32>
    %rev3A_760 = tpu.iota {dimensions = array<i32: 0>} : vector<16xi32>
    %rev3A_761 = arith.subi %rev3A_759, %rev3A_760 : vector<16xi32>
    %rev3A_762 = tpu.dynamic_gather %masked_cumsum3A[%rev3A_761] in [0] : vector<16xi32>, vector<16xi32> -> vector<16xi32>
    %ge3A = arith.cmpi sge, %rev3A_762, %broadcast_in_dim3A_497 : vector<16xi32>
    %all_reduce_population_count3A = tpu.all_reduce %ge3A {dim = 0 : i64, kind = #tpu.reduction_kind<sum>} : vector<16xi1> -> vector<16xi32>
    %sub3A = arith.constant 1 : i32
    %sub3A_763 = vector.broadcast %sub3A : i32 to vector<16xi32>
    %sub3A_764 = arith.subi %all_reduce_population_count3A, %sub3A_763 : vector<16xi32>
    %eq3A_765 = arith.cmpi eq, %iota3A, %sub3A_764 : vector<16xi32>
    %sub3A_766 = arith.subi %rev3A_762, %add3A_751 : vector<16xi32>
    %jit3A_767 = arith.constant 0 : i32
    %broadcast_in_dim3A_768 = vector.broadcast %jit3A_767 : i32 to vector<16xi32>
    %select_n3A_769 = arith.select %eq3A_765, %sub3A_766, %broadcast_in_dim3A_768 : vector<16xi1>, vector<16xi32>
    %reduce_sum3A_770 = arith.constant true
    %reduce_sum3A_771 = vector.broadcast %reduce_sum3A_770 : i1 to vector<16xi1>
    %reduce_sum3A_772 = tpu.scan <sum>, %select_n3A_769 masked %reduce_sum3A_771 : vector<16xi32>, vector<16xi1> -> vector<16xi32>
    %reduce_sum3A_773 = vector.extract %reduce_sum3A_772[15] : i32 from vector<16xi32>
    %reduce_max3A = arith.constant true
    %reduce_max3A_774 = vector.broadcast %reduce_max3A : i1 to vector<16xi1>
    %reduce_max3A_775 = arith.constant -2147483648 : i32
    %reduce_max3A_776 = vector.broadcast %reduce_max3A_775 : i32 to vector<16xi32>
    %reduce_max3A_777 = arith.xori %sub3A_764, %reduce_max3A_776 : vector<16xi32>
    %reduce_max3A_778 = tpu.scan <max>, %reduce_max3A_777 masked %reduce_max3A_774 : vector<16xi32>, vector<16xi1> -> vector<16xi32>
    %reduce_max3A_779 = arith.xori %reduce_max3A_778, %reduce_max3A_776 : vector<16xi32>
    %reduce_max3A_780 = vector.extract %reduce_max3A_779[15] : i32 from vector<16xi32>
    %mul3A_781 = arith.constant 16 : i32
    %mul3A_782 = arith.muli %reduce_max3A_780, %mul3A_781 : i32
    %get3A_783 = arith.index_cast %mul3A_782 : i32 to index
    %get3A_784 = tpu.vector_load %arg7[%get3A_783] {strides = array<i32>} : memref<256xi32, #tpu.memory_space<vmem>>, vector<16xi32>,
    %rev3A_785 = arith.constant 15 : i32
    %rev3A_786 = vector.broadcast %rev3A_785 : i32 to vector<16xi32>
    %rev3A_787 = tpu.iota {dimensions = array<i32: 0>} : vector<16xi32>
    %rev3A_788 = arith.subi %rev3A_786, %rev3A_787 : vector<16xi32>
    %rev3A_789 = tpu.dynamic_gather %get3A_784[%rev3A_788] in [0] : vector<16xi32>, vector<16xi32> -> vector<16xi32>
    %broadcast_in_dim3A_790 = arith.constant true
    %broadcast_in_dim3A_791 = vector.broadcast %broadcast_in_dim3A_790 : i1 to vector<16xi1>
    %masked_cumsum3A_792 = tpu.scan <sum>, %rev3A_789 masked %broadcast_in_dim3A_791 : vector<16xi32>, vector<16xi1> -> vector<16xi32>
    %rev3A_793 = arith.constant 15 : i32
    %rev3A_794 = vector.broadcast %rev3A_793 : i32 to vector<16xi32>
    %rev3A_795 = tpu.iota {dimensions = array<i32: 0>} : vector<16xi32>
    %rev3A_796 = arith.subi %rev3A_794, %rev3A_795 : vector<16xi32>
    %rev3A_797 = tpu.dynamic_gather %masked_cumsum3A_792[%rev3A_796] in [0] : vector<16xi32>, vector<16xi32> -> vector<16xi32>
    %add3A_798 = vector.broadcast %reduce_sum3A_773 : i32 to vector<16xi32>
    %add3A_799 = arith.addi %rev3A_797, %add3A_798 : vector<16xi32>
    %ge3A_800 = arith.cmpi sge, %add3A_799, %broadcast_in_dim3A_497 : vector<16xi32>
    %all_reduce_population_count3A_801 = tpu.all_reduce %ge3A_800 {dim = 0 : i64, kind = #tpu.reduction_kind<sum>} : vector<16xi1> -> vector<16xi32>
    %mul3A_802 = arith.constant 16 : i32
    %mul3A_803 = vector.broadcast %mul3A_802 : i32 to vector<16xi32>
    %mul3A_804 = arith.muli %sub3A_764, %mul3A_803 : vector<16xi32>
    %add3A_805 = arith.addi %mul3A_804, %all_reduce_population_count3A_801 : vector<16xi32>
    %sub3A_806 = arith.constant 1 : i32
    %sub3A_807 = vector.broadcast %sub3A_806 : i32 to vector<16xi32>
    %sub3A_808 = arith.subi %add3A_805, %sub3A_807 : vector<16xi32>
    %sub3A_809 = arith.constant 1 : i32
    %sub3A_810 = vector.broadcast %sub3A_809 : i32 to vector<16xi32>
    %sub3A_811 = arith.subi %all_reduce_population_count3A_801, %sub3A_810 : vector<16xi32>
    %eq3A_812 = arith.cmpi eq, %iota3A, %sub3A_811 : vector<16xi32>
    %jit3A_813 = arith.constant 0 : i32
    %broadcast_in_dim3A_814 = vector.broadcast %jit3A_813 : i32 to vector<16xi32>
    %select_n3A_815 = arith.select %eq3A_812, %add3A_799, %broadcast_in_dim3A_814 : vector<16xi1>, vector<16xi32>
    %reduce_sum3A_816 = arith.constant true
    %reduce_sum3A_817 = vector.broadcast %reduce_sum3A_816 : i1 to vector<16xi1>
    %reduce_sum3A_818 = tpu.scan <sum>, %select_n3A_815 masked %reduce_sum3A_817 : vector<16xi32>, vector<16xi1> -> vector<16xi32>
    %reduce_sum3A_819 = vector.extract %reduce_sum3A_818[15] : i32 from vector<16xi32>
    %eq3A_820 = arith.cmpi eq, %iota3A, %sub3A_811 : vector<16xi32>
    %jit3A_821 = arith.constant 0 : i32
    %broadcast_in_dim3A_822 = vector.broadcast %jit3A_821 : i32 to vector<16xi32>
    %select_n3A_823 = arith.select %eq3A_820, %get3A_784, %broadcast_in_dim3A_822 : vector<16xi1>, vector<16xi32>
    %reduce_sum3A_824 = arith.constant true
    %reduce_sum3A_825 = vector.broadcast %reduce_sum3A_824 : i1 to vector<16xi1>
    %reduce_sum3A_826 = tpu.scan <sum>, %select_n3A_823 masked %reduce_sum3A_825 : vector<16xi32>, vector<16xi1> -> vector<16xi32>
    %reduce_sum3A_827 = vector.extract %reduce_sum3A_826[15] : i32 from vector<16xi32>
    %sub3A_828 = arith.subi %reduce_sum3A_819, %reduce_sum3A_827 : i32
    %sub3A_829 = vector.broadcast %sub3A_828 : i32 to vector<16xi32>
    %sub3A_830 = arith.subi %broadcast_in_dim3A_497, %sub3A_829 : vector<16xi32>
    %shift_left3A = arith.constant 24 : i32
    %shift_left3A_831 = vector.broadcast %shift_left3A : i32 to vector<16xi32>
    %shift_left3A_832 = arith.shli %sub3A_808, %shift_left3A_831 : vector<16xi32>
    %swap3A_833 = arith.constant 0 : index
    %swap3A_834 = tpu.vector_load %arg6[%swap3A_833] {strides = array<i32>} : memref<256xi32, #tpu.memory_space<vmem>>, vector<16xi32>,
    tpu.vector_store %arg6[%swap3A_833], %broadcast_in_dim3A_2 {strides = array<i32>} : memref<256xi32, #tpu.memory_space<vmem>>, vector<16xi32>,
    %swap3A_835 = arith.constant 16 : index
    %swap3A_836 = tpu.vector_load %arg6[%swap3A_835] {strides = array<i32>} : memref<256xi32, #tpu.memory_space<vmem>>, vector<16xi32>,
    tpu.vector_store %arg6[%swap3A_835], %broadcast_in_dim3A_2 {strides = array<i32>} : memref<256xi32, #tpu.memory_space<vmem>>, vector<16xi32>,
    %swap3A_837 = arith.constant 32 : index
    %swap3A_838 = tpu.vector_load %arg6[%swap3A_837] {strides = array<i32>} : memref<256xi32, #tpu.memory_space<vmem>>, vector<16xi32>,
    tpu.vector_store %arg6[%swap3A_837], %broadcast_in_dim3A_2 {strides = array<i32>} : memref<256xi32, #tpu.memory_space<vmem>>, vector<16xi32>,
    %swap3A_839 = arith.constant 48 : index
    %swap3A_840 = tpu.vector_load %arg6[%swap3A_839] {strides = array<i32>} : memref<256xi32, #tpu.memory_space<vmem>>, vector<16xi32>,
    tpu.vector_store %arg6[%swap3A_839], %broadcast_in_dim3A_2 {strides = array<i32>} : memref<256xi32, #tpu.memory_space<vmem>>, vector<16xi32>,
    %swap3A_841 = arith.constant 64 : index
    %swap3A_842 = tpu.vector_load %arg6[%swap3A_841] {strides = array<i32>} : memref<256xi32, #tpu.memory_space<vmem>>, vector<16xi32>,
    tpu.vector_store %arg6[%swap3A_841], %broadcast_in_dim3A_2 {strides = array<i32>} : memref<256xi32, #tpu.memory_space<vmem>>, vector<16xi32>,
    %swap3A_843 = arith.constant 80 : index
    %swap3A_844 = tpu.vector_load %arg6[%swap3A_843] {strides = array<i32>} : memref<256xi32, #tpu.memory_space<vmem>>, vector<16xi32>,
    tpu.vector_store %arg6[%swap3A_843], %broadcast_in_dim3A_2 {strides = array<i32>} : memref<256xi32, #tpu.memory_space<vmem>>, vector<16xi32>,
    %swap3A_845 = arith.constant 96 : index
    %swap3A_846 = tpu.vector_load %arg6[%swap3A_845] {strides = array<i32>} : memref<256xi32, #tpu.memory_space<vmem>>, vector<16xi32>,
    tpu.vector_store %arg6[%swap3A_845], %broadcast_in_dim3A_2 {strides = array<i32>} : memref<256xi32, #tpu.memory_space<vmem>>, vector<16xi32>,
    %swap3A_847 = arith.constant 112 : index
    %swap3A_848 = tpu.vector_load %arg6[%swap3A_847] {strides = array<i32>} : memref<256xi32, #tpu.memory_space<vmem>>, vector<16xi32>,
    tpu.vector_store %arg6[%swap3A_847], %broadcast_in_dim3A_2 {strides = array<i32>} : memref<256xi32, #tpu.memory_space<vmem>>, vector<16xi32>,
    %swap3A_849 = arith.constant 128 : index
    %swap3A_850 = tpu.vector_load %arg6[%swap3A_849] {strides = array<i32>} : memref<256xi32, #tpu.memory_space<vmem>>, vector<16xi32>,
    tpu.vector_store %arg6[%swap3A_849], %broadcast_in_dim3A_2 {strides = array<i32>} : memref<256xi32, #tpu.memory_space<vmem>>, vector<16xi32>,
    %swap3A_851 = arith.constant 144 : index
    %swap3A_852 = tpu.vector_load %arg6[%swap3A_851] {strides = array<i32>} : memref<256xi32, #tpu.memory_space<vmem>>, vector<16xi32>,
    tpu.vector_store %arg6[%swap3A_851], %broadcast_in_dim3A_2 {strides = array<i32>} : memref<256xi32, #tpu.memory_space<vmem>>, vector<16xi32>,
    %swap3A_853 = arith.constant 160 : index
    %swap3A_854 = tpu.vector_load %arg6[%swap3A_853] {strides = array<i32>} : memref<256xi32, #tpu.memory_space<vmem>>, vector<16xi32>,
    tpu.vector_store %arg6[%swap3A_853], %broadcast_in_dim3A_2 {strides = array<i32>} : memref<256xi32, #tpu.memory_space<vmem>>, vector<16xi32>,
    %swap3A_855 = arith.constant 176 : index
    %swap3A_856 = tpu.vector_load %arg6[%swap3A_855] {strides = array<i32>} : memref<256xi32, #tpu.memory_space<vmem>>, vector<16xi32>,
    tpu.vector_store %arg6[%swap3A_855], %broadcast_in_dim3A_2 {strides = array<i32>} : memref<256xi32, #tpu.memory_space<vmem>>, vector<16xi32>,
    %swap3A_857 = arith.constant 192 : index
    %swap3A_858 = tpu.vector_load %arg6[%swap3A_857] {strides = array<i32>} : memref<256xi32, #tpu.memory_space<vmem>>, vector<16xi32>,
    tpu.vector_store %arg6[%swap3A_857], %broadcast_in_dim3A_2 {strides = array<i32>} : memref<256xi32, #tpu.memory_space<vmem>>, vector<16xi32>,
    %swap3A_859 = arith.constant 208 : index
    %swap3A_860 = tpu.vector_load %arg6[%swap3A_859] {strides = array<i32>} : memref<256xi32, #tpu.memory_space<vmem>>, vector<16xi32>,
    tpu.vector_store %arg6[%swap3A_859], %broadcast_in_dim3A_2 {strides = array<i32>} : memref<256xi32, #tpu.memory_space<vmem>>, vector<16xi32>,
    %swap3A_861 = arith.constant 224 : index
    %swap3A_862 = tpu.vector_load %arg6[%swap3A_861] {strides = array<i32>} : memref<256xi32, #tpu.memory_space<vmem>>, vector<16xi32>,
    tpu.vector_store %arg6[%swap3A_861], %broadcast_in_dim3A_2 {strides = array<i32>} : memref<256xi32, #tpu.memory_space<vmem>>, vector<16xi32>,
    %swap3A_863 = arith.constant 240 : index
    %swap3A_864 = tpu.vector_load %arg6[%swap3A_863] {strides = array<i32>} : memref<256xi32, #tpu.memory_space<vmem>>, vector<16xi32>,
    tpu.vector_store %arg6[%swap3A_863], %broadcast_in_dim3A_2 {strides = array<i32>} : memref<256xi32, #tpu.memory_space<vmem>>, vector<16xi32>,
    %shift_right_logical3A = arith.constant 24 : i32
    %shift_right_logical3A_865 = vector.broadcast %shift_right_logical3A : i32 to vector<16xi32>
    %shift_right_logical3A_866 = arith.shrui %shift_left3A_832, %shift_right_logical3A_865 : vector<16xi32>
    %parallel_loop3A_867 = arith.constant 0 : i32
    %parallel_loop3A_868 = arith.constant 128 : i32
    %parallel_loop3A_869 = arith.constant 1 : i32
    %parallel_loop3A_870 = arith.constant 24 : i32
    scf.for %parallel_loop3A_2018 = %parallel_loop3A_867 to %parallel_loop3A_868 step %parallel_loop3A_869  : i32 {
      %parallel_loop3A_2019 = arith.constant 16 : i32
      %parallel_loop3A_2020 = arith.muli %parallel_loop3A_2018, %parallel_loop3A_2019 : i32
      %parallel_loop3A_2021 = arith.index_cast %parallel_loop3A_2020 : i32 to index
      %parallel_loop3A_2022 = tpu.vector_load %arg5[%parallel_loop3A_2021] {strides = array<i32>} : memref<2048xi32, #tpu.memory_space<vmem>>, vector<16xi32>,
      %parallel_loop3A_2023 = vector.broadcast %parallel_loop3A_870 : i32 to vector<16xi32>
      %parallel_loop3A_2024 = arith.shrui %parallel_loop3A_2022, %parallel_loop3A_2023 : vector<16xi32>
      %parallel_loop3A_2025 = arith.cmpi eq, %parallel_loop3A_2024, %shift_right_logical3A_866 : vector<16xi32>
      %parallel_loop3A_2026 = arith.constant 16 : i32
      %parallel_loop3A_2027 = vector.broadcast %parallel_loop3A_2026 : i32 to vector<16xi32>
      %parallel_loop3A_2028 = arith.shrui %parallel_loop3A_2022, %parallel_loop3A_2027 : vector<16xi32>
      %parallel_loop3A_2029 = arith.constant 255 : i32
      %parallel_loop3A_2030 = vector.broadcast %parallel_loop3A_2029 : i32 to vector<16xi32>
      %parallel_loop3A_2031 = arith.andi %parallel_loop3A_2028, %parallel_loop3A_2030 : vector<16xi32>
      tpu.vector_store_idx %arg6[%parallel_loop3A_2031], %broadcast_in_dim3A_4 masked %parallel_loop3A_2025 {add = true} : memref<256xi32, #tpu.memory_space<vmem>>[vector<16xi32>], vector<16xi32>, vector<16xi1>
    } {sc.loop_unroll_factor = 8 : i64, sc.parallel_access}
    %dma_start3A_871 = arith.constant 2 : i32
    %dma_start3A_872 = arith.constant 0 : i32
    %dma_start3A_873 = tpu.memref_slice %arg6[%dma_start3A_872] : memref<256xi32, #tpu.memory_space<vmem>> -> memref<128xi32, #tpu.memory_space<vmem>>
    %dma_start3A_874 = arith.constant 0 : i32
    %dma_start3A_875 = tpu.memref_slice %arg8[%dma_start3A_871, %dma_start3A_874] : memref<8x128xi32, #tpu.memory_space<vmem>> -> memref<1x128xi32, #tpu.memory_space<vmem>>
    %dma_start3A_876 = tpu.memref_squeeze %dma_start3A_875 : memref<1x128xi32, #tpu.memory_space<vmem>> -> memref<128xi32, #tpu.memory_space<vmem>>
    %dma_start3A_877 = arith.constant 0 : i32
    %dma_start3A_878 = tpu.memref_slice %arg15[%dma_start3A_877] : memref<5120xi32, #tpu.memory_space<vmem_shared>> -> memref<5120xi32, #tpu.memory_space<vmem_shared>>
    tpu.enqueue_indirect_dma source(%dma_start3A_873 : memref<128xi32, #tpu.memory_space<vmem>>) target(%dma_start3A_878 : memref<5120xi32, #tpu.memory_space<vmem_shared>>) offsets(%dma_start3A_876 : memref<128xi32, #tpu.memory_space<vmem>>) semaphore(%arg13 : memref<!tpu.dma_semaphore, #tpu.memory_space<semaphore_mem>>) {add = true}
    %dma_start3A_879 = arith.constant 3 : i32
    %dma_start3A_880 = arith.constant 128 : i32
    %dma_start3A_881 = tpu.memref_slice %arg6[%dma_start3A_880] : memref<256xi32, #tpu.memory_space<vmem>> -> memref<128xi32, #tpu.memory_space<vmem>>
    %dma_start3A_882 = arith.constant 0 : i32
    %dma_start3A_883 = tpu.memref_slice %arg8[%dma_start3A_879, %dma_start3A_882] : memref<8x128xi32, #tpu.memory_space<vmem>> -> memref<1x128xi32, #tpu.memory_space<vmem>>
    %dma_start3A_884 = tpu.memref_squeeze %dma_start3A_883 : memref<1x128xi32, #tpu.memory_space<vmem>> -> memref<128xi32, #tpu.memory_space<vmem>>
    %dma_start3A_885 = arith.constant 0 : i32
    %dma_start3A_886 = tpu.memref_slice %arg15[%dma_start3A_885] : memref<5120xi32, #tpu.memory_space<vmem_shared>> -> memref<5120xi32, #tpu.memory_space<vmem_shared>>
    tpu.enqueue_indirect_dma source(%dma_start3A_881 : memref<128xi32, #tpu.memory_space<vmem>>) target(%dma_start3A_886 : memref<5120xi32, #tpu.memory_space<vmem_shared>>) offsets(%dma_start3A_884 : memref<128xi32, #tpu.memory_space<vmem>>) semaphore(%arg14 : memref<!tpu.dma_semaphore, #tpu.memory_space<semaphore_mem>>) {add = true}
    %dma_wait3A_887 = arith.constant 2 : i32
    %dma_wait3A_888 = arith.constant 0 : i32
    %dma_wait3A_889 = tpu.memref_slice %arg6[%dma_wait3A_888] : memref<256xi32, #tpu.memory_space<vmem>> -> memref<128xi32, #tpu.memory_space<vmem>>
    %dma_wait3A_890 = arith.constant 0 : i32
    %dma_wait3A_891 = tpu.memref_slice %arg8[%dma_wait3A_887, %dma_wait3A_890] : memref<8x128xi32, #tpu.memory_space<vmem>> -> memref<1x128xi32, #tpu.memory_space<vmem>>
    %dma_wait3A_892 = tpu.memref_squeeze %dma_wait3A_891 : memref<1x128xi32, #tpu.memory_space<vmem>> -> memref<128xi32, #tpu.memory_space<vmem>>
    %dma_wait3A_893 = arith.constant 0 : i32
    %dma_wait3A_894 = tpu.memref_slice %arg15[%dma_wait3A_893] : memref<5120xi32, #tpu.memory_space<vmem_shared>> -> memref<5120xi32, #tpu.memory_space<vmem_shared>>
    tpu.wait_indirect_dma semaphore(%arg13 : memref<!tpu.dma_semaphore, #tpu.memory_space<semaphore_mem>>) src(%dma_wait3A_889 : memref<128xi32, #tpu.memory_space<vmem>>) dst(%dma_wait3A_894 : memref<5120xi32, #tpu.memory_space<vmem_shared>>)
    %dma_wait3A_895 = arith.constant 3 : i32
    %dma_wait3A_896 = arith.constant 128 : i32
    %dma_wait3A_897 = tpu.memref_slice %arg6[%dma_wait3A_896] : memref<256xi32, #tpu.memory_space<vmem>> -> memref<128xi32, #tpu.memory_space<vmem>>
    %dma_wait3A_898 = arith.constant 0 : i32
    %dma_wait3A_899 = tpu.memref_slice %arg8[%dma_wait3A_895, %dma_wait3A_898] : memref<8x128xi32, #tpu.memory_space<vmem>> -> memref<1x128xi32, #tpu.memory_space<vmem>>
    %dma_wait3A_900 = tpu.memref_squeeze %dma_wait3A_899 : memref<1x128xi32, #tpu.memory_space<vmem>> -> memref<128xi32, #tpu.memory_space<vmem>>
    %dma_wait3A_901 = arith.constant 0 : i32
    %dma_wait3A_902 = tpu.memref_slice %arg15[%dma_wait3A_901] : memref<5120xi32, #tpu.memory_space<vmem_shared>> -> memref<5120xi32, #tpu.memory_space<vmem_shared>>
    tpu.wait_indirect_dma semaphore(%arg14 : memref<!tpu.dma_semaphore, #tpu.memory_space<semaphore_mem>>) src(%dma_wait3A_897 : memref<128xi32, #tpu.memory_space<vmem>>) dst(%dma_wait3A_902 : memref<5120xi32, #tpu.memory_space<vmem_shared>>)
    %barrier3A_903 = arith.constant 0 : index
    tpu.barrier barrier_id(%barrier3A_903)
    "tpu.region"() ({
      %run_scoped3A = tpu.sem_alloc : memref<!tpu.dma_semaphore, #tpu.memory_space<semaphore_mem>>
      %dma_start3A_2018 = arith.constant 256 : i32
      %dma_start3A_2019 = tpu.memref_slice %arg15[%dma_start3A_2018] : memref<5120xi32, #tpu.memory_space<vmem_shared>> -> memref<256xi32, #tpu.memory_space<vmem_shared>>
      %dma_start3A_2020 = arith.constant 256 : i32
      %dma_start3A_2021 = tpu.memref_slice %arg15[%dma_start3A_2020] : memref<5120xi32, #tpu.memory_space<vmem_shared>> -> memref<256xi32, #tpu.memory_space<vmem_shared>>
      tpu.enqueue_dma source(%dma_start3A_2021 : memref<256xi32, #tpu.memory_space<vmem_shared>>) target(%arg7 : memref<256xi32, #tpu.memory_space<vmem>>) target_semaphore(%run_scoped3A : memref<!tpu.dma_semaphore, #tpu.memory_space<semaphore_mem>>)
      %dma_wait3A_2022 = arith.constant 256 : i32
      %dma_wait3A_2023 = tpu.memref_slice %arg15[%dma_wait3A_2022] : memref<5120xi32, #tpu.memory_space<vmem_shared>> -> memref<256xi32, #tpu.memory_space<vmem_shared>>
      %dma_wait3A_2024 = arith.constant 256 : i32
      %dma_wait3A_2025 = tpu.memref_slice %arg15[%dma_wait3A_2024] : memref<5120xi32, #tpu.memory_space<vmem_shared>> -> memref<256xi32, #tpu.memory_space<vmem_shared>>
      tpu.wait_dma2 semaphore(%run_scoped3A : memref<!tpu.dma_semaphore, #tpu.memory_space<semaphore_mem>>) src(%dma_wait3A_2025 : memref<256xi32, #tpu.memory_space<vmem_shared>>) dst(%arg7 : memref<256xi32, #tpu.memory_space<vmem>>)
      tpu.yield
    }) : () -> ()
    %get3A_904 = arith.constant 0 : index
    %get3A_905 = tpu.vector_load %arg7[%get3A_904] {strides = array<i32>} : memref<256xi32, #tpu.memory_space<vmem>>, vector<16xi32>,
    %eq3A_906 = arith.constant 0 : i32
    %eq3A_907 = vector.broadcast %eq3A_906 : i32 to vector<16xi32>
    %eq3A_908 = arith.cmpi eq, %iota3A, %eq3A_907 : vector<16xi32>
    %reduce_sum3A_909 = arith.constant true
    %reduce_sum3A_910 = vector.broadcast %reduce_sum3A_909 : i1 to vector<16xi1>
    %reduce_sum3A_911 = tpu.scan <sum>, %get3A_905 masked %reduce_sum3A_910 : vector<16xi32>, vector<16xi1> -> vector<16xi32>
    %reduce_sum3A_912 = vector.extract %reduce_sum3A_911[15] : i32 from vector<16xi32>
    %jit3A_913 = arith.constant 0 : i32
    %broadcast_in_dim3A_914 = vector.broadcast %reduce_sum3A_912 : i32 to vector<16xi32>
    %broadcast_in_dim3A_915 = vector.broadcast %jit3A_913 : i32 to vector<16xi32>
    %select_n3A_916 = arith.select %eq3A_908, %broadcast_in_dim3A_914, %broadcast_in_dim3A_915 : vector<16xi1>, vector<16xi32>
    %add3A_917 = arith.addi %broadcast_in_dim3A_2, %select_n3A_916 : vector<16xi32>
    %get3A_918 = arith.constant 16 : index
    %get3A_919 = tpu.vector_load %arg7[%get3A_918] {strides = array<i32>} : memref<256xi32, #tpu.memory_space<vmem>>, vector<16xi32>,
    %eq3A_920 = arith.constant 1 : i32
    %eq3A_921 = vector.broadcast %eq3A_920 : i32 to vector<16xi32>
    %eq3A_922 = arith.cmpi eq, %iota3A, %eq3A_921 : vector<16xi32>
    %reduce_sum3A_923 = arith.constant true
    %reduce_sum3A_924 = vector.broadcast %reduce_sum3A_923 : i1 to vector<16xi1>
    %reduce_sum3A_925 = tpu.scan <sum>, %get3A_919 masked %reduce_sum3A_924 : vector<16xi32>, vector<16xi1> -> vector<16xi32>
    %reduce_sum3A_926 = vector.extract %reduce_sum3A_925[15] : i32 from vector<16xi32>
    %jit3A_927 = arith.constant 0 : i32
    %broadcast_in_dim3A_928 = vector.broadcast %reduce_sum3A_926 : i32 to vector<16xi32>
    %broadcast_in_dim3A_929 = vector.broadcast %jit3A_927 : i32 to vector<16xi32>
    %select_n3A_930 = arith.select %eq3A_922, %broadcast_in_dim3A_928, %broadcast_in_dim3A_929 : vector<16xi1>, vector<16xi32>
    %add3A_931 = arith.addi %add3A_917, %select_n3A_930 : vector<16xi32>
    %get3A_932 = arith.constant 32 : index
    %get3A_933 = tpu.vector_load %arg7[%get3A_932] {strides = array<i32>} : memref<256xi32, #tpu.memory_space<vmem>>, vector<16xi32>,
    %eq3A_934 = arith.constant 2 : i32
    %eq3A_935 = vector.broadcast %eq3A_934 : i32 to vector<16xi32>
    %eq3A_936 = arith.cmpi eq, %iota3A, %eq3A_935 : vector<16xi32>
    %reduce_sum3A_937 = arith.constant true
    %reduce_sum3A_938 = vector.broadcast %reduce_sum3A_937 : i1 to vector<16xi1>
    %reduce_sum3A_939 = tpu.scan <sum>, %get3A_933 masked %reduce_sum3A_938 : vector<16xi32>, vector<16xi1> -> vector<16xi32>
    %reduce_sum3A_940 = vector.extract %reduce_sum3A_939[15] : i32 from vector<16xi32>
    %jit3A_941 = arith.constant 0 : i32
    %broadcast_in_dim3A_942 = vector.broadcast %reduce_sum3A_940 : i32 to vector<16xi32>
    %broadcast_in_dim3A_943 = vector.broadcast %jit3A_941 : i32 to vector<16xi32>
    %select_n3A_944 = arith.select %eq3A_936, %broadcast_in_dim3A_942, %broadcast_in_dim3A_943 : vector<16xi1>, vector<16xi32>
    %add3A_945 = arith.addi %add3A_931, %select_n3A_944 : vector<16xi32>
    %get3A_946 = arith.constant 48 : index
    %get3A_947 = tpu.vector_load %arg7[%get3A_946] {strides = array<i32>} : memref<256xi32, #tpu.memory_space<vmem>>, vector<16xi32>,
    %eq3A_948 = arith.constant 3 : i32
    %eq3A_949 = vector.broadcast %eq3A_948 : i32 to vector<16xi32>
    %eq3A_950 = arith.cmpi eq, %iota3A, %eq3A_949 : vector<16xi32>
    %reduce_sum3A_951 = arith.constant true
    %reduce_sum3A_952 = vector.broadcast %reduce_sum3A_951 : i1 to vector<16xi1>
    %reduce_sum3A_953 = tpu.scan <sum>, %get3A_947 masked %reduce_sum3A_952 : vector<16xi32>, vector<16xi1> -> vector<16xi32>
    %reduce_sum3A_954 = vector.extract %reduce_sum3A_953[15] : i32 from vector<16xi32>
    %jit3A_955 = arith.constant 0 : i32
    %broadcast_in_dim3A_956 = vector.broadcast %reduce_sum3A_954 : i32 to vector<16xi32>
    %broadcast_in_dim3A_957 = vector.broadcast %jit3A_955 : i32 to vector<16xi32>
    %select_n3A_958 = arith.select %eq3A_950, %broadcast_in_dim3A_956, %broadcast_in_dim3A_957 : vector<16xi1>, vector<16xi32>
    %add3A_959 = arith.addi %add3A_945, %select_n3A_958 : vector<16xi32>
    %get3A_960 = arith.constant 64 : index
    %get3A_961 = tpu.vector_load %arg7[%get3A_960] {strides = array<i32>} : memref<256xi32, #tpu.memory_space<vmem>>, vector<16xi32>,
    %eq3A_962 = arith.constant 4 : i32
    %eq3A_963 = vector.broadcast %eq3A_962 : i32 to vector<16xi32>
    %eq3A_964 = arith.cmpi eq, %iota3A, %eq3A_963 : vector<16xi32>
    %reduce_sum3A_965 = arith.constant true
    %reduce_sum3A_966 = vector.broadcast %reduce_sum3A_965 : i1 to vector<16xi1>
    %reduce_sum3A_967 = tpu.scan <sum>, %get3A_961 masked %reduce_sum3A_966 : vector<16xi32>, vector<16xi1> -> vector<16xi32>
    %reduce_sum3A_968 = vector.extract %reduce_sum3A_967[15] : i32 from vector<16xi32>
    %jit3A_969 = arith.constant 0 : i32
    %broadcast_in_dim3A_970 = vector.broadcast %reduce_sum3A_968 : i32 to vector<16xi32>
    %broadcast_in_dim3A_971 = vector.broadcast %jit3A_969 : i32 to vector<16xi32>
    %select_n3A_972 = arith.select %eq3A_964, %broadcast_in_dim3A_970, %broadcast_in_dim3A_971 : vector<16xi1>, vector<16xi32>
    %add3A_973 = arith.addi %add3A_959, %select_n3A_972 : vector<16xi32>
    %get3A_974 = arith.constant 80 : index
    %get3A_975 = tpu.vector_load %arg7[%get3A_974] {strides = array<i32>} : memref<256xi32, #tpu.memory_space<vmem>>, vector<16xi32>,
    %eq3A_976 = arith.constant 5 : i32
    %eq3A_977 = vector.broadcast %eq3A_976 : i32 to vector<16xi32>
    %eq3A_978 = arith.cmpi eq, %iota3A, %eq3A_977 : vector<16xi32>
    %reduce_sum3A_979 = arith.constant true
    %reduce_sum3A_980 = vector.broadcast %reduce_sum3A_979 : i1 to vector<16xi1>
    %reduce_sum3A_981 = tpu.scan <sum>, %get3A_975 masked %reduce_sum3A_980 : vector<16xi32>, vector<16xi1> -> vector<16xi32>
    %reduce_sum3A_982 = vector.extract %reduce_sum3A_981[15] : i32 from vector<16xi32>
    %jit3A_983 = arith.constant 0 : i32
    %broadcast_in_dim3A_984 = vector.broadcast %reduce_sum3A_982 : i32 to vector<16xi32>
    %broadcast_in_dim3A_985 = vector.broadcast %jit3A_983 : i32 to vector<16xi32>
    %select_n3A_986 = arith.select %eq3A_978, %broadcast_in_dim3A_984, %broadcast_in_dim3A_985 : vector<16xi1>, vector<16xi32>
    %add3A_987 = arith.addi %add3A_973, %select_n3A_986 : vector<16xi32>
    %get3A_988 = arith.constant 96 : index
    %get3A_989 = tpu.vector_load %arg7[%get3A_988] {strides = array<i32>} : memref<256xi32, #tpu.memory_space<vmem>>, vector<16xi32>,
    %eq3A_990 = arith.constant 6 : i32
    %eq3A_991 = vector.broadcast %eq3A_990 : i32 to vector<16xi32>
    %eq3A_992 = arith.cmpi eq, %iota3A, %eq3A_991 : vector<16xi32>
    %reduce_sum3A_993 = arith.constant true
    %reduce_sum3A_994 = vector.broadcast %reduce_sum3A_993 : i1 to vector<16xi1>
    %reduce_sum3A_995 = tpu.scan <sum>, %get3A_989 masked %reduce_sum3A_994 : vector<16xi32>, vector<16xi1> -> vector<16xi32>
    %reduce_sum3A_996 = vector.extract %reduce_sum3A_995[15] : i32 from vector<16xi32>
    %jit3A_997 = arith.constant 0 : i32
    %broadcast_in_dim3A_998 = vector.broadcast %reduce_sum3A_996 : i32 to vector<16xi32>
    %broadcast_in_dim3A_999 = vector.broadcast %jit3A_997 : i32 to vector<16xi32>
    %select_n3A_1000 = arith.select %eq3A_992, %broadcast_in_dim3A_998, %broadcast_in_dim3A_999 : vector<16xi1>, vector<16xi32>
    %add3A_1001 = arith.addi %add3A_987, %select_n3A_1000 : vector<16xi32>
    %get3A_1002 = arith.constant 112 : index
    %get3A_1003 = tpu.vector_load %arg7[%get3A_1002] {strides = array<i32>} : memref<256xi32, #tpu.memory_space<vmem>>, vector<16xi32>,
    %eq3A_1004 = arith.constant 7 : i32
    %eq3A_1005 = vector.broadcast %eq3A_1004 : i32 to vector<16xi32>
    %eq3A_1006 = arith.cmpi eq, %iota3A, %eq3A_1005 : vector<16xi32>
    %reduce_sum3A_1007 = arith.constant true
    %reduce_sum3A_1008 = vector.broadcast %reduce_sum3A_1007 : i1 to vector<16xi1>
    %reduce_sum3A_1009 = tpu.scan <sum>, %get3A_1003 masked %reduce_sum3A_1008 : vector<16xi32>, vector<16xi1> -> vector<16xi32>
    %reduce_sum3A_1010 = vector.extract %reduce_sum3A_1009[15] : i32 from vector<16xi32>
    %jit3A_1011 = arith.constant 0 : i32
    %broadcast_in_dim3A_1012 = vector.broadcast %reduce_sum3A_1010 : i32 to vector<16xi32>
    %broadcast_in_dim3A_1013 = vector.broadcast %jit3A_1011 : i32 to vector<16xi32>
    %select_n3A_1014 = arith.select %eq3A_1006, %broadcast_in_dim3A_1012, %broadcast_in_dim3A_1013 : vector<16xi1>, vector<16xi32>
    %add3A_1015 = arith.addi %add3A_1001, %select_n3A_1014 : vector<16xi32>
    %get3A_1016 = arith.constant 128 : index
    %get3A_1017 = tpu.vector_load %arg7[%get3A_1016] {strides = array<i32>} : memref<256xi32, #tpu.memory_space<vmem>>, vector<16xi32>,
    %eq3A_1018 = arith.constant 8 : i32
    %eq3A_1019 = vector.broadcast %eq3A_1018 : i32 to vector<16xi32>
    %eq3A_1020 = arith.cmpi eq, %iota3A, %eq3A_1019 : vector<16xi32>
    %reduce_sum3A_1021 = arith.constant true
    %reduce_sum3A_1022 = vector.broadcast %reduce_sum3A_1021 : i1 to vector<16xi1>
    %reduce_sum3A_1023 = tpu.scan <sum>, %get3A_1017 masked %reduce_sum3A_1022 : vector<16xi32>, vector<16xi1> -> vector<16xi32>
    %reduce_sum3A_1024 = vector.extract %reduce_sum3A_1023[15] : i32 from vector<16xi32>
    %jit3A_1025 = arith.constant 0 : i32
    %broadcast_in_dim3A_1026 = vector.broadcast %reduce_sum3A_1024 : i32 to vector<16xi32>
    %broadcast_in_dim3A_1027 = vector.broadcast %jit3A_1025 : i32 to vector<16xi32>
    %select_n3A_1028 = arith.select %eq3A_1020, %broadcast_in_dim3A_1026, %broadcast_in_dim3A_1027 : vector<16xi1>, vector<16xi32>
    %add3A_1029 = arith.addi %add3A_1015, %select_n3A_1028 : vector<16xi32>
    %get3A_1030 = arith.constant 144 : index
    %get3A_1031 = tpu.vector_load %arg7[%get3A_1030] {strides = array<i32>} : memref<256xi32, #tpu.memory_space<vmem>>, vector<16xi32>,
    %eq3A_1032 = arith.constant 9 : i32
    %eq3A_1033 = vector.broadcast %eq3A_1032 : i32 to vector<16xi32>
    %eq3A_1034 = arith.cmpi eq, %iota3A, %eq3A_1033 : vector<16xi32>
    %reduce_sum3A_1035 = arith.constant true
    %reduce_sum3A_1036 = vector.broadcast %reduce_sum3A_1035 : i1 to vector<16xi1>
    %reduce_sum3A_1037 = tpu.scan <sum>, %get3A_1031 masked %reduce_sum3A_1036 : vector<16xi32>, vector<16xi1> -> vector<16xi32>
    %reduce_sum3A_1038 = vector.extract %reduce_sum3A_1037[15] : i32 from vector<16xi32>
    %jit3A_1039 = arith.constant 0 : i32
    %broadcast_in_dim3A_1040 = vector.broadcast %reduce_sum3A_1038 : i32 to vector<16xi32>
    %broadcast_in_dim3A_1041 = vector.broadcast %jit3A_1039 : i32 to vector<16xi32>
    %select_n3A_1042 = arith.select %eq3A_1034, %broadcast_in_dim3A_1040, %broadcast_in_dim3A_1041 : vector<16xi1>, vector<16xi32>
    %add3A_1043 = arith.addi %add3A_1029, %select_n3A_1042 : vector<16xi32>
    %get3A_1044 = arith.constant 160 : index
    %get3A_1045 = tpu.vector_load %arg7[%get3A_1044] {strides = array<i32>} : memref<256xi32, #tpu.memory_space<vmem>>, vector<16xi32>,
    %eq3A_1046 = arith.constant 10 : i32
    %eq3A_1047 = vector.broadcast %eq3A_1046 : i32 to vector<16xi32>
    %eq3A_1048 = arith.cmpi eq, %iota3A, %eq3A_1047 : vector<16xi32>
    %reduce_sum3A_1049 = arith.constant true
    %reduce_sum3A_1050 = vector.broadcast %reduce_sum3A_1049 : i1 to vector<16xi1>
    %reduce_sum3A_1051 = tpu.scan <sum>, %get3A_1045 masked %reduce_sum3A_1050 : vector<16xi32>, vector<16xi1> -> vector<16xi32>
    %reduce_sum3A_1052 = vector.extract %reduce_sum3A_1051[15] : i32 from vector<16xi32>
    %jit3A_1053 = arith.constant 0 : i32
    %broadcast_in_dim3A_1054 = vector.broadcast %reduce_sum3A_1052 : i32 to vector<16xi32>
    %broadcast_in_dim3A_1055 = vector.broadcast %jit3A_1053 : i32 to vector<16xi32>
    %select_n3A_1056 = arith.select %eq3A_1048, %broadcast_in_dim3A_1054, %broadcast_in_dim3A_1055 : vector<16xi1>, vector<16xi32>
    %add3A_1057 = arith.addi %add3A_1043, %select_n3A_1056 : vector<16xi32>
    %get3A_1058 = arith.constant 176 : index
    %get3A_1059 = tpu.vector_load %arg7[%get3A_1058] {strides = array<i32>} : memref<256xi32, #tpu.memory_space<vmem>>, vector<16xi32>,
    %eq3A_1060 = arith.constant 11 : i32
    %eq3A_1061 = vector.broadcast %eq3A_1060 : i32 to vector<16xi32>
    %eq3A_1062 = arith.cmpi eq, %iota3A, %eq3A_1061 : vector<16xi32>
    %reduce_sum3A_1063 = arith.constant true
    %reduce_sum3A_1064 = vector.broadcast %reduce_sum3A_1063 : i1 to vector<16xi1>
    %reduce_sum3A_1065 = tpu.scan <sum>, %get3A_1059 masked %reduce_sum3A_1064 : vector<16xi32>, vector<16xi1> -> vector<16xi32>
    %reduce_sum3A_1066 = vector.extract %reduce_sum3A_1065[15] : i32 from vector<16xi32>
    %jit3A_1067 = arith.constant 0 : i32
    %broadcast_in_dim3A_1068 = vector.broadcast %reduce_sum3A_1066 : i32 to vector<16xi32>
    %broadcast_in_dim3A_1069 = vector.broadcast %jit3A_1067 : i32 to vector<16xi32>
    %select_n3A_1070 = arith.select %eq3A_1062, %broadcast_in_dim3A_1068, %broadcast_in_dim3A_1069 : vector<16xi1>, vector<16xi32>
    %add3A_1071 = arith.addi %add3A_1057, %select_n3A_1070 : vector<16xi32>
    %get3A_1072 = arith.constant 192 : index
    %get3A_1073 = tpu.vector_load %arg7[%get3A_1072] {strides = array<i32>} : memref<256xi32, #tpu.memory_space<vmem>>, vector<16xi32>,
    %eq3A_1074 = arith.constant 12 : i32
    %eq3A_1075 = vector.broadcast %eq3A_1074 : i32 to vector<16xi32>
    %eq3A_1076 = arith.cmpi eq, %iota3A, %eq3A_1075 : vector<16xi32>
    %reduce_sum3A_1077 = arith.constant true
    %reduce_sum3A_1078 = vector.broadcast %reduce_sum3A_1077 : i1 to vector<16xi1>
    %reduce_sum3A_1079 = tpu.scan <sum>, %get3A_1073 masked %reduce_sum3A_1078 : vector<16xi32>, vector<16xi1> -> vector<16xi32>
    %reduce_sum3A_1080 = vector.extract %reduce_sum3A_1079[15] : i32 from vector<16xi32>
    %jit3A_1081 = arith.constant 0 : i32
    %broadcast_in_dim3A_1082 = vector.broadcast %reduce_sum3A_1080 : i32 to vector<16xi32>
    %broadcast_in_dim3A_1083 = vector.broadcast %jit3A_1081 : i32 to vector<16xi32>
    %select_n3A_1084 = arith.select %eq3A_1076, %broadcast_in_dim3A_1082, %broadcast_in_dim3A_1083 : vector<16xi1>, vector<16xi32>
    %add3A_1085 = arith.addi %add3A_1071, %select_n3A_1084 : vector<16xi32>
    %get3A_1086 = arith.constant 208 : index
    %get3A_1087 = tpu.vector_load %arg7[%get3A_1086] {strides = array<i32>} : memref<256xi32, #tpu.memory_space<vmem>>, vector<16xi32>,
    %eq3A_1088 = arith.constant 13 : i32
    %eq3A_1089 = vector.broadcast %eq3A_1088 : i32 to vector<16xi32>
    %eq3A_1090 = arith.cmpi eq, %iota3A, %eq3A_1089 : vector<16xi32>
    %reduce_sum3A_1091 = arith.constant true
    %reduce_sum3A_1092 = vector.broadcast %reduce_sum3A_1091 : i1 to vector<16xi1>
    %reduce_sum3A_1093 = tpu.scan <sum>, %get3A_1087 masked %reduce_sum3A_1092 : vector<16xi32>, vector<16xi1> -> vector<16xi32>
    %reduce_sum3A_1094 = vector.extract %reduce_sum3A_1093[15] : i32 from vector<16xi32>
    %jit3A_1095 = arith.constant 0 : i32
    %broadcast_in_dim3A_1096 = vector.broadcast %reduce_sum3A_1094 : i32 to vector<16xi32>
    %broadcast_in_dim3A_1097 = vector.broadcast %jit3A_1095 : i32 to vector<16xi32>
    %select_n3A_1098 = arith.select %eq3A_1090, %broadcast_in_dim3A_1096, %broadcast_in_dim3A_1097 : vector<16xi1>, vector<16xi32>
    %add3A_1099 = arith.addi %add3A_1085, %select_n3A_1098 : vector<16xi32>
    %get3A_1100 = arith.constant 224 : index
    %get3A_1101 = tpu.vector_load %arg7[%get3A_1100] {strides = array<i32>} : memref<256xi32, #tpu.memory_space<vmem>>, vector<16xi32>,
    %eq3A_1102 = arith.constant 14 : i32
    %eq3A_1103 = vector.broadcast %eq3A_1102 : i32 to vector<16xi32>
    %eq3A_1104 = arith.cmpi eq, %iota3A, %eq3A_1103 : vector<16xi32>
    %reduce_sum3A_1105 = arith.constant true
    %reduce_sum3A_1106 = vector.broadcast %reduce_sum3A_1105 : i1 to vector<16xi1>
    %reduce_sum3A_1107 = tpu.scan <sum>, %get3A_1101 masked %reduce_sum3A_1106 : vector<16xi32>, vector<16xi1> -> vector<16xi32>
    %reduce_sum3A_1108 = vector.extract %reduce_sum3A_1107[15] : i32 from vector<16xi32>
    %jit3A_1109 = arith.constant 0 : i32
    %broadcast_in_dim3A_1110 = vector.broadcast %reduce_sum3A_1108 : i32 to vector<16xi32>
    %broadcast_in_dim3A_1111 = vector.broadcast %jit3A_1109 : i32 to vector<16xi32>
    %select_n3A_1112 = arith.select %eq3A_1104, %broadcast_in_dim3A_1110, %broadcast_in_dim3A_1111 : vector<16xi1>, vector<16xi32>
    %add3A_1113 = arith.addi %add3A_1099, %select_n3A_1112 : vector<16xi32>
    %get3A_1114 = arith.constant 240 : index
    %get3A_1115 = tpu.vector_load %arg7[%get3A_1114] {strides = array<i32>} : memref<256xi32, #tpu.memory_space<vmem>>, vector<16xi32>,
    %eq3A_1116 = arith.constant 15 : i32
    %eq3A_1117 = vector.broadcast %eq3A_1116 : i32 to vector<16xi32>
    %eq3A_1118 = arith.cmpi eq, %iota3A, %eq3A_1117 : vector<16xi32>
    %reduce_sum3A_1119 = arith.constant true
    %reduce_sum3A_1120 = vector.broadcast %reduce_sum3A_1119 : i1 to vector<16xi1>
    %reduce_sum3A_1121 = tpu.scan <sum>, %get3A_1115 masked %reduce_sum3A_1120 : vector<16xi32>, vector<16xi1> -> vector<16xi32>
    %reduce_sum3A_1122 = vector.extract %reduce_sum3A_1121[15] : i32 from vector<16xi32>
    %jit3A_1123 = arith.constant 0 : i32
    %broadcast_in_dim3A_1124 = vector.broadcast %reduce_sum3A_1122 : i32 to vector<16xi32>
    %broadcast_in_dim3A_1125 = vector.broadcast %jit3A_1123 : i32 to vector<16xi32>
    %select_n3A_1126 = arith.select %eq3A_1118, %broadcast_in_dim3A_1124, %broadcast_in_dim3A_1125 : vector<16xi1>, vector<16xi32>
    %add3A_1127 = arith.addi %add3A_1113, %select_n3A_1126 : vector<16xi32>
    %rev3A_1128 = arith.constant 15 : i32
    %rev3A_1129 = vector.broadcast %rev3A_1128 : i32 to vector<16xi32>
    %rev3A_1130 = tpu.iota {dimensions = array<i32: 0>} : vector<16xi32>
    %rev3A_1131 = arith.subi %rev3A_1129, %rev3A_1130 : vector<16xi32>
    %rev3A_1132 = tpu.dynamic_gather %add3A_1127[%rev3A_1131] in [0] : vector<16xi32>, vector<16xi32> -> vector<16xi32>
    %broadcast_in_dim3A_1133 = arith.constant true
    %broadcast_in_dim3A_1134 = vector.broadcast %broadcast_in_dim3A_1133 : i1 to vector<16xi1>
    %masked_cumsum3A_1135 = tpu.scan <sum>, %rev3A_1132 masked %broadcast_in_dim3A_1134 : vector<16xi32>, vector<16xi1> -> vector<16xi32>
    %rev3A_1136 = arith.constant 15 : i32
    %rev3A_1137 = vector.broadcast %rev3A_1136 : i32 to vector<16xi32>
    %rev3A_1138 = tpu.iota {dimensions = array<i32: 0>} : vector<16xi32>
    %rev3A_1139 = arith.subi %rev3A_1137, %rev3A_1138 : vector<16xi32>
    %rev3A_1140 = tpu.dynamic_gather %masked_cumsum3A_1135[%rev3A_1139] in [0] : vector<16xi32>, vector<16xi32> -> vector<16xi32>
    %ge3A_1141 = arith.cmpi sge, %rev3A_1140, %sub3A_830 : vector<16xi32>
    %all_reduce_population_count3A_1142 = tpu.all_reduce %ge3A_1141 {dim = 0 : i64, kind = #tpu.reduction_kind<sum>} : vector<16xi1> -> vector<16xi32>
    %sub3A_1143 = arith.constant 1 : i32
    %sub3A_1144 = vector.broadcast %sub3A_1143 : i32 to vector<16xi32>
    %sub3A_1145 = arith.subi %all_reduce_population_count3A_1142, %sub3A_1144 : vector<16xi32>
    %eq3A_1146 = arith.cmpi eq, %iota3A, %sub3A_1145 : vector<16xi32>
    %sub3A_1147 = arith.subi %rev3A_1140, %add3A_1127 : vector<16xi32>
    %jit3A_1148 = arith.constant 0 : i32
    %broadcast_in_dim3A_1149 = vector.broadcast %jit3A_1148 : i32 to vector<16xi32>
    %select_n3A_1150 = arith.select %eq3A_1146, %sub3A_1147, %broadcast_in_dim3A_1149 : vector<16xi1>, vector<16xi32>
    %reduce_sum3A_1151 = arith.constant true
    %reduce_sum3A_1152 = vector.broadcast %reduce_sum3A_1151 : i1 to vector<16xi1>
    %reduce_sum3A_1153 = tpu.scan <sum>, %select_n3A_1150 masked %reduce_sum3A_1152 : vector<16xi32>, vector<16xi1> -> vector<16xi32>
    %reduce_sum3A_1154 = vector.extract %reduce_sum3A_1153[15] : i32 from vector<16xi32>
    %reduce_max3A_1155 = arith.constant true
    %reduce_max3A_1156 = vector.broadcast %reduce_max3A_1155 : i1 to vector<16xi1>
    %reduce_max3A_1157 = arith.constant -2147483648 : i32
    %reduce_max3A_1158 = vector.broadcast %reduce_max3A_1157 : i32 to vector<16xi32>
    %reduce_max3A_1159 = arith.xori %sub3A_1145, %reduce_max3A_1158 : vector<16xi32>
    %reduce_max3A_1160 = tpu.scan <max>, %reduce_max3A_1159 masked %reduce_max3A_1156 : vector<16xi32>, vector<16xi1> -> vector<16xi32>
    %reduce_max3A_1161 = arith.xori %reduce_max3A_1160, %reduce_max3A_1158 : vector<16xi32>
    %reduce_max3A_1162 = vector.extract %reduce_max3A_1161[15] : i32 from vector<16xi32>
    %mul3A_1163 = arith.constant 16 : i32
    %mul3A_1164 = arith.muli %reduce_max3A_1162, %mul3A_1163 : i32
    %get3A_1165 = arith.index_cast %mul3A_1164 : i32 to index
    %get3A_1166 = tpu.vector_load %arg7[%get3A_1165] {strides = array<i32>} : memref<256xi32, #tpu.memory_space<vmem>>, vector<16xi32>,
    %rev3A_1167 = arith.constant 15 : i32
    %rev3A_1168 = vector.broadcast %rev3A_1167 : i32 to vector<16xi32>
    %rev3A_1169 = tpu.iota {dimensions = array<i32: 0>} : vector<16xi32>
    %rev3A_1170 = arith.subi %rev3A_1168, %rev3A_1169 : vector<16xi32>
    %rev3A_1171 = tpu.dynamic_gather %get3A_1166[%rev3A_1170] in [0] : vector<16xi32>, vector<16xi32> -> vector<16xi32>
    %broadcast_in_dim3A_1172 = arith.constant true
    %broadcast_in_dim3A_1173 = vector.broadcast %broadcast_in_dim3A_1172 : i1 to vector<16xi1>
    %masked_cumsum3A_1174 = tpu.scan <sum>, %rev3A_1171 masked %broadcast_in_dim3A_1173 : vector<16xi32>, vector<16xi1> -> vector<16xi32>
    %rev3A_1175 = arith.constant 15 : i32
    %rev3A_1176 = vector.broadcast %rev3A_1175 : i32 to vector<16xi32>
    %rev3A_1177 = tpu.iota {dimensions = array<i32: 0>} : vector<16xi32>
    %rev3A_1178 = arith.subi %rev3A_1176, %rev3A_1177 : vector<16xi32>
    %rev3A_1179 = tpu.dynamic_gather %masked_cumsum3A_1174[%rev3A_1178] in [0] : vector<16xi32>, vector<16xi32> -> vector<16xi32>
    %add3A_1180 = vector.broadcast %reduce_sum3A_1154 : i32 to vector<16xi32>
    %add3A_1181 = arith.addi %rev3A_1179, %add3A_1180 : vector<16xi32>
    %ge3A_1182 = arith.cmpi sge, %add3A_1181, %sub3A_830 : vector<16xi32>
    %all_reduce_population_count3A_1183 = tpu.all_reduce %ge3A_1182 {dim = 0 : i64, kind = #tpu.reduction_kind<sum>} : vector<16xi1> -> vector<16xi32>
    %mul3A_1184 = arith.constant 16 : i32
    %mul3A_1185 = vector.broadcast %mul3A_1184 : i32 to vector<16xi32>
    %mul3A_1186 = arith.muli %sub3A_1145, %mul3A_1185 : vector<16xi32>
    %add3A_1187 = arith.addi %mul3A_1186, %all_reduce_population_count3A_1183 : vector<16xi32>
    %sub3A_1188 = arith.constant 1 : i32
    %sub3A_1189 = vector.broadcast %sub3A_1188 : i32 to vector<16xi32>
    %sub3A_1190 = arith.subi %add3A_1187, %sub3A_1189 : vector<16xi32>
    %sub3A_1191 = arith.constant 1 : i32
    %sub3A_1192 = vector.broadcast %sub3A_1191 : i32 to vector<16xi32>
    %sub3A_1193 = arith.subi %all_reduce_population_count3A_1183, %sub3A_1192 : vector<16xi32>
    %eq3A_1194 = arith.cmpi eq, %iota3A, %sub3A_1193 : vector<16xi32>
    %jit3A_1195 = arith.constant 0 : i32
    %broadcast_in_dim3A_1196 = vector.broadcast %jit3A_1195 : i32 to vector<16xi32>
    %select_n3A_1197 = arith.select %eq3A_1194, %add3A_1181, %broadcast_in_dim3A_1196 : vector<16xi1>, vector<16xi32>
    %reduce_sum3A_1198 = arith.constant true
    %reduce_sum3A_1199 = vector.broadcast %reduce_sum3A_1198 : i1 to vector<16xi1>
    %reduce_sum3A_1200 = tpu.scan <sum>, %select_n3A_1197 masked %reduce_sum3A_1199 : vector<16xi32>, vector<16xi1> -> vector<16xi32>
    %reduce_sum3A_1201 = vector.extract %reduce_sum3A_1200[15] : i32 from vector<16xi32>
    %eq3A_1202 = arith.cmpi eq, %iota3A, %sub3A_1193 : vector<16xi32>
    %jit3A_1203 = arith.constant 0 : i32
    %broadcast_in_dim3A_1204 = vector.broadcast %jit3A_1203 : i32 to vector<16xi32>
    %select_n3A_1205 = arith.select %eq3A_1202, %get3A_1166, %broadcast_in_dim3A_1204 : vector<16xi1>, vector<16xi32>
    %reduce_sum3A_1206 = arith.constant true
    %reduce_sum3A_1207 = vector.broadcast %reduce_sum3A_1206 : i1 to vector<16xi1>
    %reduce_sum3A_1208 = tpu.scan <sum>, %select_n3A_1205 masked %reduce_sum3A_1207 : vector<16xi32>, vector<16xi1> -> vector<16xi32>
    %reduce_sum3A_1209 = vector.extract %reduce_sum3A_1208[15] : i32 from vector<16xi32>
    %sub3A_1210 = arith.subi %reduce_sum3A_1201, %reduce_sum3A_1209 : i32
    %sub3A_1211 = vector.broadcast %sub3A_1210 : i32 to vector<16xi32>
    %sub3A_1212 = arith.subi %sub3A_830, %sub3A_1211 : vector<16xi32>
    %shift_left3A_1213 = arith.constant 16 : i32
    %shift_left3A_1214 = vector.broadcast %shift_left3A_1213 : i32 to vector<16xi32>
    %shift_left3A_1215 = arith.shli %sub3A_1190, %shift_left3A_1214 : vector<16xi32>
    %or3A = arith.ori %shift_left3A_832, %shift_left3A_1215 : vector<16xi32>
    %swap3A_1216 = arith.constant 0 : index
    %swap3A_1217 = tpu.vector_load %arg6[%swap3A_1216] {strides = array<i32>} : memref<256xi32, #tpu.memory_space<vmem>>, vector<16xi32>,
    tpu.vector_store %arg6[%swap3A_1216], %broadcast_in_dim3A_2 {strides = array<i32>} : memref<256xi32, #tpu.memory_space<vmem>>, vector<16xi32>,
    %swap3A_1218 = arith.constant 16 : index
    %swap3A_1219 = tpu.vector_load %arg6[%swap3A_1218] {strides = array<i32>} : memref<256xi32, #tpu.memory_space<vmem>>, vector<16xi32>,
    tpu.vector_store %arg6[%swap3A_1218], %broadcast_in_dim3A_2 {strides = array<i32>} : memref<256xi32, #tpu.memory_space<vmem>>, vector<16xi32>,
    %swap3A_1220 = arith.constant 32 : index
    %swap3A_1221 = tpu.vector_load %arg6[%swap3A_1220] {strides = array<i32>} : memref<256xi32, #tpu.memory_space<vmem>>, vector<16xi32>,
    tpu.vector_store %arg6[%swap3A_1220], %broadcast_in_dim3A_2 {strides = array<i32>} : memref<256xi32, #tpu.memory_space<vmem>>, vector<16xi32>,
    %swap3A_1222 = arith.constant 48 : index
    %swap3A_1223 = tpu.vector_load %arg6[%swap3A_1222] {strides = array<i32>} : memref<256xi32, #tpu.memory_space<vmem>>, vector<16xi32>,
    tpu.vector_store %arg6[%swap3A_1222], %broadcast_in_dim3A_2 {strides = array<i32>} : memref<256xi32, #tpu.memory_space<vmem>>, vector<16xi32>,
    %swap3A_1224 = arith.constant 64 : index
    %swap3A_1225 = tpu.vector_load %arg6[%swap3A_1224] {strides = array<i32>} : memref<256xi32, #tpu.memory_space<vmem>>, vector<16xi32>,
    tpu.vector_store %arg6[%swap3A_1224], %broadcast_in_dim3A_2 {strides = array<i32>} : memref<256xi32, #tpu.memory_space<vmem>>, vector<16xi32>,
    %swap3A_1226 = arith.constant 80 : index
    %swap3A_1227 = tpu.vector_load %arg6[%swap3A_1226] {strides = array<i32>} : memref<256xi32, #tpu.memory_space<vmem>>, vector<16xi32>,
    tpu.vector_store %arg6[%swap3A_1226], %broadcast_in_dim3A_2 {strides = array<i32>} : memref<256xi32, #tpu.memory_space<vmem>>, vector<16xi32>,
    %swap3A_1228 = arith.constant 96 : index
    %swap3A_1229 = tpu.vector_load %arg6[%swap3A_1228] {strides = array<i32>} : memref<256xi32, #tpu.memory_space<vmem>>, vector<16xi32>,
    tpu.vector_store %arg6[%swap3A_1228], %broadcast_in_dim3A_2 {strides = array<i32>} : memref<256xi32, #tpu.memory_space<vmem>>, vector<16xi32>,
    %swap3A_1230 = arith.constant 112 : index
    %swap3A_1231 = tpu.vector_load %arg6[%swap3A_1230] {strides = array<i32>} : memref<256xi32, #tpu.memory_space<vmem>>, vector<16xi32>,
    tpu.vector_store %arg6[%swap3A_1230], %broadcast_in_dim3A_2 {strides = array<i32>} : memref<256xi32, #tpu.memory_space<vmem>>, vector<16xi32>,
    %swap3A_1232 = arith.constant 128 : index
    %swap3A_1233 = tpu.vector_load %arg6[%swap3A_1232] {strides = array<i32>} : memref<256xi32, #tpu.memory_space<vmem>>, vector<16xi32>,
    tpu.vector_store %arg6[%swap3A_1232], %broadcast_in_dim3A_2 {strides = array<i32>} : memref<256xi32, #tpu.memory_space<vmem>>, vector<16xi32>,
    %swap3A_1234 = arith.constant 144 : index
    %swap3A_1235 = tpu.vector_load %arg6[%swap3A_1234] {strides = array<i32>} : memref<256xi32, #tpu.memory_space<vmem>>, vector<16xi32>,
    tpu.vector_store %arg6[%swap3A_1234], %broadcast_in_dim3A_2 {strides = array<i32>} : memref<256xi32, #tpu.memory_space<vmem>>, vector<16xi32>,
    %swap3A_1236 = arith.constant 160 : index
    %swap3A_1237 = tpu.vector_load %arg6[%swap3A_1236] {strides = array<i32>} : memref<256xi32, #tpu.memory_space<vmem>>, vector<16xi32>,
    tpu.vector_store %arg6[%swap3A_1236], %broadcast_in_dim3A_2 {strides = array<i32>} : memref<256xi32, #tpu.memory_space<vmem>>, vector<16xi32>,
    %swap3A_1238 = arith.constant 176 : index
    %swap3A_1239 = tpu.vector_load %arg6[%swap3A_1238] {strides = array<i32>} : memref<256xi32, #tpu.memory_space<vmem>>, vector<16xi32>,
    tpu.vector_store %arg6[%swap3A_1238], %broadcast_in_dim3A_2 {strides = array<i32>} : memref<256xi32, #tpu.memory_space<vmem>>, vector<16xi32>,
    %swap3A_1240 = arith.constant 192 : index
    %swap3A_1241 = tpu.vector_load %arg6[%swap3A_1240] {strides = array<i32>} : memref<256xi32, #tpu.memory_space<vmem>>, vector<16xi32>,
    tpu.vector_store %arg6[%swap3A_1240], %broadcast_in_dim3A_2 {strides = array<i32>} : memref<256xi32, #tpu.memory_space<vmem>>, vector<16xi32>,
    %swap3A_1242 = arith.constant 208 : index
    %swap3A_1243 = tpu.vector_load %arg6[%swap3A_1242] {strides = array<i32>} : memref<256xi32, #tpu.memory_space<vmem>>, vector<16xi32>,
    tpu.vector_store %arg6[%swap3A_1242], %broadcast_in_dim3A_2 {strides = array<i32>} : memref<256xi32, #tpu.memory_space<vmem>>, vector<16xi32>,
    %swap3A_1244 = arith.constant 224 : index
    %swap3A_1245 = tpu.vector_load %arg6[%swap3A_1244] {strides = array<i32>} : memref<256xi32, #tpu.memory_space<vmem>>, vector<16xi32>,
    tpu.vector_store %arg6[%swap3A_1244], %broadcast_in_dim3A_2 {strides = array<i32>} : memref<256xi32, #tpu.memory_space<vmem>>, vector<16xi32>,
    %swap3A_1246 = arith.constant 240 : index
    %swap3A_1247 = tpu.vector_load %arg6[%swap3A_1246] {strides = array<i32>} : memref<256xi32, #tpu.memory_space<vmem>>, vector<16xi32>,
    tpu.vector_store %arg6[%swap3A_1246], %broadcast_in_dim3A_2 {strides = array<i32>} : memref<256xi32, #tpu.memory_space<vmem>>, vector<16xi32>,
    %shift_right_logical3A_1248 = arith.constant 16 : i32
    %shift_right_logical3A_1249 = vector.broadcast %shift_right_logical3A_1248 : i32 to vector<16xi32>
    %shift_right_logical3A_1250 = arith.shrui %or3A, %shift_right_logical3A_1249 : vector<16xi32>
    %parallel_loop3A_1251 = arith.constant 0 : i32
    %parallel_loop3A_1252 = arith.constant 128 : i32
    %parallel_loop3A_1253 = arith.constant 1 : i32
    %parallel_loop3A_1254 = arith.constant 16 : i32
    scf.for %parallel_loop3A_2018 = %parallel_loop3A_1251 to %parallel_loop3A_1252 step %parallel_loop3A_1253  : i32 {
      %parallel_loop3A_2019 = arith.constant 16 : i32
      %parallel_loop3A_2020 = arith.muli %parallel_loop3A_2018, %parallel_loop3A_2019 : i32
      %parallel_loop3A_2021 = arith.index_cast %parallel_loop3A_2020 : i32 to index
      %parallel_loop3A_2022 = tpu.vector_load %arg5[%parallel_loop3A_2021] {strides = array<i32>} : memref<2048xi32, #tpu.memory_space<vmem>>, vector<16xi32>,
      %parallel_loop3A_2023 = vector.broadcast %parallel_loop3A_1254 : i32 to vector<16xi32>
      %parallel_loop3A_2024 = arith.shrui %parallel_loop3A_2022, %parallel_loop3A_2023 : vector<16xi32>
      %parallel_loop3A_2025 = arith.cmpi eq, %parallel_loop3A_2024, %shift_right_logical3A_1250 : vector<16xi32>
      %parallel_loop3A_2026 = arith.constant 8 : i32
      %parallel_loop3A_2027 = vector.broadcast %parallel_loop3A_2026 : i32 to vector<16xi32>
      %parallel_loop3A_2028 = arith.shrui %parallel_loop3A_2022, %parallel_loop3A_2027 : vector<16xi32>
      %parallel_loop3A_2029 = arith.constant 255 : i32
      %parallel_loop3A_2030 = vector.broadcast %parallel_loop3A_2029 : i32 to vector<16xi32>
      %parallel_loop3A_2031 = arith.andi %parallel_loop3A_2028, %parallel_loop3A_2030 : vector<16xi32>
      tpu.vector_store_idx %arg6[%parallel_loop3A_2031], %broadcast_in_dim3A_4 masked %parallel_loop3A_2025 {add = true} : memref<256xi32, #tpu.memory_space<vmem>>[vector<16xi32>], vector<16xi32>, vector<16xi1>
    } {sc.loop_unroll_factor = 8 : i64, sc.parallel_access}
    %dma_start3A_1255 = arith.constant 4 : i32
    %dma_start3A_1256 = arith.constant 0 : i32
    %dma_start3A_1257 = tpu.memref_slice %arg6[%dma_start3A_1256] : memref<256xi32, #tpu.memory_space<vmem>> -> memref<128xi32, #tpu.memory_space<vmem>>
    %dma_start3A_1258 = arith.constant 0 : i32
    %dma_start3A_1259 = tpu.memref_slice %arg8[%dma_start3A_1255, %dma_start3A_1258] : memref<8x128xi32, #tpu.memory_space<vmem>> -> memref<1x128xi32, #tpu.memory_space<vmem>>
    %dma_start3A_1260 = tpu.memref_squeeze %dma_start3A_1259 : memref<1x128xi32, #tpu.memory_space<vmem>> -> memref<128xi32, #tpu.memory_space<vmem>>
    %dma_start3A_1261 = arith.constant 0 : i32
    %dma_start3A_1262 = tpu.memref_slice %arg15[%dma_start3A_1261] : memref<5120xi32, #tpu.memory_space<vmem_shared>> -> memref<5120xi32, #tpu.memory_space<vmem_shared>>
    tpu.enqueue_indirect_dma source(%dma_start3A_1257 : memref<128xi32, #tpu.memory_space<vmem>>) target(%dma_start3A_1262 : memref<5120xi32, #tpu.memory_space<vmem_shared>>) offsets(%dma_start3A_1260 : memref<128xi32, #tpu.memory_space<vmem>>) semaphore(%arg13 : memref<!tpu.dma_semaphore, #tpu.memory_space<semaphore_mem>>) {add = true}
    %dma_start3A_1263 = arith.constant 5 : i32
    %dma_start3A_1264 = arith.constant 128 : i32
    %dma_start3A_1265 = tpu.memref_slice %arg6[%dma_start3A_1264] : memref<256xi32, #tpu.memory_space<vmem>> -> memref<128xi32, #tpu.memory_space<vmem>>
    %dma_start3A_1266 = arith.constant 0 : i32
    %dma_start3A_1267 = tpu.memref_slice %arg8[%dma_start3A_1263, %dma_start3A_1266] : memref<8x128xi32, #tpu.memory_space<vmem>> -> memref<1x128xi32, #tpu.memory_space<vmem>>
    %dma_start3A_1268 = tpu.memref_squeeze %dma_start3A_1267 : memref<1x128xi32, #tpu.memory_space<vmem>> -> memref<128xi32, #tpu.memory_space<vmem>>
    %dma_start3A_1269 = arith.constant 0 : i32
    %dma_start3A_1270 = tpu.memref_slice %arg15[%dma_start3A_1269] : memref<5120xi32, #tpu.memory_space<vmem_shared>> -> memref<5120xi32, #tpu.memory_space<vmem_shared>>
    tpu.enqueue_indirect_dma source(%dma_start3A_1265 : memref<128xi32, #tpu.memory_space<vmem>>) target(%dma_start3A_1270 : memref<5120xi32, #tpu.memory_space<vmem_shared>>) offsets(%dma_start3A_1268 : memref<128xi32, #tpu.memory_space<vmem>>) semaphore(%arg14 : memref<!tpu.dma_semaphore, #tpu.memory_space<semaphore_mem>>) {add = true}
    %dma_wait3A_1271 = arith.constant 4 : i32
    %dma_wait3A_1272 = arith.constant 0 : i32
    %dma_wait3A_1273 = tpu.memref_slice %arg6[%dma_wait3A_1272] : memref<256xi32, #tpu.memory_space<vmem>> -> memref<128xi32, #tpu.memory_space<vmem>>
    %dma_wait3A_1274 = arith.constant 0 : i32
    %dma_wait3A_1275 = tpu.memref_slice %arg8[%dma_wait3A_1271, %dma_wait3A_1274] : memref<8x128xi32, #tpu.memory_space<vmem>> -> memref<1x128xi32, #tpu.memory_space<vmem>>
    %dma_wait3A_1276 = tpu.memref_squeeze %dma_wait3A_1275 : memref<1x128xi32, #tpu.memory_space<vmem>> -> memref<128xi32, #tpu.memory_space<vmem>>
    %dma_wait3A_1277 = arith.constant 0 : i32
    %dma_wait3A_1278 = tpu.memref_slice %arg15[%dma_wait3A_1277] : memref<5120xi32, #tpu.memory_space<vmem_shared>> -> memref<5120xi32, #tpu.memory_space<vmem_shared>>
    tpu.wait_indirect_dma semaphore(%arg13 : memref<!tpu.dma_semaphore, #tpu.memory_space<semaphore_mem>>) src(%dma_wait3A_1273 : memref<128xi32, #tpu.memory_space<vmem>>) dst(%dma_wait3A_1278 : memref<5120xi32, #tpu.memory_space<vmem_shared>>)
    %dma_wait3A_1279 = arith.constant 5 : i32
    %dma_wait3A_1280 = arith.constant 128 : i32
    %dma_wait3A_1281 = tpu.memref_slice %arg6[%dma_wait3A_1280] : memref<256xi32, #tpu.memory_space<vmem>> -> memref<128xi32, #tpu.memory_space<vmem>>
    %dma_wait3A_1282 = arith.constant 0 : i32
    %dma_wait3A_1283 = tpu.memref_slice %arg8[%dma_wait3A_1279, %dma_wait3A_1282] : memref<8x128xi32, #tpu.memory_space<vmem>> -> memref<1x128xi32, #tpu.memory_space<vmem>>
    %dma_wait3A_1284 = tpu.memref_squeeze %dma_wait3A_1283 : memref<1x128xi32, #tpu.memory_space<vmem>> -> memref<128xi32, #tpu.memory_space<vmem>>
    %dma_wait3A_1285 = arith.constant 0 : i32
    %dma_wait3A_1286 = tpu.memref_slice %arg15[%dma_wait3A_1285] : memref<5120xi32, #tpu.memory_space<vmem_shared>> -> memref<5120xi32, #tpu.memory_space<vmem_shared>>
    tpu.wait_indirect_dma semaphore(%arg14 : memref<!tpu.dma_semaphore, #tpu.memory_space<semaphore_mem>>) src(%dma_wait3A_1281 : memref<128xi32, #tpu.memory_space<vmem>>) dst(%dma_wait3A_1286 : memref<5120xi32, #tpu.memory_space<vmem_shared>>)
    %barrier3A_1287 = arith.constant 0 : index
    tpu.barrier barrier_id(%barrier3A_1287)
    "tpu.region"() ({
      %run_scoped3A = tpu.sem_alloc : memref<!tpu.dma_semaphore, #tpu.memory_space<semaphore_mem>>
      %dma_start3A_2018 = arith.constant 512 : i32
      %dma_start3A_2019 = tpu.memref_slice %arg15[%dma_start3A_2018] : memref<5120xi32, #tpu.memory_space<vmem_shared>> -> memref<256xi32, #tpu.memory_space<vmem_shared>>
      %dma_start3A_2020 = arith.constant 512 : i32
      %dma_start3A_2021 = tpu.memref_slice %arg15[%dma_start3A_2020] : memref<5120xi32, #tpu.memory_space<vmem_shared>> -> memref<256xi32, #tpu.memory_space<vmem_shared>>
      tpu.enqueue_dma source(%dma_start3A_2021 : memref<256xi32, #tpu.memory_space<vmem_shared>>) target(%arg7 : memref<256xi32, #tpu.memory_space<vmem>>) target_semaphore(%run_scoped3A : memref<!tpu.dma_semaphore, #tpu.memory_space<semaphore_mem>>)
      %dma_wait3A_2022 = arith.constant 512 : i32
      %dma_wait3A_2023 = tpu.memref_slice %arg15[%dma_wait3A_2022] : memref<5120xi32, #tpu.memory_space<vmem_shared>> -> memref<256xi32, #tpu.memory_space<vmem_shared>>
      %dma_wait3A_2024 = arith.constant 512 : i32
      %dma_wait3A_2025 = tpu.memref_slice %arg15[%dma_wait3A_2024] : memref<5120xi32, #tpu.memory_space<vmem_shared>> -> memref<256xi32, #tpu.memory_space<vmem_shared>>
      tpu.wait_dma2 semaphore(%run_scoped3A : memref<!tpu.dma_semaphore, #tpu.memory_space<semaphore_mem>>) src(%dma_wait3A_2025 : memref<256xi32, #tpu.memory_space<vmem_shared>>) dst(%arg7 : memref<256xi32, #tpu.memory_space<vmem>>)
      tpu.yield
    }) : () -> ()
    %get3A_1288 = arith.constant 0 : index
    %get3A_1289 = tpu.vector_load %arg7[%get3A_1288] {strides = array<i32>} : memref<256xi32, #tpu.memory_space<vmem>>, vector<16xi32>,
    %eq3A_1290 = arith.constant 0 : i32
    %eq3A_1291 = vector.broadcast %eq3A_1290 : i32 to vector<16xi32>
    %eq3A_1292 = arith.cmpi eq, %iota3A, %eq3A_1291 : vector<16xi32>
    %reduce_sum3A_1293 = arith.constant true
    %reduce_sum3A_1294 = vector.broadcast %reduce_sum3A_1293 : i1 to vector<16xi1>
    %reduce_sum3A_1295 = tpu.scan <sum>, %get3A_1289 masked %reduce_sum3A_1294 : vector<16xi32>, vector<16xi1> -> vector<16xi32>
    %reduce_sum3A_1296 = vector.extract %reduce_sum3A_1295[15] : i32 from vector<16xi32>
    %jit3A_1297 = arith.constant 0 : i32
    %broadcast_in_dim3A_1298 = vector.broadcast %reduce_sum3A_1296 : i32 to vector<16xi32>
    %broadcast_in_dim3A_1299 = vector.broadcast %jit3A_1297 : i32 to vector<16xi32>
    %select_n3A_1300 = arith.select %eq3A_1292, %broadcast_in_dim3A_1298, %broadcast_in_dim3A_1299 : vector<16xi1>, vector<16xi32>
    %add3A_1301 = arith.addi %broadcast_in_dim3A_2, %select_n3A_1300 : vector<16xi32>
    %get3A_1302 = arith.constant 16 : index
    %get3A_1303 = tpu.vector_load %arg7[%get3A_1302] {strides = array<i32>} : memref<256xi32, #tpu.memory_space<vmem>>, vector<16xi32>,
    %eq3A_1304 = arith.constant 1 : i32
    %eq3A_1305 = vector.broadcast %eq3A_1304 : i32 to vector<16xi32>
    %eq3A_1306 = arith.cmpi eq, %iota3A, %eq3A_1305 : vector<16xi32>
    %reduce_sum3A_1307 = arith.constant true
    %reduce_sum3A_1308 = vector.broadcast %reduce_sum3A_1307 : i1 to vector<16xi1>
    %reduce_sum3A_1309 = tpu.scan <sum>, %get3A_1303 masked %reduce_sum3A_1308 : vector<16xi32>, vector<16xi1> -> vector<16xi32>
    %reduce_sum3A_1310 = vector.extract %reduce_sum3A_1309[15] : i32 from vector<16xi32>
    %jit3A_1311 = arith.constant 0 : i32
    %broadcast_in_dim3A_1312 = vector.broadcast %reduce_sum3A_1310 : i32 to vector<16xi32>
    %broadcast_in_dim3A_1313 = vector.broadcast %jit3A_1311 : i32 to vector<16xi32>
    %select_n3A_1314 = arith.select %eq3A_1306, %broadcast_in_dim3A_1312, %broadcast_in_dim3A_1313 : vector<16xi1>, vector<16xi32>
    %add3A_1315 = arith.addi %add3A_1301, %select_n3A_1314 : vector<16xi32>
    %get3A_1316 = arith.constant 32 : index
    %get3A_1317 = tpu.vector_load %arg7[%get3A_1316] {strides = array<i32>} : memref<256xi32, #tpu.memory_space<vmem>>, vector<16xi32>,
    %eq3A_1318 = arith.constant 2 : i32
    %eq3A_1319 = vector.broadcast %eq3A_1318 : i32 to vector<16xi32>
    %eq3A_1320 = arith.cmpi eq, %iota3A, %eq3A_1319 : vector<16xi32>
    %reduce_sum3A_1321 = arith.constant true
    %reduce_sum3A_1322 = vector.broadcast %reduce_sum3A_1321 : i1 to vector<16xi1>
    %reduce_sum3A_1323 = tpu.scan <sum>, %get3A_1317 masked %reduce_sum3A_1322 : vector<16xi32>, vector<16xi1> -> vector<16xi32>
    %reduce_sum3A_1324 = vector.extract %reduce_sum3A_1323[15] : i32 from vector<16xi32>
    %jit3A_1325 = arith.constant 0 : i32
    %broadcast_in_dim3A_1326 = vector.broadcast %reduce_sum3A_1324 : i32 to vector<16xi32>
    %broadcast_in_dim3A_1327 = vector.broadcast %jit3A_1325 : i32 to vector<16xi32>
    %select_n3A_1328 = arith.select %eq3A_1320, %broadcast_in_dim3A_1326, %broadcast_in_dim3A_1327 : vector<16xi1>, vector<16xi32>
    %add3A_1329 = arith.addi %add3A_1315, %select_n3A_1328 : vector<16xi32>
    %get3A_1330 = arith.constant 48 : index
    %get3A_1331 = tpu.vector_load %arg7[%get3A_1330] {strides = array<i32>} : memref<256xi32, #tpu.memory_space<vmem>>, vector<16xi32>,
    %eq3A_1332 = arith.constant 3 : i32
    %eq3A_1333 = vector.broadcast %eq3A_1332 : i32 to vector<16xi32>
    %eq3A_1334 = arith.cmpi eq, %iota3A, %eq3A_1333 : vector<16xi32>
    %reduce_sum3A_1335 = arith.constant true
    %reduce_sum3A_1336 = vector.broadcast %reduce_sum3A_1335 : i1 to vector<16xi1>
    %reduce_sum3A_1337 = tpu.scan <sum>, %get3A_1331 masked %reduce_sum3A_1336 : vector<16xi32>, vector<16xi1> -> vector<16xi32>
    %reduce_sum3A_1338 = vector.extract %reduce_sum3A_1337[15] : i32 from vector<16xi32>
    %jit3A_1339 = arith.constant 0 : i32
    %broadcast_in_dim3A_1340 = vector.broadcast %reduce_sum3A_1338 : i32 to vector<16xi32>
    %broadcast_in_dim3A_1341 = vector.broadcast %jit3A_1339 : i32 to vector<16xi32>
    %select_n3A_1342 = arith.select %eq3A_1334, %broadcast_in_dim3A_1340, %broadcast_in_dim3A_1341 : vector<16xi1>, vector<16xi32>
    %add3A_1343 = arith.addi %add3A_1329, %select_n3A_1342 : vector<16xi32>
    %get3A_1344 = arith.constant 64 : index
    %get3A_1345 = tpu.vector_load %arg7[%get3A_1344] {strides = array<i32>} : memref<256xi32, #tpu.memory_space<vmem>>, vector<16xi32>,
    %eq3A_1346 = arith.constant 4 : i32
    %eq3A_1347 = vector.broadcast %eq3A_1346 : i32 to vector<16xi32>
    %eq3A_1348 = arith.cmpi eq, %iota3A, %eq3A_1347 : vector<16xi32>
    %reduce_sum3A_1349 = arith.constant true
    %reduce_sum3A_1350 = vector.broadcast %reduce_sum3A_1349 : i1 to vector<16xi1>
    %reduce_sum3A_1351 = tpu.scan <sum>, %get3A_1345 masked %reduce_sum3A_1350 : vector<16xi32>, vector<16xi1> -> vector<16xi32>
    %reduce_sum3A_1352 = vector.extract %reduce_sum3A_1351[15] : i32 from vector<16xi32>
    %jit3A_1353 = arith.constant 0 : i32
    %broadcast_in_dim3A_1354 = vector.broadcast %reduce_sum3A_1352 : i32 to vector<16xi32>
    %broadcast_in_dim3A_1355 = vector.broadcast %jit3A_1353 : i32 to vector<16xi32>
    %select_n3A_1356 = arith.select %eq3A_1348, %broadcast_in_dim3A_1354, %broadcast_in_dim3A_1355 : vector<16xi1>, vector<16xi32>
    %add3A_1357 = arith.addi %add3A_1343, %select_n3A_1356 : vector<16xi32>
    %get3A_1358 = arith.constant 80 : index
    %get3A_1359 = tpu.vector_load %arg7[%get3A_1358] {strides = array<i32>} : memref<256xi32, #tpu.memory_space<vmem>>, vector<16xi32>,
    %eq3A_1360 = arith.constant 5 : i32
    %eq3A_1361 = vector.broadcast %eq3A_1360 : i32 to vector<16xi32>
    %eq3A_1362 = arith.cmpi eq, %iota3A, %eq3A_1361 : vector<16xi32>
    %reduce_sum3A_1363 = arith.constant true
    %reduce_sum3A_1364 = vector.broadcast %reduce_sum3A_1363 : i1 to vector<16xi1>
    %reduce_sum3A_1365 = tpu.scan <sum>, %get3A_1359 masked %reduce_sum3A_1364 : vector<16xi32>, vector<16xi1> -> vector<16xi32>
    %reduce_sum3A_1366 = vector.extract %reduce_sum3A_1365[15] : i32 from vector<16xi32>
    %jit3A_1367 = arith.constant 0 : i32
    %broadcast_in_dim3A_1368 = vector.broadcast %reduce_sum3A_1366 : i32 to vector<16xi32>
    %broadcast_in_dim3A_1369 = vector.broadcast %jit3A_1367 : i32 to vector<16xi32>
    %select_n3A_1370 = arith.select %eq3A_1362, %broadcast_in_dim3A_1368, %broadcast_in_dim3A_1369 : vector<16xi1>, vector<16xi32>
    %add3A_1371 = arith.addi %add3A_1357, %select_n3A_1370 : vector<16xi32>
    %get3A_1372 = arith.constant 96 : index
    %get3A_1373 = tpu.vector_load %arg7[%get3A_1372] {strides = array<i32>} : memref<256xi32, #tpu.memory_space<vmem>>, vector<16xi32>,
    %eq3A_1374 = arith.constant 6 : i32
    %eq3A_1375 = vector.broadcast %eq3A_1374 : i32 to vector<16xi32>
    %eq3A_1376 = arith.cmpi eq, %iota3A, %eq3A_1375 : vector<16xi32>
    %reduce_sum3A_1377 = arith.constant true
    %reduce_sum3A_1378 = vector.broadcast %reduce_sum3A_1377 : i1 to vector<16xi1>
    %reduce_sum3A_1379 = tpu.scan <sum>, %get3A_1373 masked %reduce_sum3A_1378 : vector<16xi32>, vector<16xi1> -> vector<16xi32>
    %reduce_sum3A_1380 = vector.extract %reduce_sum3A_1379[15] : i32 from vector<16xi32>
    %jit3A_1381 = arith.constant 0 : i32
    %broadcast_in_dim3A_1382 = vector.broadcast %reduce_sum3A_1380 : i32 to vector<16xi32>
    %broadcast_in_dim3A_1383 = vector.broadcast %jit3A_1381 : i32 to vector<16xi32>
    %select_n3A_1384 = arith.select %eq3A_1376, %broadcast_in_dim3A_1382, %broadcast_in_dim3A_1383 : vector<16xi1>, vector<16xi32>
    %add3A_1385 = arith.addi %add3A_1371, %select_n3A_1384 : vector<16xi32>
    %get3A_1386 = arith.constant 112 : index
    %get3A_1387 = tpu.vector_load %arg7[%get3A_1386] {strides = array<i32>} : memref<256xi32, #tpu.memory_space<vmem>>, vector<16xi32>,
    %eq3A_1388 = arith.constant 7 : i32
    %eq3A_1389 = vector.broadcast %eq3A_1388 : i32 to vector<16xi32>
    %eq3A_1390 = arith.cmpi eq, %iota3A, %eq3A_1389 : vector<16xi32>
    %reduce_sum3A_1391 = arith.constant true
    %reduce_sum3A_1392 = vector.broadcast %reduce_sum3A_1391 : i1 to vector<16xi1>
    %reduce_sum3A_1393 = tpu.scan <sum>, %get3A_1387 masked %reduce_sum3A_1392 : vector<16xi32>, vector<16xi1> -> vector<16xi32>
    %reduce_sum3A_1394 = vector.extract %reduce_sum3A_1393[15] : i32 from vector<16xi32>
    %jit3A_1395 = arith.constant 0 : i32
    %broadcast_in_dim3A_1396 = vector.broadcast %reduce_sum3A_1394 : i32 to vector<16xi32>
    %broadcast_in_dim3A_1397 = vector.broadcast %jit3A_1395 : i32 to vector<16xi32>
    %select_n3A_1398 = arith.select %eq3A_1390, %broadcast_in_dim3A_1396, %broadcast_in_dim3A_1397 : vector<16xi1>, vector<16xi32>
    %add3A_1399 = arith.addi %add3A_1385, %select_n3A_1398 : vector<16xi32>
    %get3A_1400 = arith.constant 128 : index
    %get3A_1401 = tpu.vector_load %arg7[%get3A_1400] {strides = array<i32>} : memref<256xi32, #tpu.memory_space<vmem>>, vector<16xi32>,
    %eq3A_1402 = arith.constant 8 : i32
    %eq3A_1403 = vector.broadcast %eq3A_1402 : i32 to vector<16xi32>
    %eq3A_1404 = arith.cmpi eq, %iota3A, %eq3A_1403 : vector<16xi32>
    %reduce_sum3A_1405 = arith.constant true
    %reduce_sum3A_1406 = vector.broadcast %reduce_sum3A_1405 : i1 to vector<16xi1>
    %reduce_sum3A_1407 = tpu.scan <sum>, %get3A_1401 masked %reduce_sum3A_1406 : vector<16xi32>, vector<16xi1> -> vector<16xi32>
    %reduce_sum3A_1408 = vector.extract %reduce_sum3A_1407[15] : i32 from vector<16xi32>
    %jit3A_1409 = arith.constant 0 : i32
    %broadcast_in_dim3A_1410 = vector.broadcast %reduce_sum3A_1408 : i32 to vector<16xi32>
    %broadcast_in_dim3A_1411 = vector.broadcast %jit3A_1409 : i32 to vector<16xi32>
    %select_n3A_1412 = arith.select %eq3A_1404, %broadcast_in_dim3A_1410, %broadcast_in_dim3A_1411 : vector<16xi1>, vector<16xi32>
    %add3A_1413 = arith.addi %add3A_1399, %select_n3A_1412 : vector<16xi32>
    %get3A_1414 = arith.constant 144 : index
    %get3A_1415 = tpu.vector_load %arg7[%get3A_1414] {strides = array<i32>} : memref<256xi32, #tpu.memory_space<vmem>>, vector<16xi32>,
    %eq3A_1416 = arith.constant 9 : i32
    %eq3A_1417 = vector.broadcast %eq3A_1416 : i32 to vector<16xi32>
    %eq3A_1418 = arith.cmpi eq, %iota3A, %eq3A_1417 : vector<16xi32>
    %reduce_sum3A_1419 = arith.constant true
    %reduce_sum3A_1420 = vector.broadcast %reduce_sum3A_1419 : i1 to vector<16xi1>
    %reduce_sum3A_1421 = tpu.scan <sum>, %get3A_1415 masked %reduce_sum3A_1420 : vector<16xi32>, vector<16xi1> -> vector<16xi32>
    %reduce_sum3A_1422 = vector.extract %reduce_sum3A_1421[15] : i32 from vector<16xi32>
    %jit3A_1423 = arith.constant 0 : i32
    %broadcast_in_dim3A_1424 = vector.broadcast %reduce_sum3A_1422 : i32 to vector<16xi32>
    %broadcast_in_dim3A_1425 = vector.broadcast %jit3A_1423 : i32 to vector<16xi32>
    %select_n3A_1426 = arith.select %eq3A_1418, %broadcast_in_dim3A_1424, %broadcast_in_dim3A_1425 : vector<16xi1>, vector<16xi32>
    %add3A_1427 = arith.addi %add3A_1413, %select_n3A_1426 : vector<16xi32>
    %get3A_1428 = arith.constant 160 : index
    %get3A_1429 = tpu.vector_load %arg7[%get3A_1428] {strides = array<i32>} : memref<256xi32, #tpu.memory_space<vmem>>, vector<16xi32>,
    %eq3A_1430 = arith.constant 10 : i32
    %eq3A_1431 = vector.broadcast %eq3A_1430 : i32 to vector<16xi32>
    %eq3A_1432 = arith.cmpi eq, %iota3A, %eq3A_1431 : vector<16xi32>
    %reduce_sum3A_1433 = arith.constant true
    %reduce_sum3A_1434 = vector.broadcast %reduce_sum3A_1433 : i1 to vector<16xi1>
    %reduce_sum3A_1435 = tpu.scan <sum>, %get3A_1429 masked %reduce_sum3A_1434 : vector<16xi32>, vector<16xi1> -> vector<16xi32>
    %reduce_sum3A_1436 = vector.extract %reduce_sum3A_1435[15] : i32 from vector<16xi32>
    %jit3A_1437 = arith.constant 0 : i32
    %broadcast_in_dim3A_1438 = vector.broadcast %reduce_sum3A_1436 : i32 to vector<16xi32>
    %broadcast_in_dim3A_1439 = vector.broadcast %jit3A_1437 : i32 to vector<16xi32>
    %select_n3A_1440 = arith.select %eq3A_1432, %broadcast_in_dim3A_1438, %broadcast_in_dim3A_1439 : vector<16xi1>, vector<16xi32>
    %add3A_1441 = arith.addi %add3A_1427, %select_n3A_1440 : vector<16xi32>
    %get3A_1442 = arith.constant 176 : index
    %get3A_1443 = tpu.vector_load %arg7[%get3A_1442] {strides = array<i32>} : memref<256xi32, #tpu.memory_space<vmem>>, vector<16xi32>,
    %eq3A_1444 = arith.constant 11 : i32
    %eq3A_1445 = vector.broadcast %eq3A_1444 : i32 to vector<16xi32>
    %eq3A_1446 = arith.cmpi eq, %iota3A, %eq3A_1445 : vector<16xi32>
    %reduce_sum3A_1447 = arith.constant true
    %reduce_sum3A_1448 = vector.broadcast %reduce_sum3A_1447 : i1 to vector<16xi1>
    %reduce_sum3A_1449 = tpu.scan <sum>, %get3A_1443 masked %reduce_sum3A_1448 : vector<16xi32>, vector<16xi1> -> vector<16xi32>
    %reduce_sum3A_1450 = vector.extract %reduce_sum3A_1449[15] : i32 from vector<16xi32>
    %jit3A_1451 = arith.constant 0 : i32
    %broadcast_in_dim3A_1452 = vector.broadcast %reduce_sum3A_1450 : i32 to vector<16xi32>
    %broadcast_in_dim3A_1453 = vector.broadcast %jit3A_1451 : i32 to vector<16xi32>
    %select_n3A_1454 = arith.select %eq3A_1446, %broadcast_in_dim3A_1452, %broadcast_in_dim3A_1453 : vector<16xi1>, vector<16xi32>
    %add3A_1455 = arith.addi %add3A_1441, %select_n3A_1454 : vector<16xi32>
    %get3A_1456 = arith.constant 192 : index
    %get3A_1457 = tpu.vector_load %arg7[%get3A_1456] {strides = array<i32>} : memref<256xi32, #tpu.memory_space<vmem>>, vector<16xi32>,
    %eq3A_1458 = arith.constant 12 : i32
    %eq3A_1459 = vector.broadcast %eq3A_1458 : i32 to vector<16xi32>
    %eq3A_1460 = arith.cmpi eq, %iota3A, %eq3A_1459 : vector<16xi32>
    %reduce_sum3A_1461 = arith.constant true
    %reduce_sum3A_1462 = vector.broadcast %reduce_sum3A_1461 : i1 to vector<16xi1>
    %reduce_sum3A_1463 = tpu.scan <sum>, %get3A_1457 masked %reduce_sum3A_1462 : vector<16xi32>, vector<16xi1> -> vector<16xi32>
    %reduce_sum3A_1464 = vector.extract %reduce_sum3A_1463[15] : i32 from vector<16xi32>
    %jit3A_1465 = arith.constant 0 : i32
    %broadcast_in_dim3A_1466 = vector.broadcast %reduce_sum3A_1464 : i32 to vector<16xi32>
    %broadcast_in_dim3A_1467 = vector.broadcast %jit3A_1465 : i32 to vector<16xi32>
    %select_n3A_1468 = arith.select %eq3A_1460, %broadcast_in_dim3A_1466, %broadcast_in_dim3A_1467 : vector<16xi1>, vector<16xi32>
    %add3A_1469 = arith.addi %add3A_1455, %select_n3A_1468 : vector<16xi32>
    %get3A_1470 = arith.constant 208 : index
    %get3A_1471 = tpu.vector_load %arg7[%get3A_1470] {strides = array<i32>} : memref<256xi32, #tpu.memory_space<vmem>>, vector<16xi32>,
    %eq3A_1472 = arith.constant 13 : i32
    %eq3A_1473 = vector.broadcast %eq3A_1472 : i32 to vector<16xi32>
    %eq3A_1474 = arith.cmpi eq, %iota3A, %eq3A_1473 : vector<16xi32>
    %reduce_sum3A_1475 = arith.constant true
    %reduce_sum3A_1476 = vector.broadcast %reduce_sum3A_1475 : i1 to vector<16xi1>
    %reduce_sum3A_1477 = tpu.scan <sum>, %get3A_1471 masked %reduce_sum3A_1476 : vector<16xi32>, vector<16xi1> -> vector<16xi32>
    %reduce_sum3A_1478 = vector.extract %reduce_sum3A_1477[15] : i32 from vector<16xi32>
    %jit3A_1479 = arith.constant 0 : i32
    %broadcast_in_dim3A_1480 = vector.broadcast %reduce_sum3A_1478 : i32 to vector<16xi32>
    %broadcast_in_dim3A_1481 = vector.broadcast %jit3A_1479 : i32 to vector<16xi32>
    %select_n3A_1482 = arith.select %eq3A_1474, %broadcast_in_dim3A_1480, %broadcast_in_dim3A_1481 : vector<16xi1>, vector<16xi32>
    %add3A_1483 = arith.addi %add3A_1469, %select_n3A_1482 : vector<16xi32>
    %get3A_1484 = arith.constant 224 : index
    %get3A_1485 = tpu.vector_load %arg7[%get3A_1484] {strides = array<i32>} : memref<256xi32, #tpu.memory_space<vmem>>, vector<16xi32>,
    %eq3A_1486 = arith.constant 14 : i32
    %eq3A_1487 = vector.broadcast %eq3A_1486 : i32 to vector<16xi32>
    %eq3A_1488 = arith.cmpi eq, %iota3A, %eq3A_1487 : vector<16xi32>
    %reduce_sum3A_1489 = arith.constant true
    %reduce_sum3A_1490 = vector.broadcast %reduce_sum3A_1489 : i1 to vector<16xi1>
    %reduce_sum3A_1491 = tpu.scan <sum>, %get3A_1485 masked %reduce_sum3A_1490 : vector<16xi32>, vector<16xi1> -> vector<16xi32>
    %reduce_sum3A_1492 = vector.extract %reduce_sum3A_1491[15] : i32 from vector<16xi32>
    %jit3A_1493 = arith.constant 0 : i32
    %broadcast_in_dim3A_1494 = vector.broadcast %reduce_sum3A_1492 : i32 to vector<16xi32>
    %broadcast_in_dim3A_1495 = vector.broadcast %jit3A_1493 : i32 to vector<16xi32>
    %select_n3A_1496 = arith.select %eq3A_1488, %broadcast_in_dim3A_1494, %broadcast_in_dim3A_1495 : vector<16xi1>, vector<16xi32>
    %add3A_1497 = arith.addi %add3A_1483, %select_n3A_1496 : vector<16xi32>
    %get3A_1498 = arith.constant 240 : index
    %get3A_1499 = tpu.vector_load %arg7[%get3A_1498] {strides = array<i32>} : memref<256xi32, #tpu.memory_space<vmem>>, vector<16xi32>,
    %eq3A_1500 = arith.constant 15 : i32
    %eq3A_1501 = vector.broadcast %eq3A_1500 : i32 to vector<16xi32>
    %eq3A_1502 = arith.cmpi eq, %iota3A, %eq3A_1501 : vector<16xi32>
    %reduce_sum3A_1503 = arith.constant true
    %reduce_sum3A_1504 = vector.broadcast %reduce_sum3A_1503 : i1 to vector<16xi1>
    %reduce_sum3A_1505 = tpu.scan <sum>, %get3A_1499 masked %reduce_sum3A_1504 : vector<16xi32>, vector<16xi1> -> vector<16xi32>
    %reduce_sum3A_1506 = vector.extract %reduce_sum3A_1505[15] : i32 from vector<16xi32>
    %jit3A_1507 = arith.constant 0 : i32
    %broadcast_in_dim3A_1508 = vector.broadcast %reduce_sum3A_1506 : i32 to vector<16xi32>
    %broadcast_in_dim3A_1509 = vector.broadcast %jit3A_1507 : i32 to vector<16xi32>
    %select_n3A_1510 = arith.select %eq3A_1502, %broadcast_in_dim3A_1508, %broadcast_in_dim3A_1509 : vector<16xi1>, vector<16xi32>
    %add3A_1511 = arith.addi %add3A_1497, %select_n3A_1510 : vector<16xi32>
    %rev3A_1512 = arith.constant 15 : i32
    %rev3A_1513 = vector.broadcast %rev3A_1512 : i32 to vector<16xi32>
    %rev3A_1514 = tpu.iota {dimensions = array<i32: 0>} : vector<16xi32>
    %rev3A_1515 = arith.subi %rev3A_1513, %rev3A_1514 : vector<16xi32>
    %rev3A_1516 = tpu.dynamic_gather %add3A_1511[%rev3A_1515] in [0] : vector<16xi32>, vector<16xi32> -> vector<16xi32>
    %broadcast_in_dim3A_1517 = arith.constant true
    %broadcast_in_dim3A_1518 = vector.broadcast %broadcast_in_dim3A_1517 : i1 to vector<16xi1>
    %masked_cumsum3A_1519 = tpu.scan <sum>, %rev3A_1516 masked %broadcast_in_dim3A_1518 : vector<16xi32>, vector<16xi1> -> vector<16xi32>
    %rev3A_1520 = arith.constant 15 : i32
    %rev3A_1521 = vector.broadcast %rev3A_1520 : i32 to vector<16xi32>
    %rev3A_1522 = tpu.iota {dimensions = array<i32: 0>} : vector<16xi32>
    %rev3A_1523 = arith.subi %rev3A_1521, %rev3A_1522 : vector<16xi32>
    %rev3A_1524 = tpu.dynamic_gather %masked_cumsum3A_1519[%rev3A_1523] in [0] : vector<16xi32>, vector<16xi32> -> vector<16xi32>
    %ge3A_1525 = arith.cmpi sge, %rev3A_1524, %sub3A_1212 : vector<16xi32>
    %all_reduce_population_count3A_1526 = tpu.all_reduce %ge3A_1525 {dim = 0 : i64, kind = #tpu.reduction_kind<sum>} : vector<16xi1> -> vector<16xi32>
    %sub3A_1527 = arith.constant 1 : i32
    %sub3A_1528 = vector.broadcast %sub3A_1527 : i32 to vector<16xi32>
    %sub3A_1529 = arith.subi %all_reduce_population_count3A_1526, %sub3A_1528 : vector<16xi32>
    %eq3A_1530 = arith.cmpi eq, %iota3A, %sub3A_1529 : vector<16xi32>
    %sub3A_1531 = arith.subi %rev3A_1524, %add3A_1511 : vector<16xi32>
    %jit3A_1532 = arith.constant 0 : i32
    %broadcast_in_dim3A_1533 = vector.broadcast %jit3A_1532 : i32 to vector<16xi32>
    %select_n3A_1534 = arith.select %eq3A_1530, %sub3A_1531, %broadcast_in_dim3A_1533 : vector<16xi1>, vector<16xi32>
    %reduce_sum3A_1535 = arith.constant true
    %reduce_sum3A_1536 = vector.broadcast %reduce_sum3A_1535 : i1 to vector<16xi1>
    %reduce_sum3A_1537 = tpu.scan <sum>, %select_n3A_1534 masked %reduce_sum3A_1536 : vector<16xi32>, vector<16xi1> -> vector<16xi32>
    %reduce_sum3A_1538 = vector.extract %reduce_sum3A_1537[15] : i32 from vector<16xi32>
    %reduce_max3A_1539 = arith.constant true
    %reduce_max3A_1540 = vector.broadcast %reduce_max3A_1539 : i1 to vector<16xi1>
    %reduce_max3A_1541 = arith.constant -2147483648 : i32
    %reduce_max3A_1542 = vector.broadcast %reduce_max3A_1541 : i32 to vector<16xi32>
    %reduce_max3A_1543 = arith.xori %sub3A_1529, %reduce_max3A_1542 : vector<16xi32>
    %reduce_max3A_1544 = tpu.scan <max>, %reduce_max3A_1543 masked %reduce_max3A_1540 : vector<16xi32>, vector<16xi1> -> vector<16xi32>
    %reduce_max3A_1545 = arith.xori %reduce_max3A_1544, %reduce_max3A_1542 : vector<16xi32>
    %reduce_max3A_1546 = vector.extract %reduce_max3A_1545[15] : i32 from vector<16xi32>
    %mul3A_1547 = arith.constant 16 : i32
    %mul3A_1548 = arith.muli %reduce_max3A_1546, %mul3A_1547 : i32
    %get3A_1549 = arith.index_cast %mul3A_1548 : i32 to index
    %get3A_1550 = tpu.vector_load %arg7[%get3A_1549] {strides = array<i32>} : memref<256xi32, #tpu.memory_space<vmem>>, vector<16xi32>,
    %rev3A_1551 = arith.constant 15 : i32
    %rev3A_1552 = vector.broadcast %rev3A_1551 : i32 to vector<16xi32>
    %rev3A_1553 = tpu.iota {dimensions = array<i32: 0>} : vector<16xi32>
    %rev3A_1554 = arith.subi %rev3A_1552, %rev3A_1553 : vector<16xi32>
    %rev3A_1555 = tpu.dynamic_gather %get3A_1550[%rev3A_1554] in [0] : vector<16xi32>, vector<16xi32> -> vector<16xi32>
    %broadcast_in_dim3A_1556 = arith.constant true
    %broadcast_in_dim3A_1557 = vector.broadcast %broadcast_in_dim3A_1556 : i1 to vector<16xi1>
    %masked_cumsum3A_1558 = tpu.scan <sum>, %rev3A_1555 masked %broadcast_in_dim3A_1557 : vector<16xi32>, vector<16xi1> -> vector<16xi32>
    %rev3A_1559 = arith.constant 15 : i32
    %rev3A_1560 = vector.broadcast %rev3A_1559 : i32 to vector<16xi32>
    %rev3A_1561 = tpu.iota {dimensions = array<i32: 0>} : vector<16xi32>
    %rev3A_1562 = arith.subi %rev3A_1560, %rev3A_1561 : vector<16xi32>
    %rev3A_1563 = tpu.dynamic_gather %masked_cumsum3A_1558[%rev3A_1562] in [0] : vector<16xi32>, vector<16xi32> -> vector<16xi32>
    %add3A_1564 = vector.broadcast %reduce_sum3A_1538 : i32 to vector<16xi32>
    %add3A_1565 = arith.addi %rev3A_1563, %add3A_1564 : vector<16xi32>
    %ge3A_1566 = arith.cmpi sge, %add3A_1565, %sub3A_1212 : vector<16xi32>
    %all_reduce_population_count3A_1567 = tpu.all_reduce %ge3A_1566 {dim = 0 : i64, kind = #tpu.reduction_kind<sum>} : vector<16xi1> -> vector<16xi32>
    %mul3A_1568 = arith.constant 16 : i32
    %mul3A_1569 = vector.broadcast %mul3A_1568 : i32 to vector<16xi32>
    %mul3A_1570 = arith.muli %sub3A_1529, %mul3A_1569 : vector<16xi32>
    %add3A_1571 = arith.addi %mul3A_1570, %all_reduce_population_count3A_1567 : vector<16xi32>
    %sub3A_1572 = arith.constant 1 : i32
    %sub3A_1573 = vector.broadcast %sub3A_1572 : i32 to vector<16xi32>
    %sub3A_1574 = arith.subi %add3A_1571, %sub3A_1573 : vector<16xi32>
    %sub3A_1575 = arith.constant 1 : i32
    %sub3A_1576 = vector.broadcast %sub3A_1575 : i32 to vector<16xi32>
    %sub3A_1577 = arith.subi %all_reduce_population_count3A_1567, %sub3A_1576 : vector<16xi32>
    %eq3A_1578 = arith.cmpi eq, %iota3A, %sub3A_1577 : vector<16xi32>
    %jit3A_1579 = arith.constant 0 : i32
    %broadcast_in_dim3A_1580 = vector.broadcast %jit3A_1579 : i32 to vector<16xi32>
    %select_n3A_1581 = arith.select %eq3A_1578, %add3A_1565, %broadcast_in_dim3A_1580 : vector<16xi1>, vector<16xi32>
    %reduce_sum3A_1582 = arith.constant true
    %reduce_sum3A_1583 = vector.broadcast %reduce_sum3A_1582 : i1 to vector<16xi1>
    %reduce_sum3A_1584 = tpu.scan <sum>, %select_n3A_1581 masked %reduce_sum3A_1583 : vector<16xi32>, vector<16xi1> -> vector<16xi32>
    %reduce_sum3A_1585 = vector.extract %reduce_sum3A_1584[15] : i32 from vector<16xi32>
    %eq3A_1586 = arith.cmpi eq, %iota3A, %sub3A_1577 : vector<16xi32>
    %jit3A_1587 = arith.constant 0 : i32
    %broadcast_in_dim3A_1588 = vector.broadcast %jit3A_1587 : i32 to vector<16xi32>
    %select_n3A_1589 = arith.select %eq3A_1586, %get3A_1550, %broadcast_in_dim3A_1588 : vector<16xi1>, vector<16xi32>
    %reduce_sum3A_1590 = arith.constant true
    %reduce_sum3A_1591 = vector.broadcast %reduce_sum3A_1590 : i1 to vector<16xi1>
    %reduce_sum3A_1592 = tpu.scan <sum>, %select_n3A_1589 masked %reduce_sum3A_1591 : vector<16xi32>, vector<16xi1> -> vector<16xi32>
    %reduce_sum3A_1593 = vector.extract %reduce_sum3A_1592[15] : i32 from vector<16xi32>
    %sub3A_1594 = arith.subi %reduce_sum3A_1585, %reduce_sum3A_1593 : i32
    %sub3A_1595 = vector.broadcast %sub3A_1594 : i32 to vector<16xi32>
    %sub3A_1596 = arith.subi %sub3A_1212, %sub3A_1595 : vector<16xi32>
    %shift_left3A_1597 = arith.constant 8 : i32
    %shift_left3A_1598 = vector.broadcast %shift_left3A_1597 : i32 to vector<16xi32>
    %shift_left3A_1599 = arith.shli %sub3A_1574, %shift_left3A_1598 : vector<16xi32>
    %or3A_1600 = arith.ori %or3A, %shift_left3A_1599 : vector<16xi32>
    %swap3A_1601 = arith.constant 0 : index
    %swap3A_1602 = tpu.vector_load %arg6[%swap3A_1601] {strides = array<i32>} : memref<256xi32, #tpu.memory_space<vmem>>, vector<16xi32>,
    tpu.vector_store %arg6[%swap3A_1601], %broadcast_in_dim3A_2 {strides = array<i32>} : memref<256xi32, #tpu.memory_space<vmem>>, vector<16xi32>,
    %swap3A_1603 = arith.constant 16 : index
    %swap3A_1604 = tpu.vector_load %arg6[%swap3A_1603] {strides = array<i32>} : memref<256xi32, #tpu.memory_space<vmem>>, vector<16xi32>,
    tpu.vector_store %arg6[%swap3A_1603], %broadcast_in_dim3A_2 {strides = array<i32>} : memref<256xi32, #tpu.memory_space<vmem>>, vector<16xi32>,
    %swap3A_1605 = arith.constant 32 : index
    %swap3A_1606 = tpu.vector_load %arg6[%swap3A_1605] {strides = array<i32>} : memref<256xi32, #tpu.memory_space<vmem>>, vector<16xi32>,
    tpu.vector_store %arg6[%swap3A_1605], %broadcast_in_dim3A_2 {strides = array<i32>} : memref<256xi32, #tpu.memory_space<vmem>>, vector<16xi32>,
    %swap3A_1607 = arith.constant 48 : index
    %swap3A_1608 = tpu.vector_load %arg6[%swap3A_1607] {strides = array<i32>} : memref<256xi32, #tpu.memory_space<vmem>>, vector<16xi32>,
    tpu.vector_store %arg6[%swap3A_1607], %broadcast_in_dim3A_2 {strides = array<i32>} : memref<256xi32, #tpu.memory_space<vmem>>, vector<16xi32>,
    %swap3A_1609 = arith.constant 64 : index
    %swap3A_1610 = tpu.vector_load %arg6[%swap3A_1609] {strides = array<i32>} : memref<256xi32, #tpu.memory_space<vmem>>, vector<16xi32>,
    tpu.vector_store %arg6[%swap3A_1609], %broadcast_in_dim3A_2 {strides = array<i32>} : memref<256xi32, #tpu.memory_space<vmem>>, vector<16xi32>,
    %swap3A_1611 = arith.constant 80 : index
    %swap3A_1612 = tpu.vector_load %arg6[%swap3A_1611] {strides = array<i32>} : memref<256xi32, #tpu.memory_space<vmem>>, vector<16xi32>,
    tpu.vector_store %arg6[%swap3A_1611], %broadcast_in_dim3A_2 {strides = array<i32>} : memref<256xi32, #tpu.memory_space<vmem>>, vector<16xi32>,
    %swap3A_1613 = arith.constant 96 : index
    %swap3A_1614 = tpu.vector_load %arg6[%swap3A_1613] {strides = array<i32>} : memref<256xi32, #tpu.memory_space<vmem>>, vector<16xi32>,
    tpu.vector_store %arg6[%swap3A_1613], %broadcast_in_dim3A_2 {strides = array<i32>} : memref<256xi32, #tpu.memory_space<vmem>>, vector<16xi32>,
    %swap3A_1615 = arith.constant 112 : index
    %swap3A_1616 = tpu.vector_load %arg6[%swap3A_1615] {strides = array<i32>} : memref<256xi32, #tpu.memory_space<vmem>>, vector<16xi32>,
    tpu.vector_store %arg6[%swap3A_1615], %broadcast_in_dim3A_2 {strides = array<i32>} : memref<256xi32, #tpu.memory_space<vmem>>, vector<16xi32>,
    %swap3A_1617 = arith.constant 128 : index
    %swap3A_1618 = tpu.vector_load %arg6[%swap3A_1617] {strides = array<i32>} : memref<256xi32, #tpu.memory_space<vmem>>, vector<16xi32>,
    tpu.vector_store %arg6[%swap3A_1617], %broadcast_in_dim3A_2 {strides = array<i32>} : memref<256xi32, #tpu.memory_space<vmem>>, vector<16xi32>,
    %swap3A_1619 = arith.constant 144 : index
    %swap3A_1620 = tpu.vector_load %arg6[%swap3A_1619] {strides = array<i32>} : memref<256xi32, #tpu.memory_space<vmem>>, vector<16xi32>,
    tpu.vector_store %arg6[%swap3A_1619], %broadcast_in_dim3A_2 {strides = array<i32>} : memref<256xi32, #tpu.memory_space<vmem>>, vector<16xi32>,
    %swap3A_1621 = arith.constant 160 : index
    %swap3A_1622 = tpu.vector_load %arg6[%swap3A_1621] {strides = array<i32>} : memref<256xi32, #tpu.memory_space<vmem>>, vector<16xi32>,
    tpu.vector_store %arg6[%swap3A_1621], %broadcast_in_dim3A_2 {strides = array<i32>} : memref<256xi32, #tpu.memory_space<vmem>>, vector<16xi32>,
    %swap3A_1623 = arith.constant 176 : index
    %swap3A_1624 = tpu.vector_load %arg6[%swap3A_1623] {strides = array<i32>} : memref<256xi32, #tpu.memory_space<vmem>>, vector<16xi32>,
    tpu.vector_store %arg6[%swap3A_1623], %broadcast_in_dim3A_2 {strides = array<i32>} : memref<256xi32, #tpu.memory_space<vmem>>, vector<16xi32>,
    %swap3A_1625 = arith.constant 192 : index
    %swap3A_1626 = tpu.vector_load %arg6[%swap3A_1625] {strides = array<i32>} : memref<256xi32, #tpu.memory_space<vmem>>, vector<16xi32>,
    tpu.vector_store %arg6[%swap3A_1625], %broadcast_in_dim3A_2 {strides = array<i32>} : memref<256xi32, #tpu.memory_space<vmem>>, vector<16xi32>,
    %swap3A_1627 = arith.constant 208 : index
    %swap3A_1628 = tpu.vector_load %arg6[%swap3A_1627] {strides = array<i32>} : memref<256xi32, #tpu.memory_space<vmem>>, vector<16xi32>,
    tpu.vector_store %arg6[%swap3A_1627], %broadcast_in_dim3A_2 {strides = array<i32>} : memref<256xi32, #tpu.memory_space<vmem>>, vector<16xi32>,
    %swap3A_1629 = arith.constant 224 : index
    %swap3A_1630 = tpu.vector_load %arg6[%swap3A_1629] {strides = array<i32>} : memref<256xi32, #tpu.memory_space<vmem>>, vector<16xi32>,
    tpu.vector_store %arg6[%swap3A_1629], %broadcast_in_dim3A_2 {strides = array<i32>} : memref<256xi32, #tpu.memory_space<vmem>>, vector<16xi32>,
    %swap3A_1631 = arith.constant 240 : index
    %swap3A_1632 = tpu.vector_load %arg6[%swap3A_1631] {strides = array<i32>} : memref<256xi32, #tpu.memory_space<vmem>>, vector<16xi32>,
    tpu.vector_store %arg6[%swap3A_1631], %broadcast_in_dim3A_2 {strides = array<i32>} : memref<256xi32, #tpu.memory_space<vmem>>, vector<16xi32>,
    %shift_right_logical3A_1633 = arith.constant 8 : i32
    %shift_right_logical3A_1634 = vector.broadcast %shift_right_logical3A_1633 : i32 to vector<16xi32>
    %shift_right_logical3A_1635 = arith.shrui %or3A_1600, %shift_right_logical3A_1634 : vector<16xi32>
    %parallel_loop3A_1636 = arith.constant 0 : i32
    %parallel_loop3A_1637 = arith.constant 128 : i32
    %parallel_loop3A_1638 = arith.constant 1 : i32
    %parallel_loop3A_1639 = arith.constant 8 : i32
    scf.for %parallel_loop3A_2018 = %parallel_loop3A_1636 to %parallel_loop3A_1637 step %parallel_loop3A_1638  : i32 {
      %parallel_loop3A_2019 = arith.constant 16 : i32
      %parallel_loop3A_2020 = arith.muli %parallel_loop3A_2018, %parallel_loop3A_2019 : i32
      %parallel_loop3A_2021 = arith.index_cast %parallel_loop3A_2020 : i32 to index
      %parallel_loop3A_2022 = tpu.vector_load %arg5[%parallel_loop3A_2021] {strides = array<i32>} : memref<2048xi32, #tpu.memory_space<vmem>>, vector<16xi32>,
      %parallel_loop3A_2023 = vector.broadcast %parallel_loop3A_1639 : i32 to vector<16xi32>
      %parallel_loop3A_2024 = arith.shrui %parallel_loop3A_2022, %parallel_loop3A_2023 : vector<16xi32>
      %parallel_loop3A_2025 = arith.cmpi eq, %parallel_loop3A_2024, %shift_right_logical3A_1635 : vector<16xi32>
      %parallel_loop3A_2026 = arith.constant 0 : i32
      %parallel_loop3A_2027 = vector.broadcast %parallel_loop3A_2026 : i32 to vector<16xi32>
      %parallel_loop3A_2028 = arith.shrui %parallel_loop3A_2022, %parallel_loop3A_2027 : vector<16xi32>
      %parallel_loop3A_2029 = arith.constant 255 : i32
      %parallel_loop3A_2030 = vector.broadcast %parallel_loop3A_2029 : i32 to vector<16xi32>
      %parallel_loop3A_2031 = arith.andi %parallel_loop3A_2028, %parallel_loop3A_2030 : vector<16xi32>
      tpu.vector_store_idx %arg6[%parallel_loop3A_2031], %broadcast_in_dim3A_4 masked %parallel_loop3A_2025 {add = true} : memref<256xi32, #tpu.memory_space<vmem>>[vector<16xi32>], vector<16xi32>, vector<16xi1>
    } {sc.loop_unroll_factor = 8 : i64, sc.parallel_access}
    %mul3A_1640 = arith.constant 256 : i32
    %mul3A_1641 = arith.muli %arg1, %mul3A_1640 : i32
    %add3A_1642 = arith.constant 1024 : i32
    %add3A_1643 = arith.addi %add3A_1642, %mul3A_1641 : i32
    "tpu.region"() ({
      %run_scoped3A = tpu.sem_alloc : memref<!tpu.dma_semaphore, #tpu.memory_space<semaphore_mem>>
      %dma_start3A_2018 = tpu.memref_slice %arg15[%add3A_1643] : memref<5120xi32, #tpu.memory_space<vmem_shared>> -> memref<256xi32, #tpu.memory_space<vmem_shared>>
      %dma_start3A_2019 = tpu.memref_slice %arg15[%add3A_1643] : memref<5120xi32, #tpu.memory_space<vmem_shared>> -> memref<256xi32, #tpu.memory_space<vmem_shared>>
      tpu.enqueue_dma source(%arg6 : memref<256xi32, #tpu.memory_space<vmem>>) target(%dma_start3A_2019 : memref<256xi32, #tpu.memory_space<vmem_shared>>) target_semaphore(%run_scoped3A : memref<!tpu.dma_semaphore, #tpu.memory_space<semaphore_mem>>)
      %dma_wait3A_2020 = tpu.memref_slice %arg15[%add3A_1643] : memref<5120xi32, #tpu.memory_space<vmem_shared>> -> memref<256xi32, #tpu.memory_space<vmem_shared>>
      %dma_wait3A_2021 = tpu.memref_slice %arg15[%add3A_1643] : memref<5120xi32, #tpu.memory_space<vmem_shared>> -> memref<256xi32, #tpu.memory_space<vmem_shared>>
      tpu.wait_dma2 semaphore(%run_scoped3A : memref<!tpu.dma_semaphore, #tpu.memory_space<semaphore_mem>>) src(%arg6 : memref<256xi32, #tpu.memory_space<vmem>>) dst(%dma_wait3A_2021 : memref<256xi32, #tpu.memory_space<vmem_shared>>)
      tpu.yield
    }) : () -> ()
    %dma_start3A_1644 = arith.constant 6 : i32
    %dma_start3A_1645 = arith.constant 0 : i32
    %dma_start3A_1646 = tpu.memref_slice %arg6[%dma_start3A_1645] : memref<256xi32, #tpu.memory_space<vmem>> -> memref<128xi32, #tpu.memory_space<vmem>>
    %dma_start3A_1647 = arith.constant 0 : i32
    %dma_start3A_1648 = tpu.memref_slice %arg8[%dma_start3A_1644, %dma_start3A_1647] : memref<8x128xi32, #tpu.memory_space<vmem>> -> memref<1x128xi32, #tpu.memory_space<vmem>>
    %dma_start3A_1649 = tpu.memref_squeeze %dma_start3A_1648 : memref<1x128xi32, #tpu.memory_space<vmem>> -> memref<128xi32, #tpu.memory_space<vmem>>
    %dma_start3A_1650 = arith.constant 0 : i32
    %dma_start3A_1651 = tpu.memref_slice %arg15[%dma_start3A_1650] : memref<5120xi32, #tpu.memory_space<vmem_shared>> -> memref<5120xi32, #tpu.memory_space<vmem_shared>>
    tpu.enqueue_indirect_dma source(%dma_start3A_1646 : memref<128xi32, #tpu.memory_space<vmem>>) target(%dma_start3A_1651 : memref<5120xi32, #tpu.memory_space<vmem_shared>>) offsets(%dma_start3A_1649 : memref<128xi32, #tpu.memory_space<vmem>>) semaphore(%arg13 : memref<!tpu.dma_semaphore, #tpu.memory_space<semaphore_mem>>) {add = true}
    %dma_start3A_1652 = arith.constant 7 : i32
    %dma_start3A_1653 = arith.constant 128 : i32
    %dma_start3A_1654 = tpu.memref_slice %arg6[%dma_start3A_1653] : memref<256xi32, #tpu.memory_space<vmem>> -> memref<128xi32, #tpu.memory_space<vmem>>
    %dma_start3A_1655 = arith.constant 0 : i32
    %dma_start3A_1656 = tpu.memref_slice %arg8[%dma_start3A_1652, %dma_start3A_1655] : memref<8x128xi32, #tpu.memory_space<vmem>> -> memref<1x128xi32, #tpu.memory_space<vmem>>
    %dma_start3A_1657 = tpu.memref_squeeze %dma_start3A_1656 : memref<1x128xi32, #tpu.memory_space<vmem>> -> memref<128xi32, #tpu.memory_space<vmem>>
    %dma_start3A_1658 = arith.constant 0 : i32
    %dma_start3A_1659 = tpu.memref_slice %arg15[%dma_start3A_1658] : memref<5120xi32, #tpu.memory_space<vmem_shared>> -> memref<5120xi32, #tpu.memory_space<vmem_shared>>
    tpu.enqueue_indirect_dma source(%dma_start3A_1654 : memref<128xi32, #tpu.memory_space<vmem>>) target(%dma_start3A_1659 : memref<5120xi32, #tpu.memory_space<vmem_shared>>) offsets(%dma_start3A_1657 : memref<128xi32, #tpu.memory_space<vmem>>) semaphore(%arg14 : memref<!tpu.dma_semaphore, #tpu.memory_space<semaphore_mem>>) {add = true}
    %dma_wait3A_1660 = arith.constant 6 : i32
    %dma_wait3A_1661 = arith.constant 0 : i32
    %dma_wait3A_1662 = tpu.memref_slice %arg6[%dma_wait3A_1661] : memref<256xi32, #tpu.memory_space<vmem>> -> memref<128xi32, #tpu.memory_space<vmem>>
    %dma_wait3A_1663 = arith.constant 0 : i32
    %dma_wait3A_1664 = tpu.memref_slice %arg8[%dma_wait3A_1660, %dma_wait3A_1663] : memref<8x128xi32, #tpu.memory_space<vmem>> -> memref<1x128xi32, #tpu.memory_space<vmem>>
    %dma_wait3A_1665 = tpu.memref_squeeze %dma_wait3A_1664 : memref<1x128xi32, #tpu.memory_space<vmem>> -> memref<128xi32, #tpu.memory_space<vmem>>
    %dma_wait3A_1666 = arith.constant 0 : i32
    %dma_wait3A_1667 = tpu.memref_slice %arg15[%dma_wait3A_1666] : memref<5120xi32, #tpu.memory_space<vmem_shared>> -> memref<5120xi32, #tpu.memory_space<vmem_shared>>
    tpu.wait_indirect_dma semaphore(%arg13 : memref<!tpu.dma_semaphore, #tpu.memory_space<semaphore_mem>>) src(%dma_wait3A_1662 : memref<128xi32, #tpu.memory_space<vmem>>) dst(%dma_wait3A_1667 : memref<5120xi32, #tpu.memory_space<vmem_shared>>)
    %dma_wait3A_1668 = arith.constant 7 : i32
    %dma_wait3A_1669 = arith.constant 128 : i32
    %dma_wait3A_1670 = tpu.memref_slice %arg6[%dma_wait3A_1669] : memref<256xi32, #tpu.memory_space<vmem>> -> memref<128xi32, #tpu.memory_space<vmem>>
    %dma_wait3A_1671 = arith.constant 0 : i32
    %dma_wait3A_1672 = tpu.memref_slice %arg8[%dma_wait3A_1668, %dma_wait3A_1671] : memref<8x128xi32, #tpu.memory_space<vmem>> -> memref<1x128xi32, #tpu.memory_space<vmem>>
    %dma_wait3A_1673 = tpu.memref_squeeze %dma_wait3A_1672 : memref<1x128xi32, #tpu.memory_space<vmem>> -> memref<128xi32, #tpu.memory_space<vmem>>
    %dma_wait3A_1674 = arith.constant 0 : i32
    %dma_wait3A_1675 = tpu.memref_slice %arg15[%dma_wait3A_1674] : memref<5120xi32, #tpu.memory_space<vmem_shared>> -> memref<5120xi32, #tpu.memory_space<vmem_shared>>
    tpu.wait_indirect_dma semaphore(%arg14 : memref<!tpu.dma_semaphore, #tpu.memory_space<semaphore_mem>>) src(%dma_wait3A_1670 : memref<128xi32, #tpu.memory_space<vmem>>) dst(%dma_wait3A_1675 : memref<5120xi32, #tpu.memory_space<vmem_shared>>)
    %barrier3A_1676 = arith.constant 0 : index
    tpu.barrier barrier_id(%barrier3A_1676)
    "tpu.region"() ({
      %run_scoped3A = tpu.sem_alloc : memref<!tpu.dma_semaphore, #tpu.memory_space<semaphore_mem>>
      %dma_start3A_2018 = arith.constant 768 : i32
      %dma_start3A_2019 = tpu.memref_slice %arg15[%dma_start3A_2018] : memref<5120xi32, #tpu.memory_space<vmem_shared>> -> memref<256xi32, #tpu.memory_space<vmem_shared>>
      %dma_start3A_2020 = arith.constant 768 : i32
      %dma_start3A_2021 = tpu.memref_slice %arg15[%dma_start3A_2020] : memref<5120xi32, #tpu.memory_space<vmem_shared>> -> memref<256xi32, #tpu.memory_space<vmem_shared>>
      tpu.enqueue_dma source(%dma_start3A_2021 : memref<256xi32, #tpu.memory_space<vmem_shared>>) target(%arg7 : memref<256xi32, #tpu.memory_space<vmem>>) target_semaphore(%run_scoped3A : memref<!tpu.dma_semaphore, #tpu.memory_space<semaphore_mem>>)
      %dma_wait3A_2022 = arith.constant 768 : i32
      %dma_wait3A_2023 = tpu.memref_slice %arg15[%dma_wait3A_2022] : memref<5120xi32, #tpu.memory_space<vmem_shared>> -> memref<256xi32, #tpu.memory_space<vmem_shared>>
      %dma_wait3A_2024 = arith.constant 768 : i32
      %dma_wait3A_2025 = tpu.memref_slice %arg15[%dma_wait3A_2024] : memref<5120xi32, #tpu.memory_space<vmem_shared>> -> memref<256xi32, #tpu.memory_space<vmem_shared>>
      tpu.wait_dma2 semaphore(%run_scoped3A : memref<!tpu.dma_semaphore, #tpu.memory_space<semaphore_mem>>) src(%dma_wait3A_2025 : memref<256xi32, #tpu.memory_space<vmem_shared>>) dst(%arg7 : memref<256xi32, #tpu.memory_space<vmem>>)
      tpu.yield
    }) : () -> ()
    %get3A_1677 = arith.constant 0 : index
    %get3A_1678 = tpu.vector_load %arg7[%get3A_1677] {strides = array<i32>} : memref<256xi32, #tpu.memory_space<vmem>>, vector<16xi32>,
    %eq3A_1679 = arith.constant 0 : i32
    %eq3A_1680 = vector.broadcast %eq3A_1679 : i32 to vector<16xi32>
    %eq3A_1681 = arith.cmpi eq, %iota3A, %eq3A_1680 : vector<16xi32>
    %reduce_sum3A_1682 = arith.constant true
    %reduce_sum3A_1683 = vector.broadcast %reduce_sum3A_1682 : i1 to vector<16xi1>
    %reduce_sum3A_1684 = tpu.scan <sum>, %get3A_1678 masked %reduce_sum3A_1683 : vector<16xi32>, vector<16xi1> -> vector<16xi32>
    %reduce_sum3A_1685 = vector.extract %reduce_sum3A_1684[15] : i32 from vector<16xi32>
    %jit3A_1686 = arith.constant 0 : i32
    %broadcast_in_dim3A_1687 = vector.broadcast %reduce_sum3A_1685 : i32 to vector<16xi32>
    %broadcast_in_dim3A_1688 = vector.broadcast %jit3A_1686 : i32 to vector<16xi32>
    %select_n3A_1689 = arith.select %eq3A_1681, %broadcast_in_dim3A_1687, %broadcast_in_dim3A_1688 : vector<16xi1>, vector<16xi32>
    %add3A_1690 = arith.addi %broadcast_in_dim3A_2, %select_n3A_1689 : vector<16xi32>
    %get3A_1691 = arith.constant 16 : index
    %get3A_1692 = tpu.vector_load %arg7[%get3A_1691] {strides = array<i32>} : memref<256xi32, #tpu.memory_space<vmem>>, vector<16xi32>,
    %eq3A_1693 = arith.constant 1 : i32
    %eq3A_1694 = vector.broadcast %eq3A_1693 : i32 to vector<16xi32>
    %eq3A_1695 = arith.cmpi eq, %iota3A, %eq3A_1694 : vector<16xi32>
    %reduce_sum3A_1696 = arith.constant true
    %reduce_sum3A_1697 = vector.broadcast %reduce_sum3A_1696 : i1 to vector<16xi1>
    %reduce_sum3A_1698 = tpu.scan <sum>, %get3A_1692 masked %reduce_sum3A_1697 : vector<16xi32>, vector<16xi1> -> vector<16xi32>
    %reduce_sum3A_1699 = vector.extract %reduce_sum3A_1698[15] : i32 from vector<16xi32>
    %jit3A_1700 = arith.constant 0 : i32
    %broadcast_in_dim3A_1701 = vector.broadcast %reduce_sum3A_1699 : i32 to vector<16xi32>
    %broadcast_in_dim3A_1702 = vector.broadcast %jit3A_1700 : i32 to vector<16xi32>
    %select_n3A_1703 = arith.select %eq3A_1695, %broadcast_in_dim3A_1701, %broadcast_in_dim3A_1702 : vector<16xi1>, vector<16xi32>
    %add3A_1704 = arith.addi %add3A_1690, %select_n3A_1703 : vector<16xi32>
    %get3A_1705 = arith.constant 32 : index
    %get3A_1706 = tpu.vector_load %arg7[%get3A_1705] {strides = array<i32>} : memref<256xi32, #tpu.memory_space<vmem>>, vector<16xi32>,
    %eq3A_1707 = arith.constant 2 : i32
    %eq3A_1708 = vector.broadcast %eq3A_1707 : i32 to vector<16xi32>
    %eq3A_1709 = arith.cmpi eq, %iota3A, %eq3A_1708 : vector<16xi32>
    %reduce_sum3A_1710 = arith.constant true
    %reduce_sum3A_1711 = vector.broadcast %reduce_sum3A_1710 : i1 to vector<16xi1>
    %reduce_sum3A_1712 = tpu.scan <sum>, %get3A_1706 masked %reduce_sum3A_1711 : vector<16xi32>, vector<16xi1> -> vector<16xi32>
    %reduce_sum3A_1713 = vector.extract %reduce_sum3A_1712[15] : i32 from vector<16xi32>
    %jit3A_1714 = arith.constant 0 : i32
    %broadcast_in_dim3A_1715 = vector.broadcast %reduce_sum3A_1713 : i32 to vector<16xi32>
    %broadcast_in_dim3A_1716 = vector.broadcast %jit3A_1714 : i32 to vector<16xi32>
    %select_n3A_1717 = arith.select %eq3A_1709, %broadcast_in_dim3A_1715, %broadcast_in_dim3A_1716 : vector<16xi1>, vector<16xi32>
    %add3A_1718 = arith.addi %add3A_1704, %select_n3A_1717 : vector<16xi32>
    %get3A_1719 = arith.constant 48 : index
    %get3A_1720 = tpu.vector_load %arg7[%get3A_1719] {strides = array<i32>} : memref<256xi32, #tpu.memory_space<vmem>>, vector<16xi32>,
    %eq3A_1721 = arith.constant 3 : i32
    %eq3A_1722 = vector.broadcast %eq3A_1721 : i32 to vector<16xi32>
    %eq3A_1723 = arith.cmpi eq, %iota3A, %eq3A_1722 : vector<16xi32>
    %reduce_sum3A_1724 = arith.constant true
    %reduce_sum3A_1725 = vector.broadcast %reduce_sum3A_1724 : i1 to vector<16xi1>
    %reduce_sum3A_1726 = tpu.scan <sum>, %get3A_1720 masked %reduce_sum3A_1725 : vector<16xi32>, vector<16xi1> -> vector<16xi32>
    %reduce_sum3A_1727 = vector.extract %reduce_sum3A_1726[15] : i32 from vector<16xi32>
    %jit3A_1728 = arith.constant 0 : i32
    %broadcast_in_dim3A_1729 = vector.broadcast %reduce_sum3A_1727 : i32 to vector<16xi32>
    %broadcast_in_dim3A_1730 = vector.broadcast %jit3A_1728 : i32 to vector<16xi32>
    %select_n3A_1731 = arith.select %eq3A_1723, %broadcast_in_dim3A_1729, %broadcast_in_dim3A_1730 : vector<16xi1>, vector<16xi32>
    %add3A_1732 = arith.addi %add3A_1718, %select_n3A_1731 : vector<16xi32>
    %get3A_1733 = arith.constant 64 : index
    %get3A_1734 = tpu.vector_load %arg7[%get3A_1733] {strides = array<i32>} : memref<256xi32, #tpu.memory_space<vmem>>, vector<16xi32>,
    %eq3A_1735 = arith.constant 4 : i32
    %eq3A_1736 = vector.broadcast %eq3A_1735 : i32 to vector<16xi32>
    %eq3A_1737 = arith.cmpi eq, %iota3A, %eq3A_1736 : vector<16xi32>
    %reduce_sum3A_1738 = arith.constant true
    %reduce_sum3A_1739 = vector.broadcast %reduce_sum3A_1738 : i1 to vector<16xi1>
    %reduce_sum3A_1740 = tpu.scan <sum>, %get3A_1734 masked %reduce_sum3A_1739 : vector<16xi32>, vector<16xi1> -> vector<16xi32>
    %reduce_sum3A_1741 = vector.extract %reduce_sum3A_1740[15] : i32 from vector<16xi32>
    %jit3A_1742 = arith.constant 0 : i32
    %broadcast_in_dim3A_1743 = vector.broadcast %reduce_sum3A_1741 : i32 to vector<16xi32>
    %broadcast_in_dim3A_1744 = vector.broadcast %jit3A_1742 : i32 to vector<16xi32>
    %select_n3A_1745 = arith.select %eq3A_1737, %broadcast_in_dim3A_1743, %broadcast_in_dim3A_1744 : vector<16xi1>, vector<16xi32>
    %add3A_1746 = arith.addi %add3A_1732, %select_n3A_1745 : vector<16xi32>
    %get3A_1747 = arith.constant 80 : index
    %get3A_1748 = tpu.vector_load %arg7[%get3A_1747] {strides = array<i32>} : memref<256xi32, #tpu.memory_space<vmem>>, vector<16xi32>,
    %eq3A_1749 = arith.constant 5 : i32
    %eq3A_1750 = vector.broadcast %eq3A_1749 : i32 to vector<16xi32>
    %eq3A_1751 = arith.cmpi eq, %iota3A, %eq3A_1750 : vector<16xi32>
    %reduce_sum3A_1752 = arith.constant true
    %reduce_sum3A_1753 = vector.broadcast %reduce_sum3A_1752 : i1 to vector<16xi1>
    %reduce_sum3A_1754 = tpu.scan <sum>, %get3A_1748 masked %reduce_sum3A_1753 : vector<16xi32>, vector<16xi1> -> vector<16xi32>
    %reduce_sum3A_1755 = vector.extract %reduce_sum3A_1754[15] : i32 from vector<16xi32>
    %jit3A_1756 = arith.constant 0 : i32
    %broadcast_in_dim3A_1757 = vector.broadcast %reduce_sum3A_1755 : i32 to vector<16xi32>
    %broadcast_in_dim3A_1758 = vector.broadcast %jit3A_1756 : i32 to vector<16xi32>
    %select_n3A_1759 = arith.select %eq3A_1751, %broadcast_in_dim3A_1757, %broadcast_in_dim3A_1758 : vector<16xi1>, vector<16xi32>
    %add3A_1760 = arith.addi %add3A_1746, %select_n3A_1759 : vector<16xi32>
    %get3A_1761 = arith.constant 96 : index
    %get3A_1762 = tpu.vector_load %arg7[%get3A_1761] {strides = array<i32>} : memref<256xi32, #tpu.memory_space<vmem>>, vector<16xi32>,
    %eq3A_1763 = arith.constant 6 : i32
    %eq3A_1764 = vector.broadcast %eq3A_1763 : i32 to vector<16xi32>
    %eq3A_1765 = arith.cmpi eq, %iota3A, %eq3A_1764 : vector<16xi32>
    %reduce_sum3A_1766 = arith.constant true
    %reduce_sum3A_1767 = vector.broadcast %reduce_sum3A_1766 : i1 to vector<16xi1>
    %reduce_sum3A_1768 = tpu.scan <sum>, %get3A_1762 masked %reduce_sum3A_1767 : vector<16xi32>, vector<16xi1> -> vector<16xi32>
    %reduce_sum3A_1769 = vector.extract %reduce_sum3A_1768[15] : i32 from vector<16xi32>
    %jit3A_1770 = arith.constant 0 : i32
    %broadcast_in_dim3A_1771 = vector.broadcast %reduce_sum3A_1769 : i32 to vector<16xi32>
    %broadcast_in_dim3A_1772 = vector.broadcast %jit3A_1770 : i32 to vector<16xi32>
    %select_n3A_1773 = arith.select %eq3A_1765, %broadcast_in_dim3A_1771, %broadcast_in_dim3A_1772 : vector<16xi1>, vector<16xi32>
    %add3A_1774 = arith.addi %add3A_1760, %select_n3A_1773 : vector<16xi32>
    %get3A_1775 = arith.constant 112 : index
    %get3A_1776 = tpu.vector_load %arg7[%get3A_1775] {strides = array<i32>} : memref<256xi32, #tpu.memory_space<vmem>>, vector<16xi32>,
    %eq3A_1777 = arith.constant 7 : i32
    %eq3A_1778 = vector.broadcast %eq3A_1777 : i32 to vector<16xi32>
    %eq3A_1779 = arith.cmpi eq, %iota3A, %eq3A_1778 : vector<16xi32>
    %reduce_sum3A_1780 = arith.constant true
    %reduce_sum3A_1781 = vector.broadcast %reduce_sum3A_1780 : i1 to vector<16xi1>
    %reduce_sum3A_1782 = tpu.scan <sum>, %get3A_1776 masked %reduce_sum3A_1781 : vector<16xi32>, vector<16xi1> -> vector<16xi32>
    %reduce_sum3A_1783 = vector.extract %reduce_sum3A_1782[15] : i32 from vector<16xi32>
    %jit3A_1784 = arith.constant 0 : i32
    %broadcast_in_dim3A_1785 = vector.broadcast %reduce_sum3A_1783 : i32 to vector<16xi32>
    %broadcast_in_dim3A_1786 = vector.broadcast %jit3A_1784 : i32 to vector<16xi32>
    %select_n3A_1787 = arith.select %eq3A_1779, %broadcast_in_dim3A_1785, %broadcast_in_dim3A_1786 : vector<16xi1>, vector<16xi32>
    %add3A_1788 = arith.addi %add3A_1774, %select_n3A_1787 : vector<16xi32>
    %get3A_1789 = arith.constant 128 : index
    %get3A_1790 = tpu.vector_load %arg7[%get3A_1789] {strides = array<i32>} : memref<256xi32, #tpu.memory_space<vmem>>, vector<16xi32>,
    %eq3A_1791 = arith.constant 8 : i32
    %eq3A_1792 = vector.broadcast %eq3A_1791 : i32 to vector<16xi32>
    %eq3A_1793 = arith.cmpi eq, %iota3A, %eq3A_1792 : vector<16xi32>
    %reduce_sum3A_1794 = arith.constant true
    %reduce_sum3A_1795 = vector.broadcast %reduce_sum3A_1794 : i1 to vector<16xi1>
    %reduce_sum3A_1796 = tpu.scan <sum>, %get3A_1790 masked %reduce_sum3A_1795 : vector<16xi32>, vector<16xi1> -> vector<16xi32>
    %reduce_sum3A_1797 = vector.extract %reduce_sum3A_1796[15] : i32 from vector<16xi32>
    %jit3A_1798 = arith.constant 0 : i32
    %broadcast_in_dim3A_1799 = vector.broadcast %reduce_sum3A_1797 : i32 to vector<16xi32>
    %broadcast_in_dim3A_1800 = vector.broadcast %jit3A_1798 : i32 to vector<16xi32>
    %select_n3A_1801 = arith.select %eq3A_1793, %broadcast_in_dim3A_1799, %broadcast_in_dim3A_1800 : vector<16xi1>, vector<16xi32>
    %add3A_1802 = arith.addi %add3A_1788, %select_n3A_1801 : vector<16xi32>
    %get3A_1803 = arith.constant 144 : index
    %get3A_1804 = tpu.vector_load %arg7[%get3A_1803] {strides = array<i32>} : memref<256xi32, #tpu.memory_space<vmem>>, vector<16xi32>,
    %eq3A_1805 = arith.constant 9 : i32
    %eq3A_1806 = vector.broadcast %eq3A_1805 : i32 to vector<16xi32>
    %eq3A_1807 = arith.cmpi eq, %iota3A, %eq3A_1806 : vector<16xi32>
    %reduce_sum3A_1808 = arith.constant true
    %reduce_sum3A_1809 = vector.broadcast %reduce_sum3A_1808 : i1 to vector<16xi1>
    %reduce_sum3A_1810 = tpu.scan <sum>, %get3A_1804 masked %reduce_sum3A_1809 : vector<16xi32>, vector<16xi1> -> vector<16xi32>
    %reduce_sum3A_1811 = vector.extract %reduce_sum3A_1810[15] : i32 from vector<16xi32>
    %jit3A_1812 = arith.constant 0 : i32
    %broadcast_in_dim3A_1813 = vector.broadcast %reduce_sum3A_1811 : i32 to vector<16xi32>
    %broadcast_in_dim3A_1814 = vector.broadcast %jit3A_1812 : i32 to vector<16xi32>
    %select_n3A_1815 = arith.select %eq3A_1807, %broadcast_in_dim3A_1813, %broadcast_in_dim3A_1814 : vector<16xi1>, vector<16xi32>
    %add3A_1816 = arith.addi %add3A_1802, %select_n3A_1815 : vector<16xi32>
    %get3A_1817 = arith.constant 160 : index
    %get3A_1818 = tpu.vector_load %arg7[%get3A_1817] {strides = array<i32>} : memref<256xi32, #tpu.memory_space<vmem>>, vector<16xi32>,
    %eq3A_1819 = arith.constant 10 : i32
    %eq3A_1820 = vector.broadcast %eq3A_1819 : i32 to vector<16xi32>
    %eq3A_1821 = arith.cmpi eq, %iota3A, %eq3A_1820 : vector<16xi32>
    %reduce_sum3A_1822 = arith.constant true
    %reduce_sum3A_1823 = vector.broadcast %reduce_sum3A_1822 : i1 to vector<16xi1>
    %reduce_sum3A_1824 = tpu.scan <sum>, %get3A_1818 masked %reduce_sum3A_1823 : vector<16xi32>, vector<16xi1> -> vector<16xi32>
    %reduce_sum3A_1825 = vector.extract %reduce_sum3A_1824[15] : i32 from vector<16xi32>
    %jit3A_1826 = arith.constant 0 : i32
    %broadcast_in_dim3A_1827 = vector.broadcast %reduce_sum3A_1825 : i32 to vector<16xi32>
    %broadcast_in_dim3A_1828 = vector.broadcast %jit3A_1826 : i32 to vector<16xi32>
    %select_n3A_1829 = arith.select %eq3A_1821, %broadcast_in_dim3A_1827, %broadcast_in_dim3A_1828 : vector<16xi1>, vector<16xi32>
    %add3A_1830 = arith.addi %add3A_1816, %select_n3A_1829 : vector<16xi32>
    %get3A_1831 = arith.constant 176 : index
    %get3A_1832 = tpu.vector_load %arg7[%get3A_1831] {strides = array<i32>} : memref<256xi32, #tpu.memory_space<vmem>>, vector<16xi32>,
    %eq3A_1833 = arith.constant 11 : i32
    %eq3A_1834 = vector.broadcast %eq3A_1833 : i32 to vector<16xi32>
    %eq3A_1835 = arith.cmpi eq, %iota3A, %eq3A_1834 : vector<16xi32>
    %reduce_sum3A_1836 = arith.constant true
    %reduce_sum3A_1837 = vector.broadcast %reduce_sum3A_1836 : i1 to vector<16xi1>
    %reduce_sum3A_1838 = tpu.scan <sum>, %get3A_1832 masked %reduce_sum3A_1837 : vector<16xi32>, vector<16xi1> -> vector<16xi32>
    %reduce_sum3A_1839 = vector.extract %reduce_sum3A_1838[15] : i32 from vector<16xi32>
    %jit3A_1840 = arith.constant 0 : i32
    %broadcast_in_dim3A_1841 = vector.broadcast %reduce_sum3A_1839 : i32 to vector<16xi32>
    %broadcast_in_dim3A_1842 = vector.broadcast %jit3A_1840 : i32 to vector<16xi32>
    %select_n3A_1843 = arith.select %eq3A_1835, %broadcast_in_dim3A_1841, %broadcast_in_dim3A_1842 : vector<16xi1>, vector<16xi32>
    %add3A_1844 = arith.addi %add3A_1830, %select_n3A_1843 : vector<16xi32>
    %get3A_1845 = arith.constant 192 : index
    %get3A_1846 = tpu.vector_load %arg7[%get3A_1845] {strides = array<i32>} : memref<256xi32, #tpu.memory_space<vmem>>, vector<16xi32>,
    %eq3A_1847 = arith.constant 12 : i32
    %eq3A_1848 = vector.broadcast %eq3A_1847 : i32 to vector<16xi32>
    %eq3A_1849 = arith.cmpi eq, %iota3A, %eq3A_1848 : vector<16xi32>
    %reduce_sum3A_1850 = arith.constant true
    %reduce_sum3A_1851 = vector.broadcast %reduce_sum3A_1850 : i1 to vector<16xi1>
    %reduce_sum3A_1852 = tpu.scan <sum>, %get3A_1846 masked %reduce_sum3A_1851 : vector<16xi32>, vector<16xi1> -> vector<16xi32>
    %reduce_sum3A_1853 = vector.extract %reduce_sum3A_1852[15] : i32 from vector<16xi32>
    %jit3A_1854 = arith.constant 0 : i32
    %broadcast_in_dim3A_1855 = vector.broadcast %reduce_sum3A_1853 : i32 to vector<16xi32>
    %broadcast_in_dim3A_1856 = vector.broadcast %jit3A_1854 : i32 to vector<16xi32>
    %select_n3A_1857 = arith.select %eq3A_1849, %broadcast_in_dim3A_1855, %broadcast_in_dim3A_1856 : vector<16xi1>, vector<16xi32>
    %add3A_1858 = arith.addi %add3A_1844, %select_n3A_1857 : vector<16xi32>
    %get3A_1859 = arith.constant 208 : index
    %get3A_1860 = tpu.vector_load %arg7[%get3A_1859] {strides = array<i32>} : memref<256xi32, #tpu.memory_space<vmem>>, vector<16xi32>,
    %eq3A_1861 = arith.constant 13 : i32
    %eq3A_1862 = vector.broadcast %eq3A_1861 : i32 to vector<16xi32>
    %eq3A_1863 = arith.cmpi eq, %iota3A, %eq3A_1862 : vector<16xi32>
    %reduce_sum3A_1864 = arith.constant true
    %reduce_sum3A_1865 = vector.broadcast %reduce_sum3A_1864 : i1 to vector<16xi1>
    %reduce_sum3A_1866 = tpu.scan <sum>, %get3A_1860 masked %reduce_sum3A_1865 : vector<16xi32>, vector<16xi1> -> vector<16xi32>
    %reduce_sum3A_1867 = vector.extract %reduce_sum3A_1866[15] : i32 from vector<16xi32>
    %jit3A_1868 = arith.constant 0 : i32
    %broadcast_in_dim3A_1869 = vector.broadcast %reduce_sum3A_1867 : i32 to vector<16xi32>
    %broadcast_in_dim3A_1870 = vector.broadcast %jit3A_1868 : i32 to vector<16xi32>
    %select_n3A_1871 = arith.select %eq3A_1863, %broadcast_in_dim3A_1869, %broadcast_in_dim3A_1870 : vector<16xi1>, vector<16xi32>
    %add3A_1872 = arith.addi %add3A_1858, %select_n3A_1871 : vector<16xi32>
    %get3A_1873 = arith.constant 224 : index
    %get3A_1874 = tpu.vector_load %arg7[%get3A_1873] {strides = array<i32>} : memref<256xi32, #tpu.memory_space<vmem>>, vector<16xi32>,
    %eq3A_1875 = arith.constant 14 : i32
    %eq3A_1876 = vector.broadcast %eq3A_1875 : i32 to vector<16xi32>
    %eq3A_1877 = arith.cmpi eq, %iota3A, %eq3A_1876 : vector<16xi32>
    %reduce_sum3A_1878 = arith.constant true
    %reduce_sum3A_1879 = vector.broadcast %reduce_sum3A_1878 : i1 to vector<16xi1>
    %reduce_sum3A_1880 = tpu.scan <sum>, %get3A_1874 masked %reduce_sum3A_1879 : vector<16xi32>, vector<16xi1> -> vector<16xi32>
    %reduce_sum3A_1881 = vector.extract %reduce_sum3A_1880[15] : i32 from vector<16xi32>
    %jit3A_1882 = arith.constant 0 : i32
    %broadcast_in_dim3A_1883 = vector.broadcast %reduce_sum3A_1881 : i32 to vector<16xi32>
    %broadcast_in_dim3A_1884 = vector.broadcast %jit3A_1882 : i32 to vector<16xi32>
    %select_n3A_1885 = arith.select %eq3A_1877, %broadcast_in_dim3A_1883, %broadcast_in_dim3A_1884 : vector<16xi1>, vector<16xi32>
    %add3A_1886 = arith.addi %add3A_1872, %select_n3A_1885 : vector<16xi32>
    %get3A_1887 = arith.constant 240 : index
    %get3A_1888 = tpu.vector_load %arg7[%get3A_1887] {strides = array<i32>} : memref<256xi32, #tpu.memory_space<vmem>>, vector<16xi32>,
    %eq3A_1889 = arith.constant 15 : i32
    %eq3A_1890 = vector.broadcast %eq3A_1889 : i32 to vector<16xi32>
    %eq3A_1891 = arith.cmpi eq, %iota3A, %eq3A_1890 : vector<16xi32>
    %reduce_sum3A_1892 = arith.constant true
    %reduce_sum3A_1893 = vector.broadcast %reduce_sum3A_1892 : i1 to vector<16xi1>
    %reduce_sum3A_1894 = tpu.scan <sum>, %get3A_1888 masked %reduce_sum3A_1893 : vector<16xi32>, vector<16xi1> -> vector<16xi32>
    %reduce_sum3A_1895 = vector.extract %reduce_sum3A_1894[15] : i32 from vector<16xi32>
    %jit3A_1896 = arith.constant 0 : i32
    %broadcast_in_dim3A_1897 = vector.broadcast %reduce_sum3A_1895 : i32 to vector<16xi32>
    %broadcast_in_dim3A_1898 = vector.broadcast %jit3A_1896 : i32 to vector<16xi32>
    %select_n3A_1899 = arith.select %eq3A_1891, %broadcast_in_dim3A_1897, %broadcast_in_dim3A_1898 : vector<16xi1>, vector<16xi32>
    %add3A_1900 = arith.addi %add3A_1886, %select_n3A_1899 : vector<16xi32>
    %rev3A_1901 = arith.constant 15 : i32
    %rev3A_1902 = vector.broadcast %rev3A_1901 : i32 to vector<16xi32>
    %rev3A_1903 = tpu.iota {dimensions = array<i32: 0>} : vector<16xi32>
    %rev3A_1904 = arith.subi %rev3A_1902, %rev3A_1903 : vector<16xi32>
    %rev3A_1905 = tpu.dynamic_gather %add3A_1900[%rev3A_1904] in [0] : vector<16xi32>, vector<16xi32> -> vector<16xi32>
    %broadcast_in_dim3A_1906 = arith.constant true
    %broadcast_in_dim3A_1907 = vector.broadcast %broadcast_in_dim3A_1906 : i1 to vector<16xi1>
    %masked_cumsum3A_1908 = tpu.scan <sum>, %rev3A_1905 masked %broadcast_in_dim3A_1907 : vector<16xi32>, vector<16xi1> -> vector<16xi32>
    %rev3A_1909 = arith.constant 15 : i32
    %rev3A_1910 = vector.broadcast %rev3A_1909 : i32 to vector<16xi32>
    %rev3A_1911 = tpu.iota {dimensions = array<i32: 0>} : vector<16xi32>
    %rev3A_1912 = arith.subi %rev3A_1910, %rev3A_1911 : vector<16xi32>
    %rev3A_1913 = tpu.dynamic_gather %masked_cumsum3A_1908[%rev3A_1912] in [0] : vector<16xi32>, vector<16xi32> -> vector<16xi32>
    %ge3A_1914 = arith.cmpi sge, %rev3A_1913, %sub3A_1596 : vector<16xi32>
    %all_reduce_population_count3A_1915 = tpu.all_reduce %ge3A_1914 {dim = 0 : i64, kind = #tpu.reduction_kind<sum>} : vector<16xi1> -> vector<16xi32>
    %sub3A_1916 = arith.constant 1 : i32
    %sub3A_1917 = vector.broadcast %sub3A_1916 : i32 to vector<16xi32>
    %sub3A_1918 = arith.subi %all_reduce_population_count3A_1915, %sub3A_1917 : vector<16xi32>
    %eq3A_1919 = arith.cmpi eq, %iota3A, %sub3A_1918 : vector<16xi32>
    %sub3A_1920 = arith.subi %rev3A_1913, %add3A_1900 : vector<16xi32>
    %jit3A_1921 = arith.constant 0 : i32
    %broadcast_in_dim3A_1922 = vector.broadcast %jit3A_1921 : i32 to vector<16xi32>
    %select_n3A_1923 = arith.select %eq3A_1919, %sub3A_1920, %broadcast_in_dim3A_1922 : vector<16xi1>, vector<16xi32>
    %reduce_sum3A_1924 = arith.constant true
    %reduce_sum3A_1925 = vector.broadcast %reduce_sum3A_1924 : i1 to vector<16xi1>
    %reduce_sum3A_1926 = tpu.scan <sum>, %select_n3A_1923 masked %reduce_sum3A_1925 : vector<16xi32>, vector<16xi1> -> vector<16xi32>
    %reduce_sum3A_1927 = vector.extract %reduce_sum3A_1926[15] : i32 from vector<16xi32>
    %reduce_max3A_1928 = arith.constant true
    %reduce_max3A_1929 = vector.broadcast %reduce_max3A_1928 : i1 to vector<16xi1>
    %reduce_max3A_1930 = arith.constant -2147483648 : i32
    %reduce_max3A_1931 = vector.broadcast %reduce_max3A_1930 : i32 to vector<16xi32>
    %reduce_max3A_1932 = arith.xori %sub3A_1918, %reduce_max3A_1931 : vector<16xi32>
    %reduce_max3A_1933 = tpu.scan <max>, %reduce_max3A_1932 masked %reduce_max3A_1929 : vector<16xi32>, vector<16xi1> -> vector<16xi32>
    %reduce_max3A_1934 = arith.xori %reduce_max3A_1933, %reduce_max3A_1931 : vector<16xi32>
    %reduce_max3A_1935 = vector.extract %reduce_max3A_1934[15] : i32 from vector<16xi32>
    %mul3A_1936 = arith.constant 16 : i32
    %mul3A_1937 = arith.muli %reduce_max3A_1935, %mul3A_1936 : i32
    %get3A_1938 = arith.index_cast %mul3A_1937 : i32 to index
    %get3A_1939 = tpu.vector_load %arg7[%get3A_1938] {strides = array<i32>} : memref<256xi32, #tpu.memory_space<vmem>>, vector<16xi32>,
    %rev3A_1940 = arith.constant 15 : i32
    %rev3A_1941 = vector.broadcast %rev3A_1940 : i32 to vector<16xi32>
    %rev3A_1942 = tpu.iota {dimensions = array<i32: 0>} : vector<16xi32>
    %rev3A_1943 = arith.subi %rev3A_1941, %rev3A_1942 : vector<16xi32>
    %rev3A_1944 = tpu.dynamic_gather %get3A_1939[%rev3A_1943] in [0] : vector<16xi32>, vector<16xi32> -> vector<16xi32>
    %broadcast_in_dim3A_1945 = arith.constant true
    %broadcast_in_dim3A_1946 = vector.broadcast %broadcast_in_dim3A_1945 : i1 to vector<16xi1>
    %masked_cumsum3A_1947 = tpu.scan <sum>, %rev3A_1944 masked %broadcast_in_dim3A_1946 : vector<16xi32>, vector<16xi1> -> vector<16xi32>
    %rev3A_1948 = arith.constant 15 : i32
    %rev3A_1949 = vector.broadcast %rev3A_1948 : i32 to vector<16xi32>
    %rev3A_1950 = tpu.iota {dimensions = array<i32: 0>} : vector<16xi32>
    %rev3A_1951 = arith.subi %rev3A_1949, %rev3A_1950 : vector<16xi32>
    %rev3A_1952 = tpu.dynamic_gather %masked_cumsum3A_1947[%rev3A_1951] in [0] : vector<16xi32>, vector<16xi32> -> vector<16xi32>
    %add3A_1953 = vector.broadcast %reduce_sum3A_1927 : i32 to vector<16xi32>
    %add3A_1954 = arith.addi %rev3A_1952, %add3A_1953 : vector<16xi32>
    %ge3A_1955 = arith.cmpi sge, %add3A_1954, %sub3A_1596 : vector<16xi32>
    %all_reduce_population_count3A_1956 = tpu.all_reduce %ge3A_1955 {dim = 0 : i64, kind = #tpu.reduction_kind<sum>} : vector<16xi1> -> vector<16xi32>
    %mul3A_1957 = arith.constant 16 : i32
    %mul3A_1958 = vector.broadcast %mul3A_1957 : i32 to vector<16xi32>
    %mul3A_1959 = arith.muli %sub3A_1918, %mul3A_1958 : vector<16xi32>
    %add3A_1960 = arith.addi %mul3A_1959, %all_reduce_population_count3A_1956 : vector<16xi32>
    %sub3A_1961 = arith.constant 1 : i32
    %sub3A_1962 = vector.broadcast %sub3A_1961 : i32 to vector<16xi32>
    %sub3A_1963 = arith.subi %add3A_1960, %sub3A_1962 : vector<16xi32>
    %sub3A_1964 = arith.constant 1 : i32
    %sub3A_1965 = vector.broadcast %sub3A_1964 : i32 to vector<16xi32>
    %sub3A_1966 = arith.subi %all_reduce_population_count3A_1956, %sub3A_1965 : vector<16xi32>
    %eq3A_1967 = arith.cmpi eq, %iota3A, %sub3A_1966 : vector<16xi32>
    %jit3A_1968 = arith.constant 0 : i32
    %broadcast_in_dim3A_1969 = vector.broadcast %jit3A_1968 : i32 to vector<16xi32>
    %select_n3A_1970 = arith.select %eq3A_1967, %add3A_1954, %broadcast_in_dim3A_1969 : vector<16xi1>, vector<16xi32>
    %reduce_sum3A_1971 = arith.constant true
    %reduce_sum3A_1972 = vector.broadcast %reduce_sum3A_1971 : i1 to vector<16xi1>
    %reduce_sum3A_1973 = tpu.scan <sum>, %select_n3A_1970 masked %reduce_sum3A_1972 : vector<16xi32>, vector<16xi1> -> vector<16xi32>
    %reduce_sum3A_1974 = vector.extract %reduce_sum3A_1973[15] : i32 from vector<16xi32>
    %eq3A_1975 = arith.cmpi eq, %iota3A, %sub3A_1966 : vector<16xi32>
    %jit3A_1976 = arith.constant 0 : i32
    %broadcast_in_dim3A_1977 = vector.broadcast %jit3A_1976 : i32 to vector<16xi32>
    %select_n3A_1978 = arith.select %eq3A_1975, %get3A_1939, %broadcast_in_dim3A_1977 : vector<16xi1>, vector<16xi32>
    %reduce_sum3A_1979 = arith.constant true
    %reduce_sum3A_1980 = vector.broadcast %reduce_sum3A_1979 : i1 to vector<16xi1>
    %reduce_sum3A_1981 = tpu.scan <sum>, %select_n3A_1978 masked %reduce_sum3A_1980 : vector<16xi32>, vector<16xi1> -> vector<16xi32>
    %reduce_sum3A_1982 = vector.extract %reduce_sum3A_1981[15] : i32 from vector<16xi32>
    %sub3A_1983 = arith.subi %reduce_sum3A_1974, %reduce_sum3A_1982 : i32
    %sub3A_1984 = vector.broadcast %sub3A_1983 : i32 to vector<16xi32>
    %sub3A_1985 = arith.subi %sub3A_1596, %sub3A_1984 : vector<16xi32>
    %shift_left3A_1986 = arith.constant 0 : i32
    %shift_left3A_1987 = vector.broadcast %shift_left3A_1986 : i32 to vector<16xi32>
    %shift_left3A_1988 = arith.shli %sub3A_1963, %shift_left3A_1987 : vector<16xi32>
    %or3A_1989 = arith.ori %or3A_1600, %shift_left3A_1988 : vector<16xi32>
    %mul3A_1990 = arith.constant 256 : i32
    %mul3A_1991 = vector.broadcast %mul3A_1990 : i32 to vector<16xi32>
    %mul3A_1992 = arith.muli %iota3A, %mul3A_1991 : vector<16xi32>
    %add3A_1993 = arith.constant 1024 : i32
    %add3A_1994 = vector.broadcast %add3A_1993 : i32 to vector<16xi32>
    %add3A_1995 = arith.addi %add3A_1994, %mul3A_1992 : vector<16xi32>
    %add3A_1996 = arith.addi %add3A_1995, %sub3A_1963 : vector<16xi32>
    %swap3A_1997 = arith.constant 0 : index
    %swap3A_1998 = tpu.vector_load %arg9[%swap3A_1997] {strides = array<i32>} : memref<16xi32, #tpu.memory_space<vmem>>, vector<16xi32>,
    tpu.vector_store %arg9[%swap3A_1997], %add3A_1996 {strides = array<i32>} : memref<16xi32, #tpu.memory_space<vmem>>, vector<16xi32>,
    "tpu.region"() ({
      %run_scoped3A = tpu.sem_alloc : memref<!tpu.dma_semaphore, #tpu.memory_space<semaphore_mem>>
      %dma_start3A_2018 = arith.constant 0 : i32
      %dma_start3A_2019 = tpu.memref_slice %arg15[%dma_start3A_2018] : memref<5120xi32, #tpu.memory_space<vmem_shared>> -> memref<5120xi32, #tpu.memory_space<vmem_shared>>
      tpu.enqueue_indirect_dma source(%dma_start3A_2019 : memref<5120xi32, #tpu.memory_space<vmem_shared>>) target(%arg10 : memref<16xi32, #tpu.memory_space<vmem>>) offsets(%arg9 : memref<16xi32, #tpu.memory_space<vmem>>) semaphore(%run_scoped3A : memref<!tpu.dma_semaphore, #tpu.memory_space<semaphore_mem>>)
      %dma_wait3A_2020 = arith.constant 0 : i32
      %dma_wait3A_2021 = tpu.memref_slice %arg15[%dma_wait3A_2020] : memref<5120xi32, #tpu.memory_space<vmem_shared>> -> memref<5120xi32, #tpu.memory_space<vmem_shared>>
      tpu.wait_indirect_dma semaphore(%run_scoped3A : memref<!tpu.dma_semaphore, #tpu.memory_space<semaphore_mem>>) src(%dma_wait3A_2021 : memref<5120xi32, #tpu.memory_space<vmem_shared>>) dst(%arg10 : memref<16xi32, #tpu.memory_space<vmem>>)
      tpu.yield
    }) : () -> ()
    %get3A_1999 = arith.constant 0 : index
    %get3A_2000 = tpu.vector_load %arg10[%get3A_1999] {strides = array<i32>} : memref<16xi32, #tpu.memory_space<vmem>>, vector<16xi32>,
    %broadcast_in_dim3A_2001 = arith.constant true
    %broadcast_in_dim3A_2002 = vector.broadcast %broadcast_in_dim3A_2001 : i1 to vector<16xi1>
    %masked_cumsum3A_2003 = tpu.scan <sum>, %get3A_2000 masked %broadcast_in_dim3A_2002 : vector<16xi32>, vector<16xi1> -> vector<16xi32>
    %sub3A_2004 = arith.subi %masked_cumsum3A_2003, %get3A_2000 : vector<16xi32>
    %eq3A_2005 = vector.broadcast %arg1 : i32 to vector<16xi32>
    %eq3A_2006 = arith.cmpi eq, %iota3A, %eq3A_2005 : vector<16xi32>
    %jit3A_2007 = arith.constant 0 : i32
    %broadcast_in_dim3A_2008 = vector.broadcast %jit3A_2007 : i32 to vector<16xi32>
    %select_n3A_2009 = arith.select %eq3A_2006, %sub3A_2004, %broadcast_in_dim3A_2008 : vector<16xi1>, vector<16xi32>
    %reduce_sum3A_2010 = arith.constant true
    %reduce_sum3A_2011 = vector.broadcast %reduce_sum3A_2010 : i1 to vector<16xi1>
    %reduce_sum3A_2012 = tpu.scan <sum>, %select_n3A_2009 masked %reduce_sum3A_2011 : vector<16xi32>, vector<16xi1> -> vector<16xi32>
    %reduce_sum3A_2013 = vector.extract %reduce_sum3A_2012[15] : i32 from vector<16xi32>
    %parallel_loop3A_2014 = arith.constant 0 : i32
    %parallel_loop3A_2015 = arith.constant 128 : i32
    %parallel_loop3A_2016 = arith.constant 1 : i32
    %parallel_loop3A_2017 = scf.for %parallel_loop3A_2018 = %parallel_loop3A_2014 to %parallel_loop3A_2015 step %parallel_loop3A_2016 iter_args(%parallel_loop3A_2019 = %broadcast_in_dim3A_2) -> (vector<16xi32>)  : i32 {
      %parallel_loop3A_2020 = arith.constant 16 : i32
      %parallel_loop3A_2021 = arith.muli %parallel_loop3A_2018, %parallel_loop3A_2020 : i32
      %parallel_loop3A_2022 = arith.index_cast %parallel_loop3A_2021 : i32 to index
      %parallel_loop3A_2023 = tpu.vector_load %arg5[%parallel_loop3A_2022] {strides = array<i32>} : memref<2048xi32, #tpu.memory_space<vmem>>, vector<16xi32>,
      %parallel_loop3A_2024 = arith.constant 16 : i32
      %parallel_loop3A_2025 = arith.muli %parallel_loop3A_2018, %parallel_loop3A_2024 : i32
      %parallel_loop3A_2026 = arith.index_cast %parallel_loop3A_2025 : i32 to index
      %parallel_loop3A_2027 = tpu.vector_load %arg4[%parallel_loop3A_2026] {strides = array<i32>} : memref<2048xf32, #tpu.memory_space<vmem>>, vector<16xf32>,
      %parallel_loop3A_2028 = arith.cmpi eq, %parallel_loop3A_2023, %or3A_1989 : vector<16xi32>
      %parallel_loop3A_2029 = arith.extui %parallel_loop3A_2028 : vector<16xi1> to vector<16xi32>
      %parallel_loop3A_2030 = arith.constant true
      %parallel_loop3A_2031 = vector.broadcast %parallel_loop3A_2030 : i1 to vector<16xi1>
      %parallel_loop3A_2032 = tpu.scan <sum>, %parallel_loop3A_2029 masked %parallel_loop3A_2031 : vector<16xi32>, vector<16xi1> -> vector<16xi32>
      %parallel_loop3A_2033 = arith.subi %parallel_loop3A_2032, %parallel_loop3A_2029 : vector<16xi32>
      %parallel_loop3A_2034 = arith.addi %parallel_loop3A_2033, %parallel_loop3A_2019 : vector<16xi32>
      %parallel_loop3A_2035 = vector.broadcast %reduce_sum3A_2013 : i32 to vector<16xi32>
      %parallel_loop3A_2036 = arith.addi %parallel_loop3A_2034, %parallel_loop3A_2035 : vector<16xi32>
      %parallel_loop3A_2037 = arith.cmpi ugt, %parallel_loop3A_2023, %or3A_1989 : vector<16xi32>
      %parallel_loop3A_2038 = arith.cmpi slt, %parallel_loop3A_2036, %sub3A_1985 : vector<16xi32>
      %parallel_loop3A_2039 = arith.andi %parallel_loop3A_2028, %parallel_loop3A_2038 : vector<16xi1>
      %parallel_loop3A_2040 = arith.ori %parallel_loop3A_2037, %parallel_loop3A_2039 : vector<16xi1>
      %parallel_loop3A_2041 = arith.constant 0.000000e+00 : f32
      %parallel_loop3A_2042 = vector.broadcast %parallel_loop3A_2041 : f32 to vector<16xf32>
      %parallel_loop3A_2043 = arith.select %parallel_loop3A_2040, %parallel_loop3A_2027, %parallel_loop3A_2042 : vector<16xi1>, vector<16xf32>
      %parallel_loop3A_2044 = arith.constant 16 : i32
      %parallel_loop3A_2045 = arith.muli %parallel_loop3A_2018, %parallel_loop3A_2044 : i32
      %parallel_loop3A_2046 = arith.index_cast %parallel_loop3A_2045 : i32 to index
      %parallel_loop3A_2047 = tpu.vector_load %arg11[%parallel_loop3A_2046] {strides = array<i32>} : memref<2048xf32, #tpu.memory_space<vmem>>, vector<16xf32>,
      tpu.vector_store %arg11[%parallel_loop3A_2046], %parallel_loop3A_2043 {strides = array<i32>} : memref<2048xf32, #tpu.memory_space<vmem>>, vector<16xf32>,
      %parallel_loop3A_2048 = tpu.all_reduce %parallel_loop3A_2028 {dim = 0 : i64, kind = #tpu.reduction_kind<sum>} : vector<16xi1> -> vector<16xi32>
      %parallel_loop3A_2049 = arith.addi %parallel_loop3A_2019, %parallel_loop3A_2048 : vector<16xi32>
      scf.yield %parallel_loop3A_2049 : vector<16xi32>
    } {sc.loop_unroll_factor = 8 : i64, sc.parallel_access}
    "tpu.region"() ({
      %run_scoped3A = tpu.sem_alloc : memref<!tpu.dma_semaphore, #tpu.memory_space<semaphore_mem>>
      %dma_start3A_2018 = tpu.memref_slice %arg3[%mul3A_0] : memref<32768xf32, #tpu.memory_space<hbm>> -> memref<2048xf32, #tpu.memory_space<hbm>>
      %dma_start3A_2019 = tpu.memref_slice %arg3[%mul3A_0] : memref<32768xf32, #tpu.memory_space<hbm>> -> memref<2048xf32, #tpu.memory_space<hbm>>
      tpu.enqueue_dma source(%arg11 : memref<2048xf32, #tpu.memory_space<vmem>>) target(%dma_start3A_2019 : memref<2048xf32, #tpu.memory_space<hbm>>) target_semaphore(%run_scoped3A : memref<!tpu.dma_semaphore, #tpu.memory_space<semaphore_mem>>)
      %dma_wait3A_2020 = tpu.memref_slice %arg3[%mul3A_0] : memref<32768xf32, #tpu.memory_space<hbm>> -> memref<2048xf32, #tpu.memory_space<hbm>>
      %dma_wait3A_2021 = tpu.memref_slice %arg3[%mul3A_0] : memref<32768xf32, #tpu.memory_space<hbm>> -> memref<2048xf32, #tpu.memory_space<hbm>>
      tpu.wait_dma2 semaphore(%run_scoped3A : memref<!tpu.dma_semaphore, #tpu.memory_space<semaphore_mem>>) src(%arg11 : memref<2048xf32, #tpu.memory_space<vmem>>) dst(%dma_wait3A_2021 : memref<2048xf32, #tpu.memory_space<hbm>>)
      tpu.yield
    }) : () -> ()
    return
  }
}

</mosaic_0001>

<sc_bundles>
// kernel: _topk_mask_sc.3.cloned.1.call-start
scs
__scs_entry_jumppad:
0x0: {  	(pc) =	sbr.rel $0x88, $3  }
0x1: {  	(tag) =	ssettag $0x0;
	lr =	simm.s32 $0x1  }
0x2: {  	[smem:$0x3FA0] =	sst lr;
	_ =	strace $0xD0000000  }
0x3: {  	_ = 	snop  }
0x4: {  	_ = 	snop  }
0x5: {  	_ = 	snop  }
0x6: {  	_ = 	snop  }
0x7: {  	_ = 	snop  }
__scs_overlays_trampoline_lowered:
0x8: {  	[smem:$0x3FAF] =	sst s0  }
0x9: {  	[smem:$0x3FB0] =	sst s1  }
0xa: {  	[smem:$0x3FB1] =	sst s2  }
0xb: {  	[smem:$0x3FB2] =	sst s3  }
0xc: {  	[smem:$0x3FB3] =	sst s4  }
0xd: {  	[smem:$0x3FB4] =	sst s5  }
0xe: {  	[smem:$0x3FB5] =	sst s6  }
0xf: {  	[smem:$0x3FB6] =	sst s7  }
0x10: {  	[smem:$0x3FB7] =	sst s8  }
0x11: {  	[smem:$0x3FB8] =	sst s9;
	s0 =	simm.s32 @!p0 $0x0  }
0x12: {  	s1 =	sld [smem:$0x3F9E];
	s0 =	simm.s32 @p0 $0x1  }
0x13: {  	[smem:$0x3FB9] =	sst s0;
	s0 =	simm.s32 @!p1 $0x0  }
0x14: {  	s2 =	sld [smem:$0x3F9D];
	s0 =	simm.s32 @p1 $0x1  }
0x15: {  	[smem:$0x3FBA] =	sst s0;
	s0 =	simm.s32 @!p2 $0x0  }
0x16: {  	s3 =	sld [smem:$0x3FDB];
	s0 =	simm.s32 @p2 $0x1  }
0x17: {  	s4 =	simm.s32 $0x1BF5;
	[smem:$0x3FBC] =	sst s0  }
0x18: {  	s0 =	sld [smem:$0x3F9F];
	_ =	swait.ge [sflag:s4], $0x0  }
0x19: {  	s7 =	sld [smem:$0x3FA0]  }
0x1a: {  	s8 =	sadd.s32 $0xFFFFE003, lr  }
0x1b: {  	s9 =	sadd.s32 $0xFFFFFEF7, lr;
	s5 =	simm.s32 $0xFFFFFFFF;
	p2 =	slt.u32 s8, $0xFFFFF086  }
0x1c: {  	p1 =	slt.u32 s9, $0xF7A;
	s5 =	simm.s32 @!p2 $0x0  }
0x1d: {  	s5 =	simm.s32 @p1 $0x1;
	p0 =	seq.s32 s7, s2  }
0x1e: {  	s7 =	smul.u32 @!p0 $0xF7A, s2;
	p2 =	seq.s32 @!p0 s5, $0x0  }
0x1f: {  	s9 =	smul.u32 $0xF7A, s1;
	s8 =	simm.s32 @!p0 $0x1BF5;
	p2 =	por !p2, p0  }
0x20: {  	[sflag:s8] =	ssyncset.s32 @!p0 $0xFFFFF086;
	s6 =	sadd.s32 @!p0 s3, s7;
	s7 =	simm.s32 @!p0 $0x108  }
0x21: {  	s3 =	sadd.s32 s3, s9;
	s6 =	sadd.s32 @!p0 $0x88, s6;
	s7 =	simm.s32 @p2 $0x1082  }
0x22: {  	[simem:s7], [sflag:s8] =	dma.local @!p0 [hbm:s6], $0xF7A  }
0x23: {  	s9 =	sor.u32 $0xD0000000, s2;
	s6 =	simm.s32 $0x108;
	_ =	swait.ge @!p0 [sflag:s8], $0x0  }
0x24: {  	s3 =	sadd.s32 $0x88, s3;
	s6 =	simm.s32 @!p1 $0x1082;
	[sflag:s4] =	ssyncset.s32 $0xFFFFF086  }
0x25: {  	[simem:s6], [sflag:s4] =	dma.local [hbm:s3], $0xF7A  }
0x26: {  	[smem:$0x3FA0] =	sst s1;
	(tag) =	ssettag s2;
	_ =	strace s9  }
0x27: {  	s1 =	sld [smem:$0x3FB0]  }
0x28: {  	s2 =	sld [smem:$0x3FB1]  }
0x29: {  	s4 =	sld [smem:$0x3FB3]  }
0x2a: {  	p0 =	seq.s32 s5, $0x0;
	s5 =	sld [smem:$0x3FB4]  }
0x2b: {  	s6 =	sld [smem:$0x3FB5]  }
0x2c: {  	s7 =	sld [smem:$0x3FB6]  }
0x2d: {  	s3 =	simm.s32 $0x108;
	s8 =	sld [smem:$0x3FB7]  }
0x2e: {  	s3 =	simm.s32 @!p0 $0x1082;
	s9 =	sld [smem:$0x3FB8]  }
0x2f: {  	lr =	sadd.s32 s0, s3;
	s0 =	sld [smem:$0x3FAF]  }
0x30: {  	s3 =	sld [smem:$0x3FB2]  }
0x31: {  	[smem:$0x3FBB] =	sst s10  }
0x32: {  	s10 =	sld [smem:$0x3FB9];
	_ =	sdelay $0x3  }
0x33: {  	p0 =	seq.s32 s10, $0x1;
	s10 =	sld [smem:$0x3FBB];
	_ =	sdelay $0x3  }
0x34: {  	[smem:$0x3FBB] =	sst s10  }
0x35: {  	s10 =	sld [smem:$0x3FBA];
	_ =	sdelay $0x3  }
0x36: {  	p1 =	seq.s32 s10, $0x1;
	s10 =	sld [smem:$0x3FBB];
	_ =	sdelay $0x3  }
0x37: {  	[smem:$0x3FBB] =	sst s10  }
0x38: {  	s10 =	sld [smem:$0x3FBC]  }
0x39: {  	_ = 	snop;
	(pc) =	sbr.ind lr, $3  }
0x3a: {  	_ = 	snop  }
0x3b: {  	_ = 	snop  }
0x3c: {  	p2 =	seq.s32 s10, $0x1;
	s10 =	sld [smem:$0x3FBB]  }
0x3d: {  	_ =	shalt  }
0x3e: {  	_ =	shalt  }
0x3f: {  	_ =	shalt  }
0x40: {  	_ =	shalt  }
0x41: {  	_ =	shalt  }
0x42: {  	_ =	shalt  }
0x43: {  	_ =	shalt  }
0x44: {  	_ =	shalt  }
0x45: {  	_ =	shalt  }
0x46: {  	_ =	shalt  }
0x47: {  	_ =	shalt  }
0x48: {  	_ =	shalt  }
0x49: {  	_ =	shalt  }
0x4a: {  	_ =	shalt  }
0x4b: {  	_ =	shalt  }
0x4c: {  	_ =	shalt  }
0x4d: {  	_ =	shalt  }
0x4e: {  	_ =	shalt  }
0x4f: {  	_ =	shalt  }
0x50: {  	_ =	shalt  }
0x51: {  	_ =	shalt  }
0x52: {  	_ =	shalt  }
0x53: {  	_ =	shalt  }
0x54: {  	_ =	shalt  }
0x55: {  	_ =	shalt  }
0x56: {  	_ =	shalt  }
0x57: {  	_ =	shalt  }
0x58: {  	_ =	shalt  }
0x59: {  	_ =	shalt  }
0x5a: {  	_ =	shalt  }
0x5b: {  	_ =	shalt  }
0x5c: {  	_ =	shalt  }
0x5d: {  	_ =	shalt  }
0x5e: {  	_ =	shalt  }
0x5f: {  	_ =	shalt  }
0x60: {  	_ =	shalt  }
0x61: {  	_ =	shalt  }
0x62: {  	_ =	shalt  }
0x63: {  	_ =	shalt  }
0x64: {  	_ =	shalt  }
0x65: {  	_ =	shalt  }
0x66: {  	_ =	shalt  }
0x67: {  	_ =	shalt  }
0x68: {  	_ =	shalt  }
0x69: {  	_ =	shalt  }
0x6a: {  	_ =	shalt  }
0x6b: {  	_ =	shalt  }
0x6c: {  	_ =	shalt  }
0x6d: {  	_ =	shalt  }
0x6e: {  	_ =	shalt  }
0x6f: {  	_ =	shalt  }
0x70: {  	_ =	shalt  }
0x71: {  	_ =	shalt  }
0x72: {  	_ =	shalt  }
0x73: {  	_ =	shalt  }
0x74: {  	_ =	shalt  }
0x75: {  	_ =	shalt  }
0x76: {  	_ =	shalt  }
0x77: {  	_ =	shalt  }
0x78: {  	_ =	shalt  }
0x79: {  	_ =	shalt  }
0x7a: {  	_ =	shalt  }
0x7b: {  	_ =	shalt  }
0x7c: {  	_ =	shalt  }
0x7d: {  	_ =	shalt  }
0x7e: {  	_ =	shalt  }
0x7f: {  	_ =	shalt  }
0x80: {  	_ =	shalt  }
0x81: {  	_ =	shalt  }
0x82: {  	_ =	shalt  }
0x83: {  	_ =	shalt  }
0x84: {  	_ =	shalt  }
0x85: {  	_ =	shalt  }
0x86: {  	_ =	shalt  }
0x87: {  	_ =	shalt  }
.Lfunc_end0:
.L_simem_size_0:
called_computation_lowered:
.L_overlay_start_0:
0x88: {  	s0 =	sld [smem:$0x3FD9]  }
0x89: {  	s1 =	sld [smem:$0x3FFE];
	_ =	sdelay $0x3  }
0x8a: {  	s0 =	sadd.s32 s1, s0  }
0x8b: {  	[smem:$0x3FC7] =	sst s0  }
0x8c: {  	_ = 	snop  }
0x8d: {  	s0 =	sld [smem:$0x3FC9]  }
0x8e: {  	s17 =	sld [smem:$0x3FD0];
	(tm) =	ssettm $0x1  }
0x8f: {  	s2 =	sld [smem:$0x3FFB];
	_ =	sdelay $0x3  }
0x90: {  	_ =	strace s2  }
0x91: {  	s2 =	sld [smem:$0x3FFC];
	_ =	sdelay $0x3  }
0x92: {  	_ =	strace s2  }
0x93: {  	s2 =	sld [smem:$0x3FFD];
	_ =	sdelay $0x3  }
0x94: {  	_ =	strace s2  }
0x95: {  	_ =	strace $0x8FFFFFFF  }
0x96: {  	s18 =	sld [smem:$0x3FDB];
	_ =	sdelay $0x1  }
0x97: {  	s3 =	simm.s32 $_scs_section_size  }
0x98: {  	s4 =	simm.s32 $_size__tile_overlayer_lowered;
	s5 =	simm.s32 $_tile_overlayer_lowered  }
0x99: {  	s21 =	simm.s32 $0x1BFF;
	s20 =	sshll.u32 s5, $0x1;
	s2 =	sadd.s32 s3, s18  }
0x9a: {  	s6 =	simm.s32 $0x0;
	s19 =	sshll.u32 s4, $0x1;
	s4 =	sadd.s32 s20, s2  }
0x9b: {  	[timem:s6], [sflag:s21] =	dma.local [hbm:s4], s19  }
0x9c: {  	_ =	swait.ge [sflag:s21], s19  }
0x9d: {  	s3 =	ssub.s32 $0x0, s19;
	[sflag:s21] =	ssyncset.done $0x0  }
0x9e: {  	[sflag:s21] =	ssyncadd.s32 s3;
	_ =	sdelay $0x1  }
0x9f: {  	s22 =	simm.s32 $0x1B8B  }
0xa0: {  	_ =	swait.ge [sflag:s22], $0x1  }
0xa1: {  	[sflag:s22] =	ssyncset.done $0x0  }
0xa2: {  	s23 =	simm.s32 $0x1B8E;
	[sflag:s22] =	ssyncadd.s32 $0xFFFFFFFF  }
0xa3: {  	s24 =	simm.s32 $execute0_lowered;
	[smem:$0x3FD2] =	sst s23  }
0xa4: {  	s3 =	sshll.u32 s24, $0x1;
	_ =	strace $0x80000046;
	[dreg:$0x1] =	wrdreg $0xFFFFFFFF  }
0xa5: {  	s25 =	simm.s32 $_size_execute0_lowered;
	s2 =	sadd.s32 s2, s3;
	[dreg:$0x0] =	wrdreg $0x0  }
0xa6: {  	s3 =	sshll.u32 s25, $0x1;
	[dreg:$0x2] =	wrdreg s2  }
0xa7: {  	[dreg:$0x3] =	wrdreg s3  }
0xa8: {  	[dreg:$0x4] =	wrdreg $0xC0  }
0xa9: {  	_ =	task [dreg:s6], $0x5FFFF  }
0xaa: {  	[dreg:$0x1] =	wrdreg $0xFFFFFFFF  }
0xab: {  	[dreg:$0x0] =	wrdreg $0x60  }
0xac: {  	[dreg:$0x2] =	wrdreg s0  }
0xad: {  	[dreg:$0x3] =	wrdreg s17  }
0xae: {  	[dreg:$0x4] =	wrdreg $0x1F800  }
0xaf: {  	[dreg:$0x5] =	wrdreg $0x9  }
0xb0: {  	_ =	task.clear_ibuf [dreg:s6], $0x6FFFF;
	_ =	strace $0x90000046  }
0xb1: {  	s26 =	simm.s32 $0x9;
	_ =	strace $0x80000048  }
0xb2: {  	_ =	swait.ge [sflag:s26], $0x1  }
0xb3: {  	[sflag:s26] =	ssyncadd.s32 $0xFFFFFFFF  }
0xb4: {  	_ =	strace $0x90000048  }
0xb5: {  	_ =	sfence  }
0xb6: {  	s28 =	sld [smem:$0x0];
	_ =	sdelay $0x1  }
0xb7: {  	s29 =	srdreg.scid  }
0xb8: {  	s30 =	sshll.u32 s29, $0xD;
	s31 =	sshrl.u32 s29, $0x2  }
0xb9: {  	s1 =	sand.u32 $0x1, s29;
	s2 =	sand.u32 $0x4000, s30;
	s0 =	sadd.s32 s31, s28  }
0xba: {  	s1 =	sor.u32 s2, s1;
	s0 =	sshll.u32 s0, $0x11  }
0xbb: {  	s0 =	sor.u32 s0, s1  }
0xbc: {  	s0 =	sadd.s32 $0x8F2B, s0  }
0xbd: {  	[sflag:s0] =	ssyncadd.remote.s32 $0x1  }
0xbe: {  	_ =	sfence.sel $0xFFFF  }
0xbf: {  	[dreg:$0x0] =	wrdreg $0xFFFFFFFF;
	(pc) =	sbr.abs _section_cstart, $3  }
0xc0: {  	[dreg:$0x1] =	wrdreg $0xFFFFFFFF  }
0xc1: {  	_ =	task.clear_ibuf [dreg:s6], $0x2FFFF;
	_ =	strace $0x9FFFFFFF  }
0xc2: {  	(tm) =	ssettm $0x7FFFFFFF  }
0xc3: {  	_ =	shalt  }
tec
execute0_lowered:
.L_overlay_start_1:
0x0: {  	(tag) =	ssettag $0x1  }
0x1: {  	s5 =	rddreg [dreg:$0x0]  }
0x2: {  	s2 =	rddreg [dreg:$0x1]  }
0x3: {  	s4 =	rddreg [dreg:$0x2];
	s6 =	simm.s32 $0x0;
	s1 =	stileid.u32  }
0x4: {  	[smem:$0x7FF] =	sst s6;
	s3 =	sshll.u32 s1, $0x8  }
0x5: {  	s0 =	rddreg [dreg:$0x3];
	_ =	strace $0x80000047;
	s5 =	sadd.s32 s5, s3  }
0x6: {  	v0 =	vlaneseq.u32;
	[tilespmem:s6], [sflag:$0x1] =	stream.linear.gather [hbm4b:s5+s6], $0x800, $0x38;
	[tilespmem:$0x20C0] =	vst v63  }
0x7: {  	v1 =	vor.u32 $0x10, v0;
	[tilespmem:$0x1200] =	vst v0  }
0x8: {  	[tilespmem:$0x1210] =	vst v1;
	v1 =	vor.u32 $0x20, v0  }
0x9: {  	[tilespmem:$0x1220] =	vst v1;
	v1 =	vor.u32 $0x30, v0  }
0xa: {  	[tilespmem:$0x1230] =	vst v1;
	v1 =	vor.u32 $0x40, v0  }
0xb: {  	[tilespmem:$0x1240] =	vst v1;
	v1 =	vor.u32 $0x50, v0  }
0xc: {  	[tilespmem:$0x1250] =	vst v1;
	v1 =	vor.u32 $0x60, v0  }
0xd: {  	[tilespmem:$0x1260] =	vst v1;
	v1 =	vor.u32 $0x70, v0  }
0xe: {  	[tilespmem:$0x1270] =	vst v1;
	v1 =	vor.u32 $0x80, v0  }
0xf: {  	[tilespmem:$0x1280] =	vst v1;
	v1 =	vor.u32 $0x90, v0  }
0x10: {  	[tilespmem:$0x1290] =	vst v1;
	v1 =	vor.u32 $0xA0, v0  }
0x11: {  	[tilespmem:$0x12A0] =	vst v1;
	v1 =	vor.u32 $0xB0, v0  }
0x12: {  	[tilespmem:$0x12B0] =	vst v1;
	v1 =	vor.u32 $0xC0, v0  }
0x13: {  	[tilespmem:$0x12C0] =	vst v1;
	v1 =	vor.u32 $0xD0, v0  }
0x14: {  	[tilespmem:$0x12D0] =	vst v1;
	v1 =	vor.u32 $0xE0, v0  }
0x15: {  	[tilespmem:$0x12E0] =	vst v1;
	v1 =	vor.u32 $0xF0, v0  }
0x16: {  	[tilespmem:$0x12F0] =	vst v1;
	v1 =	vor.u32 $0x100, v0  }
0x17: {  	[tilespmem:$0x1300] =	vst v1;
	v1 =	vor.u32 $0x110, v0  }
0x18: {  	[tilespmem:$0x1310] =	vst v1;
	v1 =	vor.u32 $0x120, v0  }
0x19: {  	[tilespmem:$0x1320] =	vst v1;
	v1 =	vor.u32 $0x130, v0  }
0x1a: {  	[tilespmem:$0x1330] =	vst v1;
	v1 =	vor.u32 $0x140, v0  }
0x1b: {  	[tilespmem:$0x1340] =	vst v1;
	v1 =	vor.u32 $0x150, v0  }
0x1c: {  	[tilespmem:$0x1350] =	vst v1;
	v1 =	vor.u32 $0x160, v0  }
0x1d: {  	[tilespmem:$0x1360] =	vst v1;
	v1 =	vor.u32 $0x170, v0  }
0x1e: {  	[tilespmem:$0x1370] =	vst v1;
	v1 =	vor.u32 $0x180, v0  }
0x1f: {  	[tilespmem:$0x1380] =	vst v1;
	v1 =	vor.u32 $0x190, v0  }
0x20: {  	[tilespmem:$0x1390] =	vst v1;
	v1 =	vor.u32 $0x1A0, v0  }
0x21: {  	[tilespmem:$0x13A0] =	vst v1;
	v1 =	vor.u32 $0x1B0, v0  }
0x22: {  	[tilespmem:$0x13B0] =	vst v1;
	v1 =	vor.u32 $0x1C0, v0  }
0x23: {  	[tilespmem:$0x13C0] =	vst v1;
	v1 =	vor.u32 $0x1D0, v0  }
0x24: {  	[tilespmem:$0x13D0] =	vst v1;
	v1 =	vor.u32 $0x1E0, v0  }
0x25: {  	[tilespmem:$0x13E0] =	vst v1;
	v1 =	vor.u32 $0x1F0, v0  }
0x26: {  	[tilespmem:$0x13F0] =	vst v1;
	v1 =	vor.u32 $0x200, v0  }
0x27: {  	[tilespmem:$0x1400] =	vst v1;
	v1 =	vor.u32 $0x210, v0  }
0x28: {  	[tilespmem:$0x1410] =	vst v1;
	v1 =	vor.u32 $0x220, v0  }
0x29: {  	[tilespmem:$0x1420] =	vst v1;
	v1 =	vor.u32 $0x230, v0  }
0x2a: {  	[tilespmem:$0x1430] =	vst v1;
	v1 =	vor.u32 $0x240, v0  }
0x2b: {  	[tilespmem:$0x1440] =	vst v1;
	v1 =	vor.u32 $0x250, v0  }
0x2c: {  	[tilespmem:$0x1450] =	vst v1;
	v1 =	vor.u32 $0x260, v0  }
0x2d: {  	[tilespmem:$0x1460] =	vst v1;
	v1 =	vor.u32 $0x270, v0  }
0x2e: {  	[tilespmem:$0x1470] =	vst v1;
	v1 =	vor.u32 $0x280, v0  }
0x2f: {  	[tilespmem:$0x1480] =	vst v1;
	v1 =	vor.u32 $0x290, v0  }
0x30: {  	[tilespmem:$0x1490] =	vst v1;
	v1 =	vor.u32 $0x2A0, v0  }
0x31: {  	[tilespmem:$0x14A0] =	vst v1;
	v1 =	vor.u32 $0x2B0, v0  }
0x32: {  	[tilespmem:$0x14B0] =	vst v1;
	v1 =	vor.u32 $0x2C0, v0  }
0x33: {  	[tilespmem:$0x14C0] =	vst v1;
	v1 =	vor.u32 $0x2D0, v0  }
0x34: {  	[tilespmem:$0x14D0] =	vst v1;
	v1 =	vor.u32 $0x2E0, v0  }
0x35: {  	[tilespmem:$0x14E0] =	vst v1;
	v1 =	vor.u32 $0x2F0, v0  }
0x36: {  	[tilespmem:$0x14F0] =	vst v1;
	v1 =	vor.u32 $0x300, v0  }
0x37: {  	[tilespmem:$0x1500] =	vst v1;
	v1 =	vor.u32 $0x310, v0  }
0x38: {  	[tilespmem:$0x1510] =	vst v1;
	v1 =	vor.u32 $0x320, v0  }
0x39: {  	[tilespmem:$0x1520] =	vst v1;
	v1 =	vor.u32 $0x330, v0  }
0x3a: {  	[tilespmem:$0x1530] =	vst v1;
	v1 =	vor.u32 $0x340, v0  }
0x3b: {  	[tilespmem:$0x1540] =	vst v1;
	v1 =	vor.u32 $0x350, v0  }
0x3c: {  	[tilespmem:$0x1550] =	vst v1;
	v1 =	vor.u32 $0x360, v0  }
0x3d: {  	[tilespmem:$0x1560] =	vst v1;
	v1 =	vor.u32 $0x370, v0  }
0x3e: {  	[tilespmem:$0x1570] =	vst v1;
	v1 =	vor.u32 $0x380, v0  }
0x3f: {  	[tilespmem:$0x1580] =	vst v1;
	v1 =	vor.u32 $0x390, v0  }
0x40: {  	[tilespmem:$0x1590] =	vst v1;
	v1 =	vor.u32 $0x3A0, v0  }
0x41: {  	[tilespmem:$0x15A0] =	vst v1;
	v1 =	vor.u32 $0x3B0, v0  }
0x42: {  	[tilespmem:$0x15B0] =	vst v1;
	v1 =	vor.u32 $0x3C0, v0  }
0x43: {  	[tilespmem:$0x15C0] =	vst v1;
	v1 =	vor.u32 $0x3D0, v0  }
0x44: {  	[tilespmem:$0x15D0] =	vst v1;
	v1 =	vor.u32 $0x3E0, v0  }
0x45: {  	v0 =	vor.u32 $0x3F0, v0;
	[tilespmem:$0x15E0] =	vst v1  }
0x46: {  	[tilespmem:$0x15F0] =	vst v0;
	v0 =	vimm.s32 $0x0  }
0x47: {  	[tilespmem:$0x1F00] =	vst v0  }
0x48: {  	[tilespmem:$0x1F10] =	vst v0  }
0x49: {  	[tilespmem:$0x1F20] =	vst v0  }
0x4a: {  	[tilespmem:$0x1F30] =	vst v0  }
0x4b: {  	[tilespmem:$0x1000] =	vst v0  }
0x4c: {  	[tilespmem:$0x1010] =	vst v0  }
0x4d: {  	[tilespmem:$0x1020] =	vst v0  }
0x4e: {  	[tilespmem:$0x1030] =	vst v0  }
0x4f: {  	[tilespmem:$0x1040] =	vst v0  }
0x50: {  	[tilespmem:$0x1050] =	vst v0  }
0x51: {  	[tilespmem:$0x1060] =	vst v0  }
0x52: {  	[tilespmem:$0x1070] =	vst v0  }
0x53: {  	[tilespmem:$0x1080] =	vst v0  }
0x54: {  	[tilespmem:$0x1090] =	vst v0  }
0x55: {  	[tilespmem:$0x10A0] =	vst v0  }
0x56: {  	[tilespmem:$0x10B0] =	vst v0  }
0x57: {  	[tilespmem:$0x10C0] =	vst v0  }
0x58: {  	[tilespmem:$0x10D0] =	vst v0  }
0x59: {  	s28 =	sshrl.u32 s3, $0x2;
	[tilespmem:$0x10E0] =	vst v0  }
0x5a: {  	s29 =	simm.s32 $0x1F00;
	s30 =	simm.s32 $0x3;
	s5 =	sadd.s32 s28, s4;
	[tilespmem:$0x10F0] =	vst v0  }
0x5b: {  	[spmem:s5] =	stream.linear.scatter [tilespmem:s29], [sflag:$0x3], $0x40, $0x38;
	[tilespmem:$0x20C0] =	vst v63  }
0x5c: {  	_ =	swait.ge [sflag:s30], $0x40  }
0x5d: {  	[sflag:s30] =	ssyncset.done $0x0  }
0x5e: {  	s31 =	simm.s32 $0x1;
	[sflag:s30] =	ssyncadd.s32 $0xFFFFFFC0  }
0x5f: {  	_ =	swait.ge [sflag:s31], $0x800  }
0x60: {  	[sflag:s31] =	ssyncset.done $0x0  }
0x61: {  	[sflag:s31] =	ssyncadd.s32 $0xFFFFF800  }
0x62: {  	s7 =	simm.s32 $0x40;
	[bflag:$0x0] =	sbarrier.arrive $0xFFFF  }
0x63: {  	v1 =	vld [tilespmem:s7+$0x10]  }
0x64: {  	v4 =	vld [tilespmem:s7+$0xFFFFFFD0]  }
0x65: {  	v5 =	vld [tilespmem:s7+$0xFFFFFFC0]  }
0x66: {  	v8 =	vld [tilespmem:s7+$0x30]  }
0x67: {  	v0 =	vimm.s32 $0x1;
	v10 =	vld [tilespmem:s7+$0xFFFFFFE0]  }
0x68: {  	v3 =	vld [tilespmem:s7+$0x20];
	v2 =	vxor.u32 $0xFFFFFFFF, v1;
	v6 =	vor.u32 $0x80000000, v1;
	vm0 =	vlt.s32 v1, $0x0  }
0x69: {  	v1 =	vxor.u32 $0xFFFFFFFF, v4;
	v7 =	vor.u32 $0x80000000, v4;
	v11 =	vsel vm0, v2, v6  }
0x6a: {  	v9 =	vor.u32 $0x80000000, v5;
	vm1 =	vlt.s32 v5, $0x0;
	v2 =	vld [tilespmem:s7+$0xFFFFFFF0];
	v13 =	vshrl.u32 v11, $0x18  }
0x6b: {  	v14 =	vor.u32 $0x80000000, v8;
	vm0 =	vlt.s32 v4, $0x0;
	v4 =	vxor.u32 $0xFFFFFFFF, v5  }
0x6c: {  	v12 =	vor.u32 $0x80000000, v10;
	v6 =	vsel vm0, v1, v7;
	v9 =	vsel vm1, v4, v9  }
0x6d: {  	s6 =	simm.s32 $0x840;
	v5 =	vld [tilespmem:s7+$0x0];
	v4 =	vxor.u32 $0xFFFFFFFF, v3;
	vm1 =	vlt.s32 v8, $0x0;
	v7 =	vshrl.u32 v9, $0x18  }
0x6e: {  	s5 =	simm.s32 $0x1000;
	[tilespmem:s6+$0x10] =	vst v11;
	v11 =	vxor.u32 $0xFFFFFFFF, v10;
	v8 =	vxor.u32 $0xFFFFFFFF, v8;
	vm0 =	vlt.s32 v10, $0x0  }
0x6f: {  	s8 =	simm.s32 $0xC0;
	s9 =	simm.s32 $0x840;
	s7 =	simm.s32 $0x0;
	v1 =	vshrl.u32 v6, $0x18;
	v8 =	vsel vm1, v8, v14;
	v10 =	vxor.u32 $0xFFFFFFFF, v2;
	[tilespmem:v13+s5+$0x0] =	vst.idx.add.s32.msk $0xffff, v0  }
.LBB2_1:
0x70: {  	v13 =	vld [tilespmem:s8+$0xFFFFFFD0];
	s7 =	sadd.s32 $0x8, s7;
	[tilespmem:s6+$0xFFFFFFC0] =	vst v9;
	v9 =	vsel vm0, v11, v12;
	vm0 =	vlt.s32 v2, $0x0;
	vm1 =	vlt.s32 v3, $0x0;
	s9 =	sadd.s32 $0x80, s9  }
0x71: {  	v11 =	vor.u32 $0x80000000, v2;
	v3 =	vor.u32 $0x80000000, v3;
	p0 =	slt.u32 s7, $0x78;
	[tilespmem:s6+$0xFFFFFFD0] =	vst v6;
	v6 =	vshrl.u32 v9, $0x18;
	v2 =	vld [tilespmem:s8+$0xFFFFFFF0]  }
0x72: {  	[tilespmem:v7+s5+$0x0] =	vst.idx.add.s32.msk $0xffff, v0;
	v7 =	vsel vm0, v10, v11;
	v10 =	vxor.u32 $0xFFFFFFFF, v5;
	v11 =	vshrl.u32 v8, $0x18  }
0x73: {  	v14 =	vor.u32 $0x80000000, v5;
	vm0 =	vlt.s32 v5, $0x0;
	v12 =	vld [tilespmem:s8+$0x10];
	[tilespmem:s6+$0xFFFFFFF0] =	vst v7;
	v7 =	vshrl.u32 v7, $0x18  }
0x74: {  	v4 =	vsel vm1, v4, v3;
	v5 =	vld [tilespmem:s8+$0xFFFFFFC0];
	[tilespmem:s6+$0xFFFFFFE0] =	vst v9;
	v9 =	vsel vm0, v10, v14  }
0x75: {  	v10 =	vshrl.u32 v4, $0x18;
	v3 =	vld [tilespmem:s8+$0x20];
	[tilespmem:s6+$0x30] =	vst v8  }
0x76: {  	[tilespmem:v6+s5+$0x0] =	vst.idx.add.s32.msk $0xffff, v0  }
0x77: {  	v8 =	vshrl.u32 v9, $0x18;
	[tilespmem:v11+s5+$0x0] =	vst.idx.add.s32.msk $0xffff, v0  }
0x78: {  	v6 =	vxor.u32 $0xFFFFFFFF, v12;
	v11 =	vor.u32 $0x80000000, v12;
	vm0 =	vlt.s32 v12, $0x0;
	v14 =	vld [tilespmem:s8+$0x30];
	[tilespmem:s6+$0x0] =	vst v9  }
0x79: {  	v9 =	vxor.u32 $0xFFFFFFFF, v13;
	v12 =	vor.u32 $0x80000000, v13;
	v15 =	vld [tilespmem:s8+$0xFFFFFFE0];
	v11 =	vsel vm0, v6, v11;
	[tilespmem:s6+$0x20] =	vst v4;
	s6 =	smov.u32 s9  }
0x7a: {  	v4 =	vor.u32 $0x80000000, v5;
	vm0 =	vlt.s32 v13, $0x0;
	v13 =	vshrl.u32 v11, $0x18;
	[tilespmem:v10+s5+$0x0] =	vst.idx.add.s32.msk $0xffff, v0  }
.Ltmp0:
0x7b: {  	vm1 =	vlt.s32 v5, $0x0;
	v10 =	vxor.u32 $0xFFFFFFFF, v5;
	v6 =	vsel vm0, v9, v12;
	[tilespmem:v1+s5+$0x0] =	vst.idx.add.s32.msk $0xffff, v0;
	(pc) =	sbr.rel @p0 .LBB2_1-.Ltmp0, $4  }
0x7c: {  	v9 =	vsel vm1, v10, v4;
	v1 =	vshrl.u32 v6, $0x18;
	v4 =	vxor.u32 $0xFFFFFFFF, v3;
	[tilespmem:v7+s5+$0x0] =	vst.idx.add.s32.msk $0xffff, v0  }
0x7d: {  	v7 =	vshrl.u32 v9, $0x18;
	v5 =	vld [tilespmem:s8+$0x0];
	[tilespmem:s9+$0x10] =	vst v11;
	v16 =	vor.u32 $0x80000000, v14;
	vm1 =	vlt.s32 v14, $0x0  }
0x7e: {  	v14 =	vxor.u32 $0xFFFFFFFF, v14;
	v11 =	vxor.u32 $0xFFFFFFFF, v15;
	v12 =	vor.u32 $0x80000000, v15;
	[tilespmem:v8+s5+$0x0] =	vst.idx.add.s32.msk $0xffff, v0  }
0x7f: {  	v10 =	vxor.u32 $0xFFFFFFFF, v2;
	s8 =	sadd.s32 $0x80, s8;
	vm0 =	vlt.s32 v15, $0x0;
	v8 =	vsel vm1, v14, v16;
	[tilespmem:v13+s5+$0x0] =	vst.idx.add.s32.msk $0xffff, v0  }
0x80: {  	_ = 	snop  }
0x81: {  	[tilespmem:s6+$0xFFFFFFC0] =	vst v9  }
0x82: {  	[tilespmem:s6+$0xFFFFFFD0] =	vst v6  }
0x83: {  	v9 =	vsel vm0, v11, v12;
	[tilespmem:s6+$0x30] =	vst v8  }
0x84: {  	vm0 =	vlt.s32 v2, $0x0;
	v2 =	vor.u32 $0x80000000, v2;
	v6 =	vshrl.u32 v9, $0x18;
	[tilespmem:v7+s5+$0x0] =	vst.idx.add.s32.msk $0xffff, v0  }
0x85: {  	v2 =	vsel vm0, v10, v2;
	vm0 =	vlt.s32 v3, $0x0;
	v3 =	vor.u32 $0x80000000, v3;
	[tilespmem:s6+$0xFFFFFFE0] =	vst v9  }
0x86: {  	v7 =	vshrl.u32 v8, $0x18;
	[tilespmem:v1+s5+$0x0] =	vst.idx.add.s32.msk $0xffff, v0;
	v3 =	vsel vm0, v4, v3;
	v8 =	vxor.u32 $0xFFFFFFFF, v5  }
0x87: {  	[tilespmem:s6+$0xFFFFFFF0] =	vst v2;
	v9 =	vor.u32 $0x80000000, v5;
	vm0 =	vlt.s32 v5, $0x0;
	v2 =	vshrl.u32 v2, $0x18  }
0x88: {  	v4 =	vshrl.u32 v3, $0x18;
	v5 =	vsel vm0, v8, v9;
	[tilespmem:s6+$0x20] =	vst v3  }
0x89: {  	[tilespmem:v6+s5+$0x0] =	vst.idx.add.s32.msk $0xffff, v0;
	v6 =	vshrl.u32 v5, $0x18  }
0x8a: {  	[tilespmem:s6+$0x0] =	vst v5  }
0x8b: {  	[tilespmem:v7+s5+$0x0] =	vst.idx.add.s32.msk $0xffff, v0  }
0x8c: {  	[tilespmem:v2+s5+$0x0] =	vst.idx.add.s32.msk $0xffff, v0  }
0x8d: {  	[tilespmem:v4+s5+$0x0] =	vst.idx.add.s32.msk $0xffff, v0  }
0x8e: {  	s23 =	simm.s32 $0x80;
	s7 =	simm.s32 $0x1200;
	[tilespmem:v6+s5+$0x0] =	vst.idx.add.s32.msk $0xffff, v0;
	s5 =	simm.s32 $0x1000  }
0x8f: {  	[spmem:s4] =	stream.indirect.scatter.add.s32 [tilespmem:s5], [sflag:$0x1], $0x1, s7, s23, $0xb8;
	[tilespmem:$0x20C0] =	vst v63  }
0x90: {  	s24 =	simm.s32 $0x1280;
	s8 =	simm.s32 $0x1080;
	s25 =	simm.s32 $0x1  }
0x91: {  	[spmem:s4] =	stream.indirect.scatter.add.s32 [tilespmem:s8], [sflag:$0x2], $0x1, s24, s23, $0xb8;
	[tilespmem:$0x20C0] =	vst v63  }
0x92: {  	_ =	swait.ge [sflag:s25], $0x80  }
0x93: {  	[sflag:s25] =	ssyncset.done $0x0  }
0x94: {  	s26 =	simm.s32 $0x2;
	[sflag:s25] =	ssyncadd.s32 $0xFFFFFF80  }
0x95: {  	_ =	swait.ge [sflag:s26], $0x80  }
0x96: {  	[sflag:s26] =	ssyncset.done $0x0  }
0x97: {  	[sflag:s26] =	ssyncadd.s32 $0xFFFFFF80  }
0x98: {  	s28 =	simm.s32 $0x1100;
	s29 =	simm.s32 $0x3;
	[bflag:$0x0] =	sbarrier.arrive $0xFFFF  }
0x99: {  	[tilespmem:s28], [sflag:$0x3] =	stream.linear.gather [spmem:s4], $0x100, $0x38;
	[tilespmem:$0x20C0] =	vst v63  }
0x9a: {  	_ =	swait.ge [sflag:s29], $0x100  }
0x9b: {  	[sflag:s29] =	ssyncset.done $0x0  }
0x9c: {  	[sflag:s29] =	ssyncadd.s32 $0xFFFFFF00  }
0x9d: {  	v0 =	vld [tilespmem:$0x1100]  }
0x9e: {  	v1 =	vld [tilespmem:$0x1110];
	_ =	sdelay $0x1  }
0x9f: {  	v2 =	vld [tilespmem:$0x1120];
	_ =	sdelay $0x1  }
0xa0: {  	v3 =	vld [tilespmem:$0x1130];
	(xrf0) =	vadd.scan.msk.s32 $0xffff, v0  }
0xa1: {  	v0 =	vld [tilespmem:$0x1140];
	(xrf0) =	vadd.scan.msk.s32 $0xffff, v1;
	_ =	sdelay $0x1  }
0xa2: {  	v1 =	vld [tilespmem:$0x1150];
	(xrf0) =	vadd.scan.msk.s32 $0xffff, v2  }
0xa3: {  	v2 =	vld [tilespmem:$0x1160]  }
0xa4: {  	(xrf0) =	vadd.scan.msk.s32 $0xffff, v3;
	v3 =	vld [tilespmem:$0x1170]  }
0xa5: {  	(xrf0) =	vadd.scan.msk.s32 $0xffff, v0;
	v0, _, _ =	vpop (xrf0)  }
0xa6: {  	v5, _, _ =	vpop (xrf0)  }
0xa7: {  	(xrf0) =	vadd.scan.msk.s32 $0xffff, v1;
	v5 =	vbroadcast v5, $0xF  }
0xa8: {  	vm1 =	vcmask $0x704;
	(xrf0) =	vadd.scan.msk.s32 $0xffff, v2;
	v6, _, _ =	vpop (xrf0)  }
0xa9: {  	v4 =	vld [tilespmem:$0x1180];
	v0 =	vbroadcast v0, $0xF;
	(xrf0) =	vadd.scan.msk.s32 $0xffff, v3;
	v3 =	vnsel vm1, $0x0, v5;
	v5 =	vbroadcast v6, $0xF  }
0xaa: {  	vm0 =	vmmov $0x1;
	v1 =	vld [tilespmem:$0x1190];
	vm1 =	vcmask $0xB08  }
0xab: {  	v2 =	vld [tilespmem:$0x11A0];
	v0 =	vnsel vm0, $0x0, v0;
	v6, _, _ =	vpop (xrf0);
	v5 =	vnsel vm1, $0x0, v5  }
0xac: {  	v0 =	vadd.s32 v0, v3;
	v3 =	vbroadcast v6, $0xF  }
0xad: {  	v7 =	vld [tilespmem:$0x11B0];
	v6, _, _ =	vpop (xrf0);
	vm1 =	vcmask $0xF0C  }
0xae: {  	(xrf0) =	vadd.scan.msk.s32 $0xffff, v4;
	v6 =	vbroadcast v6, $0xF;
	v0 =	vadd.s32 v5, v0;
	v3 =	vnsel vm1, $0x0, v3;
	v5, _, _ =	vpop (xrf0)  }
0xaf: {  	(xrf0) =	vadd.scan.msk.s32 $0xffff, v1;
	vm1 =	vcmask $0x1310;
	v0 =	vadd.s32 v3, v0;
	v3 =	vbroadcast v5, $0xF  }
0xb0: {  	v4 =	vld [tilespmem:$0x11C0];
	(xrf0) =	vadd.scan.msk.s32 $0xffff, v2;
	v2 =	vnsel vm1, $0x0, v6;
	vm1 =	vcmask $0x1714  }
0xb1: {  	v1 =	vld [tilespmem:$0x11D0];
	v5, _, _ =	vpop (xrf0);
	v3 =	vnsel vm1, $0x0, v3  }
0xb2: {  	v0 =	vadd.s32 v2, v0;
	(xrf0) =	vadd.scan.msk.s32 $0xffff, v7;
	v2 =	vbroadcast v5, $0xF;
	v5, _, _ =	vpop (xrf0)  }
0xb3: {  	v6 =	vld [tilespmem:$0x11E0];
	vm1 =	vcmask $0x1B18;
	v5 =	vbroadcast v5, $0xF  }
0xb4: {  	v0 =	vadd.s32 v3, v0;
	v2 =	vnsel vm1, $0x0, v2;
	vm1 =	vcmask $0x1F1C;
	v3, _, _ =	vpop (xrf0)  }
0xb5: {  	(xrf0) =	vadd.scan.msk.s32 $0xffff, v4;
	v0 =	vadd.s32 v2, v0;
	v2 =	vnsel vm1, $0x0, v5;
	v4, _, _ =	vpop (xrf0)  }
0xb6: {  	(xrf0) =	vadd.scan.msk.s32 $0xffff, v1;
	v1 =	vld [tilespmem:$0x11F0];
	v0 =	vadd.s32 v2, v0;
	v3 =	vbroadcast v3, $0xF;
	v2 =	vbroadcast v4, $0xF;
	v4, _, _ =	vpop (xrf0)  }
0xb7: {  	vm1 =	vcmask $0x2320;
	v4 =	vbroadcast v4, $0xF  }
0xb8: {  	(xrf0) =	vadd.scan.msk.s32 $0xffff, v6;
	v3 =	vnsel vm1, $0x0, v3;
	v5, _, _ =	vpop (xrf0)  }
0xb9: {  	vm9 =	vcmask $0x2724;
	v0 =	vadd.s32 v3, v0;
	v3 =	vbroadcast v5, $0xF  }
0xba: {  	vm10 =	vcmask $0x2B28;
	vm12 =	vcmask $0x2F2C;
	v2 =	vnsel vm9, $0x0, v2  }
0xbb: {  	v0 =	vadd.s32 v2, v0;
	v2 =	vnsel vm10, $0x0, v4;
	(xrf0) =	vadd.scan.msk.s32 $0xffff, v1;
	v3 =	vnsel vm12, $0x0, v3;
	v4, _, _ =	vpop (xrf0)  }
0xbc: {  	v0 =	vadd.s32 v2, v0;
	v1, _, _ =	vpop (xrf0);
	v2 =	vbroadcast v4, $0xF  }
0xbd: {  	vm11 =	vcmask $0x3330;
	v1 =	vbroadcast v1, $0xF  }
0xbe: {  	vm13 =	vcmask $0x3734;
	v0 =	vadd.s32 v3, v0;
	v3, _, _ =	vpop (xrf0);
	v2 =	vnsel vm11, $0x0, v2  }
0xbf: {  	v0 =	vadd.s32 v2, v0;
	v1 =	vnsel vm13, $0x0, v1;
	v2 =	vbroadcast v3, $0xF  }
0xc0: {  	vm14 =	vcmask $0x3B38;
	v0 =	vadd.s32 v1, v0;
	v1 =	vlaneseq.u32  }
0xc1: {  	vm15 =	vmmov $0x7fff;
	v3, _, _ =	vpop (xrf0);
	v2 =	vnsel vm14, $0x0, v2;
	v4 =	vmul.u32 $0xFFFFFFFF, v1  }
0xc2: {  	v0 =	vadd.s32 v2, v0;
	v2 =	vsel vm15, $0x0, v3  }
0xc3: {  	v0 =	vadd.s32 v2, v0;
	v2 =	vadd.s32 $0xF, v4  }
0xc4: {  	v3 =	vperm.xlane v0, v2;
	_ =	sdelay $0x1  }
0xc5: {  	(xrf0) =	vadd.scan.msk.s32 $0xffff, v3;
	_ =	sdelay $0x5  }
0xc6: {  	v3, _, _ =	vpop (xrf0)  }
0xc7: {  	v3 =	vperm.xlane v3, v2;
	_ =	sdelay $0x1  }
0xc8: {  	vm1 =	vgt.s32 v3, $0x18  }
0xc9: {  	v4 =	vmpcnt.ones.xlane vm1;
	_ =	sdelay $0x1  }
0xca: {  	v7 =	vadd.s32 $0xFFFFFFFF, v4  }
0xcb: {  	v0 =	vsub.s32 v3, v0;
	vm1 =	veq.s32 v7, v1  }
0xcc: {  	v0 =	vnsel vm1, $0x0, v0  }
0xcd: {  	(xrf0) =	vadd.scan.msk.s32 $0xffff, v0;
	v0 =	vadd.s32 $0x7FFFFFFF, v4  }
0xce: {  	(xrf0) =	vmax.scan.msk.u32 $0xffff, v0;
	_ =	sdelay $0x4  }
0xcf: {  	v0, _, _ =	vpop (xrf0)  }
0xd0: {  	v1, _, _ =	vpop (xrf0)  }
0xd1: {  	(v2sf) =	vpush v1, $0xF;
	_ =	sdelay $0xe  }
0xd2: {  	s30 =	spop (v2sf)  }
0xd3: {  	s6 =	sshll.u32 s30, $0x6  }
0xd4: {  	s6 =	sshra.s32 s6, $0x2  }
0xd5: {  	v1 =	vld [tilespmem:s6+$0x1100]  }
0xd6: {  	v3 =	vimm.s32 $0x0  }
0xd7: {  	[tilespmem:$0x1000] =	vst v3  }
0xd8: {  	[tilespmem:$0x1010] =	vst v3  }
0xd9: {  	[tilespmem:$0x1020] =	vst v3  }
0xda: {  	[tilespmem:$0x1030] =	vst v3;
	v4 =	vperm.xlane v1, v2  }
0xdb: {  	[tilespmem:$0x1040] =	vst v3  }
0xdc: {  	[tilespmem:$0x1050] =	vst v3;
	(xrf0) =	vadd.scan.msk.s32 $0xffff, v4  }
0xdd: {  	[tilespmem:$0x1060] =	vst v3  }
0xde: {  	[tilespmem:$0x1070] =	vst v3  }
0xdf: {  	[tilespmem:$0x1080] =	vst v3  }
0xe0: {  	[tilespmem:$0x1090] =	vst v3  }
0xe1: {  	[tilespmem:$0x10A0] =	vst v3  }
0xe2: {  	[tilespmem:$0x10B0] =	vst v3;
	v4, _, _ =	vpop (xrf0)  }
0xe3: {  	v0 =	vbroadcast v0, $0xF;
	[tilespmem:$0x10C0] =	vst v3;
	v2 =	vperm.xlane v4, v2  }
0xe4: {  	[tilespmem:$0x10D0] =	vst v3  }
0xe5: {  	[tilespmem:$0x10E0] =	vst v3;
	v5 =	vadd.s32 v2, v0  }
0xe6: {  	s31 =	simm.s32 $0x840;
	[tilespmem:$0x10F0] =	vst v3;
	vm1 =	vgt.s32 v5, $0x18  }
0xe7: {  	v2 =	vld [tilespmem:s31+$0xFFFFFFC0];
	v6 =	vmpcnt.ones.xlane vm1;
	_ =	sdelay $0x1  }
0xe8: {  	v0 =	vshll.u32 v7, $0x1C;
	v3 =	vshll.u32 v6, $0x18  }
0xe9: {  	v0 =	vadd.s32 v3, v0  }
0xea: {  	v0 =	vadd.s32 $0xFF000000, v0  }
0xeb: {  	v4 =	vshrl.u32 v2, $0x18;
	v3 =	vshrl.u32 v0, $0x18  }
0xec: {  	v2 =	vshrl.u32 v2, $0x10;
	vm1 =	veq.s32 v4, v3  }
0xed: {  	v7 =	vld [tilespmem:s31+$0xFFFFFFE0];
	v2 =	vand.u32 $0xFF, v2;
	_ =	sdelay $0x1  }
0xee: {  	v8 =	vld [tilespmem:s31+$0xFFFFFFF0]  }
0xef: {  	v11 =	vld [tilespmem:s31+$0x20]  }
0xf0: {  	v12 =	vld [tilespmem:s31+$0x30];
	v4 =	vimm.s32 $0x1  }
0xf1: {  	[tilespmem:v2+s5+$0x0] =	vst.idx.add.s32.msk vm1, v4;
	v2 =	vshrl.u32 v7, $0x18  }
0xf2: {  	v10 =	vshrl.u32 v7, $0x10;
	vm3 =	veq.s32 v2, v3  }
0xf3: {  	v10 =	vand.u32 $0xFF, v10;
	v7 =	vld [tilespmem:s31+$0xFFFFFFD0]  }
0xf4: {  	v9 =	vshrl.u32 v8, $0x10  }
0xf5: {  	v15 =	vshrl.u32 v8, $0x18;
	v16 =	vshrl.u32 v11, $0x18;
	v8 =	vshrl.u32 v11, $0x10;
	v11 =	vld [tilespmem:s31+$0x10]  }
0xf6: {  	v14 =	vshrl.u32 v12, $0x18;
	v13 =	vshrl.u32 v12, $0x10;
	v12 =	vld [tilespmem:s31+$0x0]  }
0xf7: {  	s7 =	simm.s32 $0x8C0;
	s6 =	simm.s32 $0x0;
	v8 =	vand.u32 $0xFF, v8;
	vm2 =	veq.s32 v16, v3;
	vm1 =	veq.s32 v15, v3  }
.LBB2_3:
0xf8: {  	s6 =	sadd.s32 $0x8, s6;
	v2 =	vshrl.u32 v7, $0x18;
	[tilespmem:v10+s5+$0x0] =	vst.idx.add.s32.msk vm3, v4;
	vm4 =	veq.s32 v14, v3  }
0xf9: {  	v10 =	vand.u32 $0xFF, v9;
	v14 =	vld [tilespmem:s7+$0xFFFFFFF0];
	p0 =	slt.u32 s6, $0x78;
	vm5 =	veq.s32 v2, v3;
	v2 =	vshrl.u32 v7, $0x10  }
0xfa: {  	v13 =	vand.u32 $0xFF, v13;
	v15 =	vld [tilespmem:s7+$0xFFFFFFE0];
	v2 =	vand.u32 $0xFF, v2;
	v7 =	vshrl.u32 v11, $0x18  }
0xfb: {  	v16 =	vld [tilespmem:s7+$0xFFFFFFC0];
	v9 =	vshrl.u32 v12, $0x18;
	vm6 =	veq.s32 v7, v3;
	v7 =	vshrl.u32 v11, $0x10  }
0xfc: {  	v17 =	vld [tilespmem:s7+$0x30];
	vm7 =	veq.s32 v9, v3;
	v9 =	vshrl.u32 v12, $0x10;
	v11 =	vand.u32 $0xFF, v7  }
0xfd: {  	v18 =	vld [tilespmem:s7+$0x20];
	v12 =	vand.u32 $0xFF, v9  }
0xfe: {  	v7 =	vld [tilespmem:s7+$0xFFFFFFD0];
	v9 =	vshrl.u32 v14, $0x10  }
0xff: {  	[tilespmem:v10+s5+$0x0] =	vst.idx.add.s32.msk vm1, v4  }
0x100: {  	v19 =	vshrl.u32 v15, $0x18;
	v15 =	vshrl.u32 v15, $0x10;
	v10 =	vshrl.u32 v16, $0x18;
	[tilespmem:v8+s5+$0x0] =	vst.idx.add.s32.msk vm2, v4  }
0x101: {  	v8 =	vshrl.u32 v16, $0x10;
	vm3 =	veq.s32 v19, v3;
	vm8 =	veq.s32 v10, v3;
	[tilespmem:v11+s5+$0x0] =	vst.idx.add.s32.msk vm6, v4  }
0x102: {  	v8 =	vand.u32 $0xFF, v8;
	v10 =	vand.u32 $0xFF, v15;
	[tilespmem:v12+s5+$0x0] =	vst.idx.add.s32.msk vm7, v4  }
.Ltmp1:
0x103: {  	v11 =	vshrl.u32 v14, $0x18;
	[tilespmem:v13+s5+$0x0] =	vst.idx.add.s32.msk vm4, v4;
	(pc) =	sbr.rel @p0 .LBB2_3-.Ltmp1, $4  }
0x104: {  	vm1 =	veq.s32 v11, v3;
	[tilespmem:v2+s5+$0x0] =	vst.idx.add.s32.msk vm5, v4  }
0x105: {  	v2 =	vshrl.u32 v18, $0x18;
	v11 =	vld [tilespmem:s7+$0x10]  }
0x106: {  	vm2 =	veq.s32 v2, v3;
	v2 =	vshrl.u32 v18, $0x10;
	v12 =	vld [tilespmem:s7+$0x0]  }
0x107: {  	v14 =	vshrl.u32 v17, $0x18;
	v13 =	vshrl.u32 v17, $0x10;
	s7 =	sadd.s32 $0x80, s7;
	[tilespmem:v8+s5+$0x0] =	vst.idx.add.s32.msk vm8, v4;
	v8 =	vand.u32 $0xFF, v2  }
0x108: {  	v2 =	vlaneseq.u32  }
0x109: {  	v15 =	vadd.s32 $0x1, v2  }
0x10a: {  	vm4 =	veq.s32 v6, v15  }
0x10b: {  	v5 =	vnsel vm4, $0x0, v5  }
0x10c: {  	v1 =	vnsel vm4, $0x0, v1;
	(xrf0) =	vadd.scan.msk.s32 $0xffff, v5  }
0x10d: {  	(xrf0) =	vadd.scan.msk.s32 $0xffff, v1;
	_ =	sdelay $0x4  }
0x10e: {  	v1, _, _ =	vpop (xrf0)  }
0x10f: {  	(v2sf) =	vpush v1, $0xF;
	v1, _, _ =	vpop (xrf0)  }
0x110: {  	v6 =	vshrl.u32 v12, $0x18;
	(v2sf) =	vpush v1, $0xF;
	v1 =	vand.u32 $0xFF, v9  }
0x111: {  	v5 =	vshrl.u32 v11, $0x18;
	vm5 =	veq.s32 v6, v3;
	v6 =	vshrl.u32 v12, $0x10  }
0x112: {  	vm4 =	veq.s32 v5, v3;
	v5 =	vshrl.u32 v11, $0x10;
	v6 =	vand.u32 $0xFF, v6  }
0x113: {  	vm6 =	veq.s32 v14, v3;
	v5 =	vand.u32 $0xFF, v5;
	v9 =	vshrl.u32 v7, $0x18  }
0x114: {  	[tilespmem:v10+s5+$0x0] =	vst.idx.add.s32.msk vm3, v4;
	vm3 =	veq.s32 v9, v3;
	v3 =	vshrl.u32 v7, $0x10;
	v7 =	vand.u32 $0xFF, v13  }
0x115: {  	[tilespmem:v1+s5+$0x0] =	vst.idx.add.s32.msk vm1, v4;
	v1 =	vand.u32 $0xFF, v3  }
0x116: {  	[tilespmem:v8+s5+$0x0] =	vst.idx.add.s32.msk vm2, v4  }
0x117: {  	[tilespmem:v6+s5+$0x0] =	vst.idx.add.s32.msk vm5, v4  }
0x118: {  	[tilespmem:v5+s5+$0x0] =	vst.idx.add.s32.msk vm4, v4  }
0x119: {  	[tilespmem:v7+s5+$0x0] =	vst.idx.add.s32.msk vm6, v4  }
0x11a: {  	s7 =	simm.s32 $0x80;
	s6 =	simm.s32 $0x1300;
	[tilespmem:v1+s5+$0x0] =	vst.idx.add.s32.msk vm3, v4;
	s5 =	simm.s32 $0x1000  }
0x11b: {  	[spmem:s4] =	stream.indirect.scatter.add.s32 [tilespmem:s5], [sflag:$0x1], $0x1, s6, s7, $0xb8;
	[tilespmem:$0x20C0] =	vst v63  }
0x11c: {  	s8 =	simm.s32 $0x1380;
	s9 =	simm.s32 $0x1080  }
0x11d: {  	[spmem:s4] =	stream.indirect.scatter.add.s32 [tilespmem:s9], [sflag:$0x2], $0x1, s8, s7, $0xb8;
	[tilespmem:$0x20C0] =	vst v63  }
0x11e: {  	s22 =	spop (v2sf)  }
0x11f: {  	s24 =	simm.s32 $0x1;
	s23 =	spop (v2sf)  }
0x120: {  	_ =	swait.ge [sflag:s24], $0x80  }
0x121: {  	[sflag:s24] =	ssyncset.done $0x0  }
0x122: {  	s25 =	simm.s32 $0x2;
	[sflag:s24] =	ssyncadd.s32 $0xFFFFFF80  }
0x123: {  	_ =	swait.ge [sflag:s25], $0x80  }
0x124: {  	[sflag:s25] =	ssyncset.done $0x0  }
0x125: {  	s26 =	sadd.s32 $0x100, s4;
	[sflag:s25] =	ssyncadd.s32 $0xFFFFFF80  }
0x126: {  	s28 =	simm.s32 $0x1100;
	s29 =	simm.s32 $0x3;
	[bflag:$0x0] =	sbarrier.arrive $0xFFFF  }
0x127: {  	[tilespmem:s28], [sflag:$0x3] =	stream.linear.gather [spmem:s26], $0x100, $0x38;
	[tilespmem:$0x20C0] =	vst v63  }
0x128: {  	_ =	swait.ge [sflag:s29], $0x100  }
0x129: {  	[sflag:s29] =	ssyncset.done $0x0  }
0x12a: {  	[sflag:s29] =	ssyncadd.s32 $0xFFFFFF00  }
0x12b: {  	v1 =	vld [tilespmem:$0x1100]  }
0x12c: {  	v3 =	vld [tilespmem:$0x1110]  }
0x12d: {  	v4 =	vld [tilespmem:$0x1120];
	_ =	sdelay $0x2  }
0x12e: {  	v5 =	vld [tilespmem:$0x1130];
	(xrf0) =	vadd.scan.msk.s32 $0xffff, v1  }
0x12f: {  	v6 =	vld [tilespmem:$0x1140];
	(xrf0) =	vadd.scan.msk.s32 $0xffff, v3  }
0x130: {  	v1 =	vld [tilespmem:$0x1150];
	(xrf0) =	vadd.scan.msk.s32 $0xffff, v4;
	_ =	sdelay $0x1  }
0x131: {  	v3 =	vld [tilespmem:$0x1160]  }
0x132: {  	v4 =	vld [tilespmem:$0x1170];
	(xrf0) =	vadd.scan.msk.s32 $0xffff, v5  }
0x133: {  	v5 =	vld [tilespmem:$0x1180];
	(xrf0) =	vadd.scan.msk.s32 $0xffff, v6;
	v7, _, _ =	vpop (xrf0)  }
0x134: {  	v6 =	vld [tilespmem:$0x1190];
	(xrf0) =	vadd.scan.msk.s32 $0xffff, v1;
	v8, _, _ =	vpop (xrf0)  }
0x135: {  	v1 =	vld [tilespmem:$0x11A0];
	v9, _, _ =	vpop (xrf0)  }
0x136: {  	(xrf0) =	vadd.scan.msk.s32 $0xffff, v3;
	v9 =	vbroadcast v9, $0xF  }
0x137: {  	v3 =	vld [tilespmem:$0x11B0];
	(xrf0) =	vadd.scan.msk.s32 $0xffff, v4;
	v7 =	vbroadcast v7, $0xF;
	v8 =	vbroadcast v8, $0xF  }
0x138: {  	vm1 =	vcmask $0x704;
	(xrf0) =	vadd.scan.msk.s32 $0xffff, v5;
	v10, _, _ =	vpop (xrf0)  }
0x139: {  	(xrf0) =	vadd.scan.msk.s32 $0xffff, v6;
	v7 =	vnsel vm0, $0x0, v7;
	v8 =	vnsel vm1, $0x0, v8;
	v11, _, _ =	vpop (xrf0);
	vm1 =	vcmask $0xB08  }
0x13a: {  	v4 =	vld [tilespmem:$0x11C0];
	v10 =	vbroadcast v10, $0xF;
	(xrf0) =	vadd.scan.msk.s32 $0xffff, v1;
	v1 =	vadd.s32 v7, v8;
	v7 =	vnsel vm1, $0x0, v9;
	v9, _, _ =	vpop (xrf0)  }
0x13b: {  	v5 =	vld [tilespmem:$0x11D0];
	vm1 =	vcmask $0xF0C;
	v1 =	vadd.s32 v7, v1;
	v7 =	vbroadcast v9, $0xF  }
0x13c: {  	v6 =	vld [tilespmem:$0x11E0];
	v8 =	vbroadcast v11, $0xF;
	(xrf0) =	vadd.scan.msk.s32 $0xffff, v3;
	v3 =	vnsel vm1, $0x0, v10  }
0x13d: {  	vm1 =	vcmask $0x1310;
	v9, _, _ =	vpop (xrf0);
	v1 =	vadd.s32 v3, v1  }
0x13e: {  	v3 =	vnsel vm1, $0x0, v8;
	vm1 =	vcmask $0x1714;
	v8 =	vbroadcast v9, $0xF;
	v9, _, _ =	vpop (xrf0)  }
0x13f: {  	(xrf0) =	vadd.scan.msk.s32 $0xffff, v4;
	v1 =	vadd.s32 v3, v1;
	v3 =	vnsel vm1, $0x0, v7;
	v7, _, _ =	vpop (xrf0)  }
0x140: {  	v4 =	vld [tilespmem:$0x11F0];
	(xrf0) =	vadd.scan.msk.s32 $0xffff, v5;
	v5 =	vbroadcast v9, $0xF;
	vm1 =	vcmask $0x1B18;
	v7 =	vbroadcast v7, $0xF  }
0x141: {  	v1 =	vadd.s32 v3, v1;
	v3 =	vnsel vm1, $0x0, v8;
	vm1 =	vcmask $0x1F1C;
	(xrf0) =	vadd.scan.msk.s32 $0xffff, v6;
	v6, _, _ =	vpop (xrf0)  }
0x142: {  	v1 =	vadd.s32 v3, v1;
	v3 =	vnsel vm1, $0x0, v5;
	v8, _, _ =	vpop (xrf0)  }
0x143: {  	vm1 =	vcmask $0x2320;
	v5 =	vbroadcast v6, $0xF;
	v6 =	vbroadcast v8, $0xF  }
0x144: {  	v1 =	vadd.s32 v3, v1;
	v3 =	vnsel vm1, $0x0, v7;
	v7, _, _ =	vpop (xrf0)  }
0x145: {  	(xrf0) =	vadd.scan.msk.s32 $0xffff, v4;
	v1 =	vadd.s32 v3, v1;
	v3 =	vnsel vm9, $0x0, v5;
	v4, _, _ =	vpop (xrf0);
	v5 =	vbroadcast v7, $0xF  }
0x146: {  	v1 =	vadd.s32 v3, v1;
	v3 =	vnsel vm10, $0x0, v6;
	v7, _, _ =	vpop (xrf0);
	v4 =	vbroadcast v4, $0xF  }
0x147: {  	v1 =	vadd.s32 v3, v1;
	v3 =	vnsel vm12, $0x0, v5;
	v6, _, _ =	vpop (xrf0)  }
0x148: {  	v1 =	vadd.s32 v3, v1;
	v3 =	vnsel vm11, $0x0, v4;
	v4 =	vbroadcast v6, $0xF  }
0x149: {  	v5 =	vbroadcast v7, $0xF;
	_ =	sdelay $0x1  }
0x14a: {  	v1 =	vadd.s32 v3, v1;
	v3 =	vnsel vm13, $0x0, v5  }
0x14b: {  	v5 =	vmul.u32 $0xFFFFFFFF, v2;
	v1 =	vadd.s32 v3, v1;
	v3 =	vnsel vm14, $0x0, v4;
	v4, _, _ =	vpop (xrf0)  }
0x14c: {  	v1 =	vadd.s32 v3, v1;
	v3 =	vsel vm15, $0x0, v4  }
0x14d: {  	v4 =	vadd.s32 $0xF, v5;
	v3 =	vadd.s32 v3, v1  }
0x14e: {  	v1 =	vperm.xlane v3, v4;
	_ =	sdelay $0x1  }
0x14f: {  	(xrf0) =	vadd.scan.msk.s32 $0xffff, v1;
	_ =	sdelay $0x3  }
0x150: {  	s6 =	ssub.s32 s23, s22  }
0x151: {  	v1 =	vmov s6  }
0x152: {  	v1 =	vadd.s32 $0x19, v1;
	v5, _, _ =	vpop (xrf0)  }
0x153: {  	v7 =	vbroadcast v1, $0x0;
	v5 =	vperm.xlane v5, v4;
	_ =	sdelay $0x1  }
0x154: {  	vm1 =	vge.s32 v5, v7  }
0x155: {  	v6 =	vmpcnt.ones.xlane vm1;
	_ =	sdelay $0x1  }
0x156: {  	v8 =	vadd.s32 $0xFFFFFFFF, v6  }
0x157: {  	vm1 =	veq.s32 v8, v2;
	v2 =	vsub.s32 v5, v3  }
0x158: {  	v2 =	vnsel vm1, $0x0, v2  }
0x159: {  	(xrf0) =	vadd.scan.msk.s32 $0xffff, v2;
	v2 =	vadd.s32 $0x7FFFFFFF, v6  }
0x15a: {  	(xrf0) =	vmax.scan.msk.u32 $0xffff, v2;
	_ =	sdelay $0x4  }
0x15b: {  	v2, _, _ =	vpop (xrf0)  }
0x15c: {  	v3, _, _ =	vpop (xrf0)  }
0x15d: {  	(v2sf) =	vpush v3, $0xF;
	_ =	sdelay $0xe  }
0x15e: {  	s30 =	spop (v2sf)  }
0x15f: {  	s6 =	sshll.u32 s30, $0x6  }
0x160: {  	s6 =	sshra.s32 s6, $0x2  }
0x161: {  	v3 =	vld [tilespmem:s6+$0x1100];
	_ =	sdelay $0x1  }
0x162: {  	v5 =	vimm.s32 $0x0  }
0x163: {  	[tilespmem:$0x1000] =	vst v5  }
0x164: {  	[tilespmem:$0x1010] =	vst v5  }
0x165: {  	[tilespmem:$0x1020] =	vst v5;
	v6 =	vperm.xlane v3, v4  }
0x166: {  	[tilespmem:$0x1030] =	vst v5  }
0x167: {  	[tilespmem:$0x1040] =	vst v5;
	(xrf0) =	vadd.scan.msk.s32 $0xffff, v6  }
0x168: {  	[tilespmem:$0x1050] =	vst v5  }
0x169: {  	[tilespmem:$0x1060] =	vst v5  }
0x16a: {  	[tilespmem:$0x1070] =	vst v5  }
0x16b: {  	[tilespmem:$0x1080] =	vst v5  }
0x16c: {  	[tilespmem:$0x1090] =	vst v5  }
0x16d: {  	[tilespmem:$0x10A0] =	vst v5;
	v6, _, _ =	vpop (xrf0)  }
0x16e: {  	v2 =	vbroadcast v2, $0xF;
	[tilespmem:$0x10B0] =	vst v5;
	v4 =	vperm.xlane v6, v4  }
0x16f: {  	[tilespmem:$0x10C0] =	vst v5  }
0x170: {  	[tilespmem:$0x10D0] =	vst v5;
	v6 =	vadd.s32 v4, v2  }
0x171: {  	[tilespmem:$0x10E0] =	vst v5;
	vm1 =	vge.s32 v6, v7  }
0x172: {  	s31 =	simm.s32 $0x840;
	[tilespmem:$0x10F0] =	vst v5;
	v7 =	vmpcnt.ones.xlane vm1  }
0x173: {  	v2 =	vld [tilespmem:s31+$0xFFFFFFC0]  }
0x174: {  	v4 =	vshll.u32 v8, $0x14;
	v5 =	vshll.u32 v7, $0x10  }
0x175: {  	v4 =	vadd.s32 v5, v4  }
0x176: {  	v10 =	vld [tilespmem:s31+$0xFFFFFFE0];
	v4 =	vadd.s32 $0xFFFF0000, v4  }
0x177: {  	v0 =	vor.u32 v0, v4  }
0x178: {  	v4 =	vshrl.u32 v2, $0x10;
	v5 =	vshrl.u32 v0, $0x10  }
0x179: {  	v12 =	vld [tilespmem:s31+$0xFFFFFFF0];
	v2 =	vshrl.u32 v2, $0x8;
	vm2 =	veq.s32 v4, v5  }
0x17a: {  	v13 =	vld [tilespmem:s31+$0x20];
	v2 =	vand.u32 $0xFF, v2  }
0x17b: {  	v11 =	vshrl.u32 v10, $0x10  }
0x17c: {  	v14 =	vld [tilespmem:s31+$0x30];
	v10 =	vshrl.u32 v10, $0x8;
	vm3 =	veq.s32 v11, v5  }
0x17d: {  	v8 =	vld [tilespmem:s31+$0xFFFFFFD0];
	v11 =	vand.u32 $0xFF, v10  }
0x17e: {  	v9 =	vshrl.u32 v12, $0x8;
	v4 =	vimm.s32 $0x1;
	v10 =	vshrl.u32 v12, $0x10;
	v12 =	vld [tilespmem:s31+$0x10]  }
0x17f: {  	v15 =	vshrl.u32 v13, $0x10;
	[tilespmem:v2+s5+$0x0] =	vst.idx.add.s32.msk vm2, v4  }
0x180: {  	vm1 =	veq.s32 v10, v5;
	vm2 =	veq.s32 v15, v5;
	v2 =	vshrl.u32 v13, $0x8;
	v13 =	vld [tilespmem:s31+$0x0]  }
0x181: {  	s7 =	simm.s32 $0x8C0;
	s6 =	simm.s32 $0x0;
	v15 =	vshrl.u32 v14, $0x10;
	v14 =	vshrl.u32 v14, $0x8;
	v10 =	vand.u32 $0xFF, v2  }
.LBB2_5:
0x182: {  	s6 =	sadd.s32 $0x8, s6;
	v2 =	vshrl.u32 v8, $0x10;
	[tilespmem:v11+s5+$0x0] =	vst.idx.add.s32.msk vm3, v4;
	vm4 =	veq.s32 v15, v5  }
0x183: {  	v11 =	vand.u32 $0xFF, v9;
	v15 =	vld [tilespmem:s7+$0xFFFFFFF0];
	p0 =	slt.u32 s6, $0x78;
	vm5 =	veq.s32 v2, v5;
	v2 =	vshrl.u32 v8, $0x8  }
0x184: {  	v14 =	vand.u32 $0xFF, v14;
	v16 =	vld [tilespmem:s7+$0xFFFFFFE0];
	v2 =	vand.u32 $0xFF, v2;
	v8 =	vshrl.u32 v12, $0x10  }
0x185: {  	v17 =	vld [tilespmem:s7+$0xFFFFFFC0];
	v9 =	vshrl.u32 v13, $0x10;
	vm6 =	veq.s32 v8, v5;
	v8 =	vshrl.u32 v12, $0x8  }
0x186: {  	v18 =	vld [tilespmem:s7+$0x30];
	vm7 =	veq.s32 v9, v5;
	v9 =	vshrl.u32 v13, $0x8;
	v12 =	vand.u32 $0xFF, v8  }
0x187: {  	v19 =	vld [tilespmem:s7+$0x20];
	v13 =	vand.u32 $0xFF, v9  }
0x188: {  	v8 =	vld [tilespmem:s7+$0xFFFFFFD0];
	v9 =	vshrl.u32 v15, $0x8  }
0x189: {  	[tilespmem:v11+s5+$0x0] =	vst.idx.add.s32.msk vm1, v4  }
0x18a: {  	v20 =	vshrl.u32 v16, $0x10;
	v16 =	vshrl.u32 v16, $0x8;
	v11 =	vshrl.u32 v17, $0x10;
	[tilespmem:v10+s5+$0x0] =	vst.idx.add.s32.msk vm2, v4  }
0x18b: {  	v10 =	vshrl.u32 v17, $0x8;
	vm3 =	veq.s32 v20, v5;
	vm8 =	veq.s32 v11, v5;
	[tilespmem:v12+s5+$0x0] =	vst.idx.add.s32.msk vm6, v4  }
0x18c: {  	v10 =	vand.u32 $0xFF, v10;
	v11 =	vand.u32 $0xFF, v16;
	[tilespmem:v13+s5+$0x0] =	vst.idx.add.s32.msk vm7, v4  }
.Ltmp2:
0x18d: {  	v12 =	vshrl.u32 v15, $0x10;
	[tilespmem:v14+s5+$0x0] =	vst.idx.add.s32.msk vm4, v4;
	(pc) =	sbr.rel @p0 .LBB2_5-.Ltmp2, $4  }
0x18e: {  	vm1 =	veq.s32 v12, v5;
	[tilespmem:v2+s5+$0x0] =	vst.idx.add.s32.msk vm5, v4  }
0x18f: {  	v2 =	vshrl.u32 v19, $0x10;
	v12 =	vld [tilespmem:s7+$0x10]  }
0x190: {  	vm2 =	veq.s32 v2, v5;
	v2 =	vshrl.u32 v19, $0x8;
	v13 =	vld [tilespmem:s7+$0x0]  }
0x191: {  	v15 =	vshrl.u32 v18, $0x10;
	v14 =	vshrl.u32 v18, $0x8;
	s7 =	sadd.s32 $0x80, s7;
	[tilespmem:v10+s5+$0x0] =	vst.idx.add.s32.msk vm8, v4;
	v10 =	vand.u32 $0xFF, v2  }
0x192: {  	v2 =	vlaneseq.u32  }
0x193: {  	v16 =	vadd.s32 $0x1, v2  }
0x194: {  	vm4 =	veq.s32 v7, v16  }
0x195: {  	v6 =	vnsel vm4, $0x0, v6  }
0x196: {  	v3 =	vnsel vm4, $0x0, v3;
	(xrf0) =	vadd.scan.msk.s32 $0xffff, v6  }
0x197: {  	(xrf0) =	vadd.scan.msk.s32 $0xffff, v3;
	_ =	sdelay $0x4  }
0x198: {  	v3, _, _ =	vpop (xrf0)  }
0x199: {  	(v2sf) =	vpush v3, $0xF;
	v3, _, _ =	vpop (xrf0)  }
0x19a: {  	v7 =	vshrl.u32 v13, $0x10;
	(v2sf) =	vpush v3, $0xF;
	v3 =	vand.u32 $0xFF, v9  }
0x19b: {  	v6 =	vshrl.u32 v12, $0x10;
	vm5 =	veq.s32 v7, v5;
	v7 =	vshrl.u32 v13, $0x8  }
0x19c: {  	vm4 =	veq.s32 v6, v5;
	v6 =	vshrl.u32 v12, $0x8;
	v7 =	vand.u32 $0xFF, v7  }
0x19d: {  	vm6 =	veq.s32 v15, v5;
	v6 =	vand.u32 $0xFF, v6;
	v9 =	vshrl.u32 v8, $0x10  }
0x19e: {  	[tilespmem:v11+s5+$0x0] =	vst.idx.add.s32.msk vm3, v4;
	vm3 =	veq.s32 v9, v5;
	v5 =	vshrl.u32 v8, $0x8;
	v8 =	vand.u32 $0xFF, v14  }
0x19f: {  	[tilespmem:v3+s5+$0x0] =	vst.idx.add.s32.msk vm1, v4;
	v3 =	vand.u32 $0xFF, v5  }
0x1a0: {  	[tilespmem:v10+s5+$0x0] =	vst.idx.add.s32.msk vm2, v4  }
0x1a1: {  	[tilespmem:v7+s5+$0x0] =	vst.idx.add.s32.msk vm5, v4  }
0x1a2: {  	[tilespmem:v6+s5+$0x0] =	vst.idx.add.s32.msk vm4, v4  }
0x1a3: {  	[tilespmem:v8+s5+$0x0] =	vst.idx.add.s32.msk vm6, v4  }
0x1a4: {  	s7 =	simm.s32 $0x80;
	s6 =	simm.s32 $0x1400;
	[tilespmem:v3+s5+$0x0] =	vst.idx.add.s32.msk vm3, v4;
	s5 =	simm.s32 $0x1000  }
0x1a5: {  	[spmem:s4] =	stream.indirect.scatter.add.s32 [tilespmem:s5], [sflag:$0x1], $0x1, s6, s7, $0xb8;
	[tilespmem:$0x20C0] =	vst v63  }
0x1a6: {  	s8 =	simm.s32 $0x1480;
	s9 =	simm.s32 $0x1080  }
0x1a7: {  	[spmem:s4] =	stream.indirect.scatter.add.s32 [tilespmem:s9], [sflag:$0x2], $0x1, s8, s7, $0xb8;
	[tilespmem:$0x20C0] =	vst v63  }
0x1a8: {  	s22 =	spop (v2sf)  }
0x1a9: {  	s24 =	simm.s32 $0x1;
	s23 =	spop (v2sf)  }
0x1aa: {  	_ =	swait.ge [sflag:s24], $0x80  }
0x1ab: {  	[sflag:s24] =	ssyncset.done $0x0  }
0x1ac: {  	s25 =	simm.s32 $0x2;
	[sflag:s24] =	ssyncadd.s32 $0xFFFFFF80  }
0x1ad: {  	_ =	swait.ge [sflag:s25], $0x80  }
0x1ae: {  	[sflag:s25] =	ssyncset.done $0x0  }
0x1af: {  	s26 =	sadd.s32 $0x200, s4;
	[sflag:s25] =	ssyncadd.s32 $0xFFFFFF80  }
0x1b0: {  	s28 =	simm.s32 $0x1100;
	s29 =	simm.s32 $0x3;
	[bflag:$0x0] =	sbarrier.arrive $0xFFFF  }
0x1b1: {  	[tilespmem:s28], [sflag:$0x3] =	stream.linear.gather [spmem:s26], $0x100, $0x38;
	[tilespmem:$0x20C0] =	vst v63  }
0x1b2: {  	_ =	swait.ge [sflag:s29], $0x100  }
0x1b3: {  	[sflag:s29] =	ssyncset.done $0x0  }
0x1b4: {  	[sflag:s29] =	ssyncadd.s32 $0xFFFFFF00  }
0x1b5: {  	v3 =	vld [tilespmem:$0x1100]  }
0x1b6: {  	v4 =	vld [tilespmem:$0x1110]  }
0x1b7: {  	v5 =	vld [tilespmem:$0x1120];
	_ =	sdelay $0x2  }
0x1b8: {  	v6 =	vld [tilespmem:$0x1130];
	(xrf0) =	vadd.scan.msk.s32 $0xffff, v3  }
0x1b9: {  	v7 =	vld [tilespmem:$0x1140];
	(xrf0) =	vadd.scan.msk.s32 $0xffff, v4  }
0x1ba: {  	v3 =	vld [tilespmem:$0x1150];
	(xrf0) =	vadd.scan.msk.s32 $0xffff, v5;
	_ =	sdelay $0x1  }
0x1bb: {  	v4 =	vld [tilespmem:$0x1160]  }
0x1bc: {  	v5 =	vld [tilespmem:$0x1170];
	(xrf0) =	vadd.scan.msk.s32 $0xffff, v6  }
0x1bd: {  	v6 =	vld [tilespmem:$0x1180];
	(xrf0) =	vadd.scan.msk.s32 $0xffff, v7;
	v8, _, _ =	vpop (xrf0)  }
0x1be: {  	v7 =	vld [tilespmem:$0x1190];
	(xrf0) =	vadd.scan.msk.s32 $0xffff, v3;
	v9, _, _ =	vpop (xrf0)  }
0x1bf: {  	v3 =	vld [tilespmem:$0x11A0];
	v10, _, _ =	vpop (xrf0)  }
0x1c0: {  	(xrf0) =	vadd.scan.msk.s32 $0xffff, v4;
	v10 =	vbroadcast v10, $0xF  }
0x1c1: {  	v4 =	vld [tilespmem:$0x11B0];
	(xrf0) =	vadd.scan.msk.s32 $0xffff, v5;
	v8 =	vbroadcast v8, $0xF;
	v9 =	vbroadcast v9, $0xF  }
0x1c2: {  	vm1 =	vcmask $0x704;
	(xrf0) =	vadd.scan.msk.s32 $0xffff, v6;
	v11, _, _ =	vpop (xrf0)  }
0x1c3: {  	(xrf0) =	vadd.scan.msk.s32 $0xffff, v7;
	v8 =	vnsel vm0, $0x0, v8;
	v9 =	vnsel vm1, $0x0, v9;
	v56, _, _ =	vpop (xrf0);
	vm1 =	vcmask $0xB08  }
0x1c4: {  	v5 =	vld [tilespmem:$0x11C0];
	v11 =	vbroadcast v11, $0xF;
	(xrf0) =	vadd.scan.msk.s32 $0xffff, v3;
	v3 =	vadd.s32 v8, v9;
	v8 =	vnsel vm1, $0x0, v10;
	v10, _, _ =	vpop (xrf0)  }
0x1c5: {  	v6 =	vld [tilespmem:$0x11D0];
	vm1 =	vcmask $0xF0C;
	v3 =	vadd.s32 v8, v3;
	v8 =	vbroadcast v10, $0xF  }
0x1c6: {  	v7 =	vld [tilespmem:$0x11E0];
	v9 =	vbroadcast v56, $0xF;
	(xrf0) =	vadd.scan.msk.s32 $0xffff, v4;
	v4 =	vnsel vm1, $0x0, v11  }
0x1c7: {  	vm1 =	vcmask $0x1310;
	v10, _, _ =	vpop (xrf0);
	v3 =	vadd.s32 v4, v3  }
0x1c8: {  	v4 =	vnsel vm1, $0x0, v9;
	vm1 =	vcmask $0x1714;
	v9 =	vbroadcast v10, $0xF;
	v10, _, _ =	vpop (xrf0)  }
0x1c9: {  	(xrf0) =	vadd.scan.msk.s32 $0xffff, v5;
	v3 =	vadd.s32 v4, v3;
	v4 =	vnsel vm1, $0x0, v8;
	v8, _, _ =	vpop (xrf0)  }
0x1ca: {  	v5 =	vld [tilespmem:$0x11F0];
	(xrf0) =	vadd.scan.msk.s32 $0xffff, v6;
	v6 =	vbroadcast v10, $0xF;
	vm1 =	vcmask $0x1B18;
	v8 =	vbroadcast v8, $0xF  }
0x1cb: {  	v3 =	vadd.s32 v4, v3;
	v4 =	vnsel vm1, $0x0, v9;
	vm1 =	vcmask $0x1F1C;
	(xrf0) =	vadd.scan.msk.s32 $0xffff, v7;
	v7, _, _ =	vpop (xrf0)  }
0x1cc: {  	v3 =	vadd.s32 v4, v3;
	v4 =	vnsel vm1, $0x0, v6;
	v9, _, _ =	vpop (xrf0)  }
0x1cd: {  	vm1 =	vcmask $0x2320;
	v6 =	vbroadcast v7, $0xF;
	v7 =	vbroadcast v9, $0xF  }
0x1ce: {  	v3 =	vadd.s32 v4, v3;
	v4 =	vnsel vm1, $0x0, v8;
	v8, _, _ =	vpop (xrf0)  }
0x1cf: {  	(xrf0) =	vadd.scan.msk.s32 $0xffff, v5;
	v3 =	vadd.s32 v4, v3;
	v4 =	vnsel vm9, $0x0, v6;
	v5, _, _ =	vpop (xrf0);
	v6 =	vbroadcast v8, $0xF  }
0x1d0: {  	v3 =	vadd.s32 v4, v3;
	v4 =	vnsel vm10, $0x0, v7;
	v8, _, _ =	vpop (xrf0);
	v5 =	vbroadcast v5, $0xF  }
0x1d1: {  	v3 =	vadd.s32 v4, v3;
	v4 =	vnsel vm12, $0x0, v6;
	v7, _, _ =	vpop (xrf0)  }
0x1d2: {  	v3 =	vadd.s32 v4, v3;
	v4 =	vnsel vm11, $0x0, v5;
	v5 =	vbroadcast v7, $0xF  }
0x1d3: {  	v6 =	vbroadcast v8, $0xF;
	_ =	sdelay $0x1  }
0x1d4: {  	v3 =	vadd.s32 v4, v3;
	v4 =	vnsel vm13, $0x0, v6  }
0x1d5: {  	v6 =	vmul.u32 $0xFFFFFFFF, v2;
	v3 =	vadd.s32 v4, v3;
	v4 =	vnsel vm14, $0x0, v5;
	v5, _, _ =	vpop (xrf0)  }
0x1d6: {  	v3 =	vadd.s32 v4, v3;
	v4 =	vsel vm15, $0x0, v5  }
0x1d7: {  	v5 =	vadd.s32 $0xF, v6;
	v3 =	vadd.s32 v4, v3  }
0x1d8: {  	v4 =	vperm.xlane v3, v5;
	_ =	sdelay $0x1  }
0x1d9: {  	(xrf0) =	vadd.scan.msk.s32 $0xffff, v4;
	_ =	sdelay $0x4  }
0x1da: {  	s6 =	ssub.s32 s23, s22  }
0x1db: {  	v1 =	vadd.s32 s6, v1;
	v4, _, _ =	vpop (xrf0)  }
0x1dc: {  	v6 =	vbroadcast v1, $0x0;
	v4 =	vperm.xlane v4, v5;
	_ =	sdelay $0x1  }
0x1dd: {  	vm1 =	vge.s32 v4, v6  }
0x1de: {  	v7 =	vmpcnt.ones.xlane vm1;
	_ =	sdelay $0x1  }
0x1df: {  	v8 =	vadd.s32 $0xFFFFFFFF, v7  }
0x1e0: {  	vm1 =	veq.s32 v8, v2;
	v2 =	vsub.s32 v4, v3  }
0x1e1: {  	v2 =	vnsel vm1, $0x0, v2  }
0x1e2: {  	(xrf0) =	vadd.scan.msk.s32 $0xffff, v2;
	v2 =	vadd.s32 $0x7FFFFFFF, v7  }
0x1e3: {  	(xrf0) =	vmax.scan.msk.u32 $0xffff, v2;
	_ =	sdelay $0x4  }
0x1e4: {  	v2, _, _ =	vpop (xrf0)  }
0x1e5: {  	v3, _, _ =	vpop (xrf0)  }
0x1e6: {  	(v2sf) =	vpush v3, $0xF;
	_ =	sdelay $0xe  }
0x1e7: {  	s30 =	spop (v2sf)  }
0x1e8: {  	s6 =	sshll.u32 s30, $0x6  }
0x1e9: {  	s6 =	sshra.s32 s6, $0x2  }
0x1ea: {  	v4 =	vld [tilespmem:s6+$0x1100];
	_ =	sdelay $0x1  }
0x1eb: {  	v3 =	vimm.s32 $0x0  }
0x1ec: {  	[tilespmem:$0x1000] =	vst v3  }
0x1ed: {  	[tilespmem:$0x1010] =	vst v3  }
0x1ee: {  	[tilespmem:$0x1020] =	vst v3;
	v7 =	vperm.xlane v4, v5  }
0x1ef: {  	[tilespmem:$0x1030] =	vst v3  }
0x1f0: {  	[tilespmem:$0x1040] =	vst v3;
	(xrf0) =	vadd.scan.msk.s32 $0xffff, v7  }
0x1f1: {  	[tilespmem:$0x1050] =	vst v3  }
0x1f2: {  	[tilespmem:$0x1060] =	vst v3  }
0x1f3: {  	[tilespmem:$0x1070] =	vst v3  }
0x1f4: {  	[tilespmem:$0x1080] =	vst v3  }
0x1f5: {  	[tilespmem:$0x1090] =	vst v3  }
0x1f6: {  	[tilespmem:$0x10A0] =	vst v3;
	v7, _, _ =	vpop (xrf0)  }
0x1f7: {  	v2 =	vbroadcast v2, $0xF;
	[tilespmem:$0x10B0] =	vst v3;
	v5 =	vperm.xlane v7, v5  }
0x1f8: {  	[tilespmem:$0x10C0] =	vst v3  }
0x1f9: {  	[tilespmem:$0x10D0] =	vst v3;
	v5 =	vadd.s32 v5, v2  }
0x1fa: {  	[tilespmem:$0x10E0] =	vst v3;
	vm1 =	vge.s32 v5, v6  }
0x1fb: {  	s31 =	simm.s32 $0x840;
	[tilespmem:$0x10F0] =	vst v3;
	v6 =	vmpcnt.ones.xlane vm1  }
0x1fc: {  	v3 =	vld [tilespmem:s31+$0x30]  }
0x1fd: {  	v2 =	vshll.u32 v8, $0xC;
	v8 =	vld [tilespmem:s31+$0xFFFFFFD0];
	v7 =	vshll.u32 v6, $0x8  }
0x1fe: {  	v9 =	vld [tilespmem:s31+$0xFFFFFFF0];
	v2 =	vadd.s32 v7, v2  }
0x1ff: {  	v7 =	vld [tilespmem:s31+$0xFFFFFFE0];
	v2 =	vadd.s32 $0xFFFFFF00, v2  }
0x200: {  	v0 =	vor.u32 v0, v2  }
0x201: {  	v10 =	vshrl.u32 v3, $0x8;
	v2 =	vshrl.u32 v0, $0x8  }
0x202: {  	v11 =	vld [tilespmem:s31+$0x0];
	v3 =	vand.u32 $0xFF, v3;
	v57 =	vshrl.u32 v8, $0x8;
	vm1 =	veq.s32 v10, v2  }
0x203: {  	v59 =	vand.u32 $0xFF, v8;
	v8 =	vshrl.u32 v9, $0x8;
	v10 =	vld [tilespmem:s31+$0x10];
	vm2 =	veq.s32 v57, v2  }
0x204: {  	v61 =	vld [tilespmem:s31+$0xFFFFFFC0];
	vm4 =	veq.s32 v8, v2;
	v58 =	vshrl.u32 v7, $0x8  }
0x205: {  	v60 =	vld [tilespmem:s31+$0x20];
	v63 =	vand.u32 $0xFF, v9;
	vm3 =	veq.s32 v58, v2  }
0x206: {  	v62 =	vand.u32 $0xFF, v7  }
0x207: {  	v8 =	vshrl.u32 v11, $0x8;
	v7 =	vimm.s32 $0x1  }
0x208: {  	v9 =	vand.u32 $0xFF, v10;
	[tilespmem:v3+s5+$0x0] =	vst.idx.add.s32.msk vm1, v7;
	vm1 =	veq.s32 v8, v2  }
0x209: {  	v3 =	vshrl.u32 v10, $0x8;
	v8 =	vand.u32 $0xFF, v11;
	[tilespmem:v59+s5+$0x0] =	vst.idx.add.s32.msk vm2, v7;
	v10 =	vshrl.u32 v61, $0x8  }
0x20a: {  	v11 =	vand.u32 $0xFF, v61;
	[tilespmem:v63+s5+$0x0] =	vst.idx.add.s32.msk vm4, v7;
	vm2 =	veq.s32 v3, v2;
	v3 =	vshrl.u32 v60, $0x8  }
0x20b: {  	s7 =	simm.s32 $0x8C0;
	s6 =	simm.s32 $0x0;
	vm4 =	veq.s32 v10, v2;
	v10 =	vand.u32 $0xFF, v60;
	[tilespmem:v62+s5+$0x0] =	vst.idx.add.s32.msk vm3, v7;
	vm3 =	veq.s32 v3, v2  }
.LBB2_7:
0x20c: {  	v3 =	vld [tilespmem:s7+$0x30];
	s6 =	sadd.s32 $0x8, s6  }
0x20d: {  	v12 =	vld [tilespmem:s7+$0xFFFFFFD0];
	p0 =	slt.u32 s6, $0x78  }
0x20e: {  	v13 =	vld [tilespmem:s7+$0xFFFFFFE0]  }
0x20f: {  	v14 =	vld [tilespmem:s7+$0xFFFFFFF0]  }
0x210: {  	v15 =	vld [tilespmem:s7+$0x0]  }
0x211: {  	v16 =	vld [tilespmem:s7+$0x10];
	v17 =	vshrl.u32 v3, $0x8  }
0x212: {  	v18 =	vshrl.u32 v12, $0x8;
	v12 =	vand.u32 $0xFF, v12;
	v19 =	vld [tilespmem:s7+$0x20];
	vm5 =	veq.s32 v17, v2  }
0x213: {  	v3 =	vand.u32 $0xFF, v3;
	v17 =	vld [tilespmem:s7+$0xFFFFFFC0];
	vm6 =	veq.s32 v18, v2;
	v18 =	vshrl.u32 v13, $0x8  }
0x214: {  	v13 =	vand.u32 $0xFF, v13;
	vm7 =	veq.s32 v18, v2;
	v18 =	vshrl.u32 v14, $0x8;
	[tilespmem:v11+s5+$0x0] =	vst.idx.add.s32.msk vm4, v7  }
0x215: {  	v14 =	vand.u32 $0xFF, v14;
	vm8 =	veq.s32 v18, v2;
	v11 =	vshrl.u32 v15, $0x8;
	[tilespmem:v8+s5+$0x0] =	vst.idx.add.s32.msk vm1, v7  }
0x216: {  	v8 =	vand.u32 $0xFF, v15;
	vm1 =	veq.s32 v11, v2;
	v11 =	vshrl.u32 v16, $0x8;
	[tilespmem:v9+s5+$0x0] =	vst.idx.add.s32.msk vm2, v7  }
.Ltmp3:
0x217: {  	v9 =	vand.u32 $0xFF, v16;
	vm2 =	veq.s32 v11, v2;
	v15 =	vshrl.u32 v19, $0x8;
	[tilespmem:v10+s5+$0x0] =	vst.idx.add.s32.msk vm3, v7;
	(pc) =	sbr.rel @p0 .LBB2_7-.Ltmp3, $4  }
0x218: {  	v10 =	vshrl.u32 v17, $0x8;
	v11 =	vand.u32 $0xFF, v17;
	vm3 =	veq.s32 v15, v2;
	[tilespmem:v3+s5+$0x0] =	vst.idx.add.s32.msk vm5, v7  }
0x219: {  	vm4 =	veq.s32 v10, v2;
	[tilespmem:v12+s5+$0x0] =	vst.idx.add.s32.msk vm6, v7;
	v10 =	vand.u32 $0xFF, v19  }
0x21a: {  	[tilespmem:v13+s5+$0x0] =	vst.idx.add.s32.msk vm7, v7  }
0x21b: {  	s7 =	sadd.s32 $0x80, s7;
	[tilespmem:v14+s5+$0x0] =	vst.idx.add.s32.msk vm8, v7  }
0x21c: {  	v2 =	vlaneseq.u32  }
0x21d: {  	v3 =	vadd.s32 $0x1, v2  }
0x21e: {  	vm5 =	veq.s32 v6, v3  }
0x21f: {  	v5 =	vnsel vm5, $0x0, v5  }
0x220: {  	v4 =	vnsel vm5, $0x0, v4;
	(xrf0) =	vadd.scan.msk.s32 $0xffff, v5  }
0x221: {  	(xrf0) =	vadd.scan.msk.s32 $0xffff, v4;
	_ =	sdelay $0x4  }
0x222: {  	v4, _, _ =	vpop (xrf0)  }
0x223: {  	(v2sf) =	vpush v4, $0xF;
	v4, _, _ =	vpop (xrf0)  }
0x224: {  	(v2sf) =	vpush v4, $0xF;
	_ =	sdelay $0x8  }
0x225: {  	[tilespmem:v11+s5+$0x0] =	vst.idx.add.s32.msk vm4, v7  }
0x226: {  	[tilespmem:v8+s5+$0x0] =	vst.idx.add.s32.msk vm1, v7  }
0x227: {  	[tilespmem:v9+s5+$0x0] =	vst.idx.add.s32.msk vm2, v7;
	s6 =	sadd.s32 s3, s4  }
0x228: {  	[tilespmem:v10+s5+$0x0] =	vst.idx.add.s32.msk vm3, v7;
	s8 =	simm.s32 $0x1000;
	s15 =	sadd.s32 $0x400, s6  }
0x229: {  	[spmem:s15] =	stream.linear.scatter [tilespmem:s8], [sflag:$0x3], $0x100, $0x38;
	[tilespmem:$0x20C0] =	vst v63  }
0x22a: {  	s16 =	spop (v2sf)  }
0x22b: {  	s17 =	simm.s32 $0x3;
	s7 =	spop (v2sf)  }
0x22c: {  	_ =	swait.ge [sflag:s17], $0x100  }
0x22d: {  	[sflag:s17] =	ssyncset.done $0x0  }
0x22e: {  	s9 =	simm.s32 $0x80;
	s10 =	simm.s32 $0x1500;
	[sflag:s17] =	ssyncadd.s32 $0xFFFFFF00  }
0x22f: {  	[spmem:s4] =	stream.indirect.scatter.add.s32 [tilespmem:s8], [sflag:$0x1], $0x1, s10, s9, $0xb8;
	[tilespmem:$0x20C0] =	vst v63  }
0x230: {  	s18 =	simm.s32 $0x1580;
	s19 =	simm.s32 $0x1080;
	s20 =	simm.s32 $0x1  }
0x231: {  	[spmem:s4] =	stream.indirect.scatter.add.s32 [tilespmem:s19], [sflag:$0x2], $0x1, s18, s9, $0xb8;
	[tilespmem:$0x20C0] =	vst v63  }
0x232: {  	_ =	swait.ge [sflag:s20], $0x80  }
0x233: {  	[sflag:s20] =	ssyncset.done $0x0  }
0x234: {  	s21 =	simm.s32 $0x2;
	[sflag:s20] =	ssyncadd.s32 $0xFFFFFF80  }
0x235: {  	_ =	swait.ge [sflag:s21], $0x80  }
0x236: {  	[sflag:s21] =	ssyncset.done $0x0  }
0x237: {  	[sflag:s21] =	ssyncadd.s32 $0xFFFFFF80  }
0x238: {  	s22 =	sadd.s32 $0x300, s4;
	s23 =	simm.s32 $0x1100;
	[bflag:$0x0] =	sbarrier.arrive $0xFFFF  }
0x239: {  	[tilespmem:s23], [sflag:$0x3] =	stream.linear.gather [spmem:s22], $0x100, $0x38;
	[tilespmem:$0x20C0] =	vst v63  }
0x23a: {  	_ =	swait.ge [sflag:s17], $0x100  }
0x23b: {  	[sflag:s17] =	ssyncset.done $0x0  }
0x23c: {  	[sflag:s17] =	ssyncadd.s32 $0xFFFFFF00  }
0x23d: {  	v4 =	vld [tilespmem:$0x1100]  }
0x23e: {  	v5 =	vld [tilespmem:$0x1110]  }
0x23f: {  	v6 =	vld [tilespmem:$0x1120];
	_ =	sdelay $0x1  }
0x240: {  	v7 =	vld [tilespmem:$0x1130]  }
0x241: {  	v8 =	vld [tilespmem:$0x1140];
	(xrf0) =	vadd.scan.msk.s32 $0xffff, v4  }
0x242: {  	v4 =	vld [tilespmem:$0x1150];
	(xrf0) =	vadd.scan.msk.s32 $0xffff, v5  }
0x243: {  	v5 =	vld [tilespmem:$0x1160];
	(xrf0) =	vadd.scan.msk.s32 $0xffff, v6  }
0x244: {  	v6 =	vld [tilespmem:$0x1170]  }
0x245: {  	(xrf0) =	vadd.scan.msk.s32 $0xffff, v7;
	v7 =	vld [tilespmem:$0x1180]  }
0x246: {  	(xrf0) =	vadd.scan.msk.s32 $0xffff, v8;
	v8 =	vld [tilespmem:$0x1190]  }
0x247: {  	(xrf0) =	vadd.scan.msk.s32 $0xffff, v4;
	v4 =	vld [tilespmem:$0x11A0];
	v9, _, _ =	vpop (xrf0)  }
0x248: {  	(xrf0) =	vadd.scan.msk.s32 $0xffff, v5;
	v10, _, _ =	vpop (xrf0);
	v9 =	vbroadcast v9, $0xF  }
0x249: {  	v5 =	vld [tilespmem:$0x11B0];
	(xrf0) =	vadd.scan.msk.s32 $0xffff, v6;
	v10 =	vbroadcast v10, $0xF;
	v11, _, _ =	vpop (xrf0)  }
0x24a: {  	(xrf0) =	vadd.scan.msk.s32 $0xffff, v7;
	v11 =	vbroadcast v11, $0xF;
	v9 =	vnsel vm0, $0x0, v9;
	vm0 =	vcmask $0x704  }
0x24b: {  	v12, _, _ =	vpop (xrf0);
	(xrf0) =	vadd.scan.msk.s32 $0xffff, v8;
	v10 =	vnsel vm0, $0x0, v10;
	vm0 =	vcmask $0xB08  }
0x24c: {  	v6 =	vld [tilespmem:$0x11C0];
	v12 =	vbroadcast v12, $0xF;
	v13, _, _ =	vpop (xrf0);
	(xrf0) =	vadd.scan.msk.s32 $0xffff, v4;
	v4 =	vnsel vm0, $0x0, v11  }
0x24d: {  	v7 =	vld [tilespmem:$0x11D0];
	v9 =	vadd.s32 v9, v10;
	v10 =	vbroadcast v13, $0xF;
	vm0 =	vcmask $0xF0C  }
0x24e: {  	v8 =	vld [tilespmem:$0x11E0];
	v11, _, _ =	vpop (xrf0);
	(xrf0) =	vadd.scan.msk.s32 $0xffff, v5;
	v5 =	vnsel vm0, $0x0, v12;
	vm0 =	vcmask $0x1310  }
0x24f: {  	v10 =	vnsel vm0, $0x0, v10  }
0x250: {  	v4 =	vadd.s32 v4, v9;
	v9 =	vbroadcast v11, $0xF;
	v11, _, _ =	vpop (xrf0)  }
0x251: {  	(xrf0) =	vadd.scan.msk.s32 $0xffff, v6;
	v4 =	vadd.s32 v5, v4;
	vm0 =	vcmask $0x1714;
	v5 =	vbroadcast v11, $0xF;
	v11, _, _ =	vpop (xrf0)  }
0x252: {  	(xrf0) =	vadd.scan.msk.s32 $0xffff, v7;
	v4 =	vadd.s32 v10, v4;
	v7 =	vnsel vm0, $0x0, v9;
	v9 =	vbroadcast v11, $0xF;
	v10, _, _ =	vpop (xrf0)  }
0x253: {  	v6 =	vld [tilespmem:$0x11F0];
	(xrf0) =	vadd.scan.msk.s32 $0xffff, v8;
	v8, _, _ =	vpop (xrf0)  }
0x254: {  	vm0 =	vcmask $0x1B18;
	v4 =	vadd.s32 v7, v4;
	v8 =	vbroadcast v8, $0xF  }
0x255: {  	v5 =	vnsel vm0, $0x0, v5;
	vm0 =	vcmask $0x1F1C;
	v7 =	vbroadcast v10, $0xF  }
0x256: {  	v4 =	vadd.s32 v5, v4;
	v5 =	vnsel vm0, $0x0, v9;
	vm0 =	vcmask $0x2320;
	v9, _, _ =	vpop (xrf0)  }
0x257: {  	v4 =	vadd.s32 v5, v4;
	v5 =	vnsel vm0, $0x0, v7;
	v7 =	vbroadcast v9, $0xF;
	v9, _, _ =	vpop (xrf0)  }
0x258: {  	(xrf0) =	vadd.scan.msk.s32 $0xffff, v6;
	v4 =	vadd.s32 v5, v4;
	v5 =	vnsel vm9, $0x0, v8;
	v6 =	vbroadcast v9, $0xF;
	v8, _, _ =	vpop (xrf0)  }
0x259: {  	v4 =	vadd.s32 v5, v4;
	v5 =	vnsel vm10, $0x0, v7;
	v7 =	vbroadcast v8, $0xF;
	v8, _, _ =	vpop (xrf0)  }
0x25a: {  	v4 =	vadd.s32 v5, v4;
	v5 =	vnsel vm12, $0x0, v6;
	v6 =	vbroadcast v8, $0xF  }
0x25b: {  	v8, _, _ =	vpop (xrf0)  }
0x25c: {  	v4 =	vadd.s32 v5, v4;
	v5 =	vnsel vm11, $0x0, v7;
	v7 =	vbroadcast v8, $0xF  }
0x25d: {  	v4 =	vadd.s32 v5, v4;
	v5 =	vnsel vm13, $0x0, v6  }
0x25e: {  	v4 =	vadd.s32 v5, v4;
	v5 =	vnsel vm14, $0x0, v7;
	v7 =	vmul.u32 $0xFFFFFFFF, v2;
	v6, _, _ =	vpop (xrf0)  }
0x25f: {  	v4 =	vadd.s32 v5, v4;
	v5 =	vsel vm15, $0x0, v6  }
0x260: {  	v4 =	vadd.s32 v5, v4;
	v5 =	vadd.s32 $0xF, v7  }
0x261: {  	v6 =	vperm.xlane v4, v5;
	_ =	sdelay $0x1  }
0x262: {  	(xrf0) =	vadd.scan.msk.s32 $0xffff, v6;
	_ =	sdelay $0x4  }
0x263: {  	s6 =	ssub.s32 s7, s16  }
0x264: {  	v1 =	vadd.s32 s6, v1;
	v6, _, _ =	vpop (xrf0)  }
0x265: {  	v7 =	vbroadcast v1, $0x0;
	v6 =	vperm.xlane v6, v5;
	_ =	sdelay $0x1  }
0x266: {  	vm0 =	vge.s32 v6, v7  }
0x267: {  	v8 =	vmpcnt.ones.xlane vm0;
	_ =	sdelay $0x1  }
0x268: {  	v9 =	vadd.s32 $0xFFFFFFFF, v8  }
0x269: {  	v4 =	vsub.s32 v6, v4;
	vm0 =	veq.s32 v9, v2  }
0x26a: {  	v4 =	vnsel vm0, $0x0, v4  }
0x26b: {  	(xrf0) =	vadd.scan.msk.s32 $0xffff, v4;
	v4 =	vadd.s32 $0x7FFFFFFF, v8  }
0x26c: {  	(xrf0) =	vmax.scan.msk.u32 $0xffff, v4;
	_ =	sdelay $0x4  }
0x26d: {  	v4, _, _ =	vpop (xrf0)  }
0x26e: {  	v6, _, _ =	vpop (xrf0)  }
0x26f: {  	(v2sf) =	vpush v6, $0xF;
	_ =	sdelay $0xe  }
0x270: {  	s24 =	spop (v2sf)  }
0x271: {  	s6 =	sshll.u32 s24, $0x6  }
0x272: {  	s6 =	sshra.s32 s6, $0x2  }
0x273: {  	v6 =	vld [tilespmem:s6+$0x1100];
	_ =	sdelay $0x4  }
0x274: {  	v8 =	vperm.xlane v6, v5;
	_ =	sdelay $0x1  }
0x275: {  	(xrf0) =	vadd.scan.msk.s32 $0xffff, v8;
	_ =	sdelay $0x5  }
0x276: {  	v8, _, _ =	vpop (xrf0)  }
0x277: {  	v4 =	vbroadcast v4, $0xF;
	v5 =	vperm.xlane v8, v5;
	_ =	sdelay $0x1  }
0x278: {  	v4 =	vadd.s32 v5, v4  }
0x279: {  	vm0 =	vge.s32 v4, v7  }
0x27a: {  	v5 =	vmpcnt.ones.xlane vm0;
	_ =	sdelay $0x1  }
0x27b: {  	vm0 =	veq.s32 v5, v3  }
0x27c: {  	v3 =	vnsel vm0, $0x0, v4  }
0x27d: {  	(xrf0) =	vadd.scan.msk.s32 $0xffff, v3;
	v3 =	vnsel vm0, $0x0, v6  }
0x27e: {  	(xrf0) =	vadd.scan.msk.s32 $0xffff, v3;
	_ =	sdelay $0x4  }
0x27f: {  	v3, _, _ =	vpop (xrf0)  }
0x280: {  	(v2sf) =	vpush v3, $0xF;
	v3, _, _ =	vpop (xrf0)  }
0x281: {  	(v2sf) =	vpush v3, $0xF;
	_ =	sdelay $0x7  }
0x282: {  	v3 =	vmul.u32 $0x100, v2  }
0x283: {  	v4 =	vshll.u32 v9, $0x4  }
0x284: {  	v4 =	vadd.s32 v4, v5;
	v3 =	vadd.s32 $0x3FF, v3  }
0x285: {  	v3 =	vadd.s32 v3, v4  }
0x286: {  	s26 =	simm.s32 $0x10;
	s28 =	simm.s32 $0x1600;
	s29 =	simm.s32 $0x1680;
	[tilespmem:$0x1600] =	vst v3  }
0x287: {  	[tilespmem:s29], [sflag:$0x3] =	stream.indirect.gather [spmem:s4], $0x1, s28, s26, $0xb8;
	[tilespmem:$0x20C0] =	vst v63  }
0x288: {  	s25 =	spop (v2sf)  }
0x289: {  	s30 =	spop (v2sf)  }
0x28a: {  	_ =	swait.ge [sflag:s17], $0x10  }
0x28b: {  	[sflag:s17] =	ssyncset.done $0x0  }
0x28c: {  	[sflag:s17] =	ssyncadd.s32 $0xFFFFFFF0  }
0x28d: {  	v3 =	vld [tilespmem:$0x1680];
	_ =	sdelay $0x4  }
0x28e: {  	(xrf0) =	vadd.scan.msk.s32 $0xffff, v3;
	_ =	sdelay $0x2  }
0x28f: {  	s31 =	simm.s32 $0x840;
	v5 =	vmov s1  }
0x290: {  	vm0 =	veq.s32 v5, v2;
	v5 =	vld [tilespmem:s31+$0xFFFFFFC0]  }
0x291: {  	v7 =	vld [tilespmem:s31+$0xFFFFFFE0]  }
0x292: {  	v4 =	vadd.s32 $0xFFFFFFFF, v4;
	v8 =	vld [tilespmem:s31+$0xFFFFFFF0];
	v6, _, _ =	vpop (xrf0)  }
0x293: {  	v0 =	vor.u32 v0, v4;
	v4 =	vld [tilespmem:s31+$0x0];
	v2 =	vsub.s32 v6, v3  }
0x294: {  	v10 =	vld [tilespmem:s31+$0x10];
	v2 =	vnsel vm0, $0x0, v2  }
0x295: {  	v13 =	vld [tilespmem:s31+$0x20];
	(xrf0) =	vadd.scan.msk.s32 $0xffff, v2  }
0x296: {  	s4 =	ssub.s32 s30, s25;
	v16 =	vld [tilespmem:s31+$0x30]  }
0x297: {  	v1 =	vadd.s32 s4, v1;
	v6 =	vld [tilespmem:s31+$0xFFFFFFD0]  }
0x298: {  	v1 =	vbroadcast v1, $0x0;
	vm3 =	veq.s32 v5, v0  }
0x299: {  	vm1 =	veq.s32 v7, v0;
	vm2 =	veq.s32 v8, v0;
	vm4 =	veq.s32 v4, v0  }
0x29a: {  	vm5 =	veq.s32 v10, v0;
	vm6 =	veq.s32 v13, v0;
	v12 =	vmpcnt.ones.xlane vm3  }
0x29b: {  	vm7 =	veq.s32 v16, v0;
	v17 =	vmpcnt.ones.xlane vm1;
	v18 =	vmpcnt.ones.xlane vm2;
	v2, _, _ =	vpop (xrf0)  }
0x29c: {  	vm0 =	veq.s32 v6, v0;
	v3 =	vbroadcast v2, $0xF;
	v2 =	vimm.s32 $0x0  }
0x29d: {  	v19 =	vmpcnt.ones.xlane vm4;
	v15 =	vmpcnt.ones.xlane vm0;
	v11 =	vsel vm3, $0x1, v2  }
0x29e: {  	v14 =	vsel vm0, $0x1, v2;
	v12 =	vadd.s32 v2, v12;
	v20 =	vsel vm1, $0x1, v2  }
0x29f: {  	v21 =	vsel vm2, $0x1, v2;
	v22 =	vsel vm4, $0x1, v2;
	v23 =	vsel vm6, $0x1, v2  }
0x2a0: {  	v25 =	vsel vm3, $0xFFFFFFFF, v2;
	v26 =	vsel vm0, $0xFFFFFFFF, v2;
	v27 =	vsel vm2, $0xFFFFFFFF, v2;
	(xrf0) =	vadd.scan.msk.s32 $0xffff, v11  }
0x2a1: {  	v28 =	vsel vm6, $0xFFFFFFFF, v2;
	v30 =	vsel vm4, $0xFFFFFFFF, v2;
	v31 =	vsel vm5, $0xFFFFFFFF, v2;
	(xrf0) =	vadd.scan.msk.s32 $0xffff, v14  }
0x2a2: {  	v9 =	vadd.s32 v3, v2;
	v15 =	vadd.s32 v12, v15;
	v12 =	vadd.s32 v3, v12;
	(xrf0) =	vadd.scan.msk.s32 $0xffff, v20  }
0x2a3: {  	v17 =	vadd.s32 v15, v17;
	v15 =	vadd.s32 v3, v15;
	(xrf0) =	vadd.scan.msk.s32 $0xffff, v21;
	v21 =	vsel vm5, $0x1, v2  }
0x2a4: {  	v12 =	vadd.s32 v26, v12;
	v9 =	vadd.s32 v25, v9;
	v11 =	vadd.s32 v17, v18;
	(xrf0) =	vadd.scan.msk.s32 $0xffff, v22  }
0x2a5: {  	v18 =	vmpcnt.ones.xlane vm5;
	v20 =	vmpcnt.ones.xlane vm7;
	v17 =	vadd.s32 v3, v17;
	(xrf0) =	vadd.scan.msk.s32 $0xffff, v21  }
0x2a6: {  	v14 =	vadd.s32 v11, v19;
	v19 =	vmpcnt.ones.xlane vm6;
	v22 =	vsel vm7, $0x1, v2;
	v21, _, _ =	vpop (xrf0);
	(xrf0) =	vadd.scan.msk.s32 $0xffff, v23  }
0x2a7: {  	v11 =	vadd.s32 v3, v11;
	v17 =	vadd.s32 v27, v17;
	v18 =	vadd.s32 v14, v18;
	v23, _, _ =	vpop (xrf0);
	(xrf0) =	vadd.scan.msk.s32 $0xffff, v22  }
0x2a8: {  	v19 =	vadd.s32 v18, v19;
	v18 =	vadd.s32 v3, v18;
	v22 =	vsel vm1, $0xFFFFFFFF, v2;
	v29, _, _ =	vpop (xrf0)  }
0x2a9: {  	v14 =	vadd.s32 v3, v14;
	v11 =	vadd.s32 v30, v11;
	v18 =	vadd.s32 v28, v18;
	v28, _, _ =	vpop (xrf0)  }
0x2aa: {  	v30 =	vsel vm7, $0xFFFFFFFF, v2;
	v14 =	vadd.s32 v31, v14;
	v24 =	vadd.s32 v3, v19;
	v31, _, _ =	vpop (xrf0)  }
0x2ab: {  	v24 =	vadd.s32 v30, v24;
	v9 =	vadd.s32 v21, v9;
	v15 =	vadd.s32 v22, v15;
	v22, _, _ =	vpop (xrf0)  }
0x2ac: {  	v12 =	vadd.s32 v23, v12;
	vm9 =	vlt.s32 v9, v1;
	v15 =	vadd.s32 v29, v15;
	v23, _, _ =	vpop (xrf0)  }
0x2ad: {  	s4 =	simm.s32 $0x40;
	vm3 =	vmand vm3, vm9;
	v17 =	vadd.s32 v28, v17;
	v21, _, _ =	vpop (xrf0);
	v18 =	vadd.s32 v23, v18  }
0x2ae: {  	v9 =	vld [tilespmem:s4+$0xFFFFFFC0];
	v14 =	vadd.s32 v22, v14;
	v21 =	vadd.s32 v21, v24;
	vm9 =	vlt.s32 v18, v1  }
0x2af: {  	vm8 =	vlt.s32 v21, v1;
	vm6 =	vmand vm6, vm9;
	vm9 =	vlt.s32 v15, v1;
	v15 =	vld [tilespmem:s4+$0x20]  }
0x2b0: {  	v11 =	vadd.s32 v31, v11;
	vm7 =	vmand vm7, vm8;
	vm8 =	vlt.s32 v14, v1;
	v14 =	vld [tilespmem:s4+$0xFFFFFFD0]  }
0x2b1: {  	v18 =	vadd.s32 v19, v20;
	vm1 =	vmand vm1, vm9;
	vm9 =	vlt.s32 v11, v1;
	v11 =	vld [tilespmem:s4+$0xFFFFFFF0]  }
0x2b2: {  	s6 =	simm.s32 $0x8C0;
	vm5 =	vmand vm5, vm8;
	vm8 =	vlt.s32 v12, v1;
	v12 =	vld [tilespmem:s4+$0xFFFFFFE0];
	vm4 =	vmand vm4, vm9  }
0x2b3: {  	vm9 =	vgt.u32 v5, v0;
	v5 =	vld [tilespmem:s6+$0xFFFFFFE0];
	vm0 =	vmand vm0, vm8;
	vm8 =	vlt.s32 v17, v1  }
0x2b4: {  	vm3 =	vmor vm9, vm3;
	vm9 =	vgt.u32 v16, v0;
	v17 =	vld [tilespmem:s6+$0xFFFFFFC0];
	vm2 =	vmand vm2, vm8  }
0x2b5: {  	vm8 =	vgt.u32 v10, v0;
	v10 =	vld [tilespmem:s4+$0x30];
	vm7 =	vmor vm9, vm7;
	vm9 =	vgt.u32 v7, v0  }
0x2b6: {  	v19 =	vnsel vm3, $0x0, v9;
	v7 =	vld [tilespmem:s6+$0x0];
	vm5 =	vmor vm8, vm5;
	vm8 =	vgt.u32 v13, v0  }
0x2b7: {  	v9 =	vld [tilespmem:s6+$0x10];
	vm1 =	vmor vm9, vm1;
	vm6 =	vmor vm8, vm6;
	vm8 =	vgt.u32 v6, v0  }
0x2b8: {  	v13 =	vld [tilespmem:s4+$0x10];
	vm0 =	vmor vm8, vm0;
	vm8 =	vgt.u32 v8, v0;
	v8 =	vadd.s32 v3, v18  }
0x2b9: {  	v16 =	vld [tilespmem:s4+$0x0];
	v15 =	vnsel vm6, $0x0, v15;
	v12 =	vnsel vm1, $0x0, v12;
	vm2 =	vmor vm8, vm2  }
0x2ba: {  	s5 =	simm.s32 $0x1740;
	v6 =	vld [tilespmem:s6+$0xFFFFFFF0];
	vm8 =	vgt.u32 v4, v0;
	v14 =	vnsel vm0, $0x0, v14;
	vm1 =	veq.s32 v17, v0  }
0x2bb: {  	[tilespmem:s5+$0xFFFFFFC0] =	vst v19;
	v4 =	vld [tilespmem:s6+$0xFFFFFFD0];
	vm10 =	vgt.u32 v17, v0;
	vm4 =	vmor vm8, vm4;
	v10 =	vnsel vm7, $0x0, v10  }
0x2bc: {  	[tilespmem:s5+$0x20] =	vst v15;
	v20 =	vnsel vm2, $0x0, v11;
	v15 =	vsel vm1, $0x1, v2;
	v17 =	vmpcnt.ones.xlane vm1;
	v11 =	vld [tilespmem:s6+$0x30]  }
0x2bd: {  	vm3 =	veq.s32 v7, v0;
	vm6 =	veq.s32 v9, v0;
	v13 =	vnsel vm5, $0x0, v13;
	[tilespmem:s5+$0x30] =	vst v10;
	v10 =	vld [tilespmem:s6+$0x20]  }
0x2be: {  	[tilespmem:s5+$0xFFFFFFE0] =	vst v12;
	v16 =	vnsel vm4, $0x0, v16;
	vm4 =	veq.s32 v5, v0;
	v25 =	vsel vm6, $0x1, v2  }
0x2bf: {  	[tilespmem:s5+$0xFFFFFFD0] =	vst v14;
	v28 =	vsel vm6, $0xFFFFFFFF, v2;
	v22 =	vadd.s32 v18, v17;
	v17 =	vmpcnt.ones.xlane vm4  }
0x2c0: {  	(xrf0) =	vadd.scan.msk.s32 $0xffff, v15;
	vm5 =	veq.s32 v6, v0;
	v18 =	vsel vm4, $0x1, v2;
	vm2 =	veq.s32 v4, v0  }
0x2c1: {  	[tilespmem:s5+$0xFFFFFFF0] =	vst v20;
	v15 =	vmpcnt.ones.xlane vm5;
	v20 =	vsel vm5, $0x1, v2;
	v21 =	vmpcnt.ones.xlane vm2  }
0x2c2: {  	[tilespmem:s5+$0x10] =	vst v13;
	v13 =	vsel vm2, $0x1, v2;
	vm8 =	veq.s32 v11, v0;
	vm7 =	veq.s32 v10, v0  }
0x2c3: {  	(xrf0) =	vadd.scan.msk.s32 $0xffff, v13;
	v19 =	vmpcnt.ones.xlane vm8;
	v27 =	vsel vm8, $0x1, v2;
	v23 =	vadd.s32 v22, v21  }
0x2c4: {  	v12 =	vmpcnt.ones.xlane vm7;
	v21 =	vsel vm3, $0x1, v2;
	(xrf0) =	vadd.scan.msk.s32 $0xffff, v18;
	v26 =	vsel vm7, $0x1, v2  }
0x2c5: {  	v29 =	vsel vm7, $0xFFFFFFFF, v2;
	v13 =	vadd.s32 v23, v17;
	v17 =	vmpcnt.ones.xlane vm3;
	(xrf0) =	vadd.scan.msk.s32 $0xffff, v20  }
0x2c6: {  	v14 =	vadd.s32 v13, v15;
	v15 =	vmpcnt.ones.xlane vm6;
	(xrf0) =	vadd.scan.msk.s32 $0xffff, v21;
	v21 =	vadd.s32 v3, v22  }
0x2c7: {  	v22 =	vadd.s32 v3, v23;
	v17 =	vadd.s32 v14, v17;
	(xrf0) =	vadd.scan.msk.s32 $0xffff, v25;
	v25 =	vsel vm4, $0xFFFFFFFF, v2  }
0x2c8: {  	v15 =	vadd.s32 v17, v15;
	v20 =	vadd.s32 v3, v17;
	v17 =	vsel vm1, $0xFFFFFFFF, v2  }
0x2c9: {  	[tilespmem:s5+$0x0] =	vst v16;
	v24 =	vadd.s32 v15, v12;
	v18 =	vadd.s32 v3, v15;
	v15 =	vadd.s32 v3, v13;
	v13, _, _ =	vpop (xrf0)  }
0x2ca: {  	(xrf0) =	vadd.scan.msk.s32 $0xffff, v26;
	v26 =	vsel vm5, $0xFFFFFFFF, v2;
	v12 =	vadd.s32 v24, v19;
	v19 =	vadd.s32 v3, v14;
	v14, _, _ =	vpop (xrf0)  }
0x2cb: {  	s7 =	simm.s32 $0x8;
	v16 =	vadd.s32 v3, v24;
	v24 =	vsel vm2, $0xFFFFFFFF, v2;
	(xrf0) =	vadd.scan.msk.s32 $0xffff, v27;
	v27 =	vsel vm3, $0xFFFFFFFF, v2;
	v23, _, _ =	vpop (xrf0)  }
.LBB2_9:
0x2cc: {  	v30 =	vimm.s32 $0x0;
	v18 =	vadd.s32 v29, v18;
	v29 =	vsel vm8, $0xFFFFFFFF, v2  }
0x2cd: {  	v19 =	vadd.s32 v27, v19;
	v28 =	vadd.s32 v28, v20;
	v21 =	vadd.s32 v24, v21  }
0x2ce: {  	v22 =	vadd.s32 v25, v22;
	v15 =	vadd.s32 v26, v15;
	v25 =	vadd.s32 v17, v8  }
0x2cf: {  	s4 =	sadd.s32 $0x80, s4;
	v30 =	vsel vm10, $0xFFFFFFFF, v30;
	v16 =	vadd.s32 v29, v16;
	v13 =	vadd.s32 v13, v25  }
0x2d0: {  	v31, _, _ =	vpop (xrf0);
	v14 =	vadd.s32 v14, v21;
	v21 =	vadd.s32 v23, v22;
	vm12 =	vlt.s32 v13, v1;
	v13 =	vld [tilespmem:s4+$0xFFFFFFD0]  }
0x2d1: {  	[tilespmem:$0x1FFF0] =	vst v30;
	v30 =	vadd.s32 v3, v12;
	v27, _, _ =	vpop (xrf0);
	v15 =	vadd.s32 v31, v15;
	vm13 =	vlt.s32 v14, v1;
	v14 =	vld [tilespmem:s4+$0xFFFFFFE0]  }
0x2d2: {  	vm14 =	vlt.s32 v21, v1;
	v24, _, _ =	vpop (xrf0);
	v19 =	vadd.s32 v27, v19;
	vm15 =	vlt.s32 v15, v1;
	v15 =	vld [tilespmem:s4+$0xFFFFFFF0]  }
0x2d3: {  	vm1 =	vmand vm1, vm12;
	vm2 =	vmand vm2, vm13;
	vm12 =	vgt.u32 v9, v0;
	v9 =	vld [tilespmem:s4+$0x0];
	v20, _, _ =	vpop (xrf0)  }
0x2d4: {  	vm4 =	vmand vm4, vm14;
	v17 =	vadd.s32 v24, v28;
	v18 =	vadd.s32 v20, v18;
	v20 =	vld [tilespmem:s4+$0xFFFFFFC0]  }
0x2d5: {  	s6 =	sadd.s32 $0x80, s6;
	vm13 =	vgt.u32 v11, v0;
	vm0 =	vlt.s32 v19, v1;
	vm9 =	vlt.s32 v17, v1;
	v17 =	vld [tilespmem:s4+$0x30]  }
0x2d6: {  	vm5 =	vmand vm5, vm15;
	v8, _, _ =	vpop (xrf0);
	vm0 =	vmand vm3, vm0;
	vm3 =	vgt.u32 v6, v0;
	v6 =	vld [tilespmem:s6+$0xFFFFFFF0]  }
0x2d7: {  	v16 =	vadd.s32 v8, v16;
	vm6 =	vmand vm6, vm9;
	vm9 =	vgt.u32 v4, v0;
	v4 =	vld [tilespmem:$0x1FFF0]  }
0x2d8: {  	vm10 =	vlt.s32 v18, v1;
	vm3 =	vmor vm3, vm5;
	vm11 =	vlt.s32 v16, v1;
	v16 =	vld [tilespmem:s4+$0x20]  }
0x2d9: {  	vm7 =	vmand vm7, vm10;
	vm8 =	vmand vm8, vm11;
	vm11 =	vgt.u32 v7, v0;
	v7 =	vld [tilespmem:s4+$0x10]  }
0x2da: {  	vm10 =	vgt.u32 v5, v0;
	vm6 =	vmor vm12, vm6;
	vm12 =	vgt.u32 v10, v0;
	v10 =	vld [tilespmem:s6+$0xFFFFFFC0]  }
0x2db: {  	vm2 =	vmor vm9, vm2;
	v5 =	vld [tilespmem:s6+$0xFFFFFFE0];
	vm7 =	vmor vm12, vm7;
	vm4 =	vmor vm10, vm4  }
0x2dc: {  	v13 =	vnsel vm2, $0x0, v13;
	vm8 =	vmor vm13, vm8;
	vm14 =	vnez.u8 v4;
	v4 =	vld [tilespmem:s6+$0xFFFFFFD0]  }
0x2dd: {  	s5 =	sadd.s32 $0x80, s5;
	v15 =	vnsel vm3, $0x0, v15;
	v11 =	vnsel vm7, $0x0, v16;
	v16 =	vnsel vm8, $0x0, v17  }
0x2de: {  	vm0 =	vmor vm11, vm0;
	v14 =	vnsel vm4, $0x0, v14;
	v18 =	vnsel vm6, $0x0, v7;
	[tilespmem:s5+$0x30] =	vst v16;
	v7 =	vld [tilespmem:s6+$0x0]  }
0x2df: {  	vm5 =	veq.s32 v6, v0;
	vm1 =	vmor vm14, vm1;
	v16 =	vnsel vm0, $0x0, v9;
	[tilespmem:s5+$0x20] =	vst v11;
	v9 =	vld [tilespmem:s6+$0x10]  }
0x2e0: {  	[tilespmem:s5+$0xFFFFFFF0] =	vst v15;
	vm10 =	vgt.u32 v10, v0;
	v17 =	vnsel vm1, $0x0, v20;
	vm1 =	veq.s32 v10, v0;
	v10 =	vld [tilespmem:s6+$0x20]  }
0x2e1: {  	vm4 =	veq.s32 v5, v0;
	[tilespmem:s5+$0x10] =	vst v18;
	v18 =	vsel vm1, $0x1, v2;
	v11 =	vld [tilespmem:s6+$0x30];
	vm2 =	veq.s32 v4, v0  }
0x2e2: {  	v19 =	vmpcnt.ones.xlane vm1;
	[tilespmem:s5+$0xFFFFFFC0] =	vst v17;
	(xrf0) =	vadd.scan.msk.s32 $0xffff, v18;
	v17 =	vsel vm2, $0x1, v2  }
0x2e3: {  	v23 =	vsel vm5, $0x1, v2;
	v15 =	vsel vm4, $0x1, v2;
	v20 =	vmpcnt.ones.xlane vm2;
	(xrf0) =	vadd.scan.msk.s32 $0xffff, v17  }
0x2e4: {  	v21 =	vadd.s32 v12, v19;
	v12 =	vmpcnt.ones.xlane vm4;
	v17 =	vmpcnt.ones.xlane vm5  }
0x2e5: {  	vm3 =	veq.s32 v7, v0;
	vm6 =	veq.s32 v9, v0;
	v22 =	vadd.s32 v21, v20  }
0x2e6: {  	v26 =	vmpcnt.ones.xlane vm6;
	vm7 =	veq.s32 v10, v0;
	vm8 =	veq.s32 v11, v0  }
0x2e7: {  	[tilespmem:s5+$0xFFFFFFE0] =	vst v14;
	v24 =	vsel vm3, $0x1, v2;
	v21 =	vadd.s32 v3, v21;
	v28 =	vsel vm6, $0xFFFFFFFF, v2  }
0x2e8: {  	[tilespmem:s5+$0xFFFFFFD0] =	vst v13;
	v19 =	vadd.s32 v22, v12;
	v12 =	vmpcnt.ones.xlane vm3;
	v18 =	vmpcnt.ones.xlane vm8;
	v13, _, _ =	vpop (xrf0)  }
0x2e9: {  	s7 =	sadd.s32 $0x8, s7;
	v27 =	vsel vm7, $0x1, v2;
	v22 =	vadd.s32 v3, v22;
	v17 =	vadd.s32 v19, v17;
	v14, _, _ =	vpop (xrf0);
	(xrf0) =	vadd.scan.msk.s32 $0xffff, v15  }
0x2ea: {  	p0 =	slt.u32 s7, $0x78;
	[tilespmem:s5+$0x0] =	vst v16;
	v29 =	vsel vm7, $0xFFFFFFFF, v2;
	v20 =	vadd.s32 v17, v12;
	v12 =	vmpcnt.ones.xlane vm7  }
.Ltmp4:
0x2eb: {  	v16 =	vadd.s32 v20, v26;
	v26 =	vsel vm6, $0x1, v2;
	v20 =	vadd.s32 v3, v20;
	(xrf0) =	vadd.scan.msk.s32 $0xffff, v23;
	(pc) =	sbr.rel @p0 .LBB2_9-.Ltmp4, $4  }
0x2ec: {  	v25 =	vadd.s32 v16, v12;
	v15 =	vadd.s32 v3, v19;
	v23 =	vsel vm8, $0x1, v2;
	(xrf0) =	vadd.scan.msk.s32 $0xffff, v24  }
0x2ed: {  	v19 =	vadd.s32 v3, v17;
	v17 =	vsel vm1, $0xFFFFFFFF, v2;
	v12 =	vadd.s32 v25, v18;
	(xrf0) =	vadd.scan.msk.s32 $0xffff, v26  }
0x2ee: {  	v8 =	vmovc v30;
	v18 =	vadd.s32 v3, v16;
	v16 =	vadd.s32 v3, v25;
	v25 =	vsel vm4, $0xFFFFFFFF, v2;
	(xrf0) =	vadd.scan.msk.s32 $0xffff, v27  }
0x2ef: {  	v24 =	vsel vm2, $0xFFFFFFFF, v2;
	v26 =	vsel vm5, $0xFFFFFFFF, v2;
	v27 =	vsel vm3, $0xFFFFFFFF, v2;
	(xrf0) =	vadd.scan.msk.s32 $0xffff, v23;
	v23, _, _ =	vpop (xrf0)  }
0x2f0: {  	v12 =	vadd.s32 v29, v18;
	v2 =	vsel vm8, $0xFFFFFFFF, v2  }
0x2f1: {  	v19 =	vadd.s32 v27, v19;
	v20 =	vadd.s32 v28, v20;
	v21 =	vadd.s32 v24, v21  }
0x2f2: {  	v22 =	vadd.s32 v25, v22;
	v15 =	vadd.s32 v26, v15;
	v8 =	vadd.s32 v17, v8  }
0x2f3: {  	vm11 =	vgt.u32 v9, v0;
	v3, _, _ =	vpop (xrf0);
	v2 =	vadd.s32 v2, v16;
	v14 =	vadd.s32 v14, v21  }
0x2f4: {  	v8 =	vadd.s32 v13, v8;
	v46 =	vadd.s32 v23, v22;
	v3 =	vadd.s32 v3, v15  }
0x2f5: {  	vm12 =	vlt.s32 v8, v1;
	vm14 =	vlt.s32 v14, v1;
	vm15 =	vlt.s32 v46, v1  }
0x2f6: {  	s4 =	sadd.s32 $0x80, s4;
	v42, _, _ =	vpop (xrf0);
	vm1 =	vmand vm1, vm12;
	vm2 =	vmand vm2, vm14;
	vm12 =	vlt.s32 v3, v1  }
0x2f7: {  	v50 =	vld [tilespmem:s4+$0xFFFFFFC0];
	v43, _, _ =	vpop (xrf0);
	vm4 =	vmand vm4, vm15;
	vm14 =	vgt.u32 v11, v0;
	v51 =	vadd.s32 v42, v19  }
0x2f8: {  	v48 =	vld [tilespmem:s4+$0x20];
	v44, _, _ =	vpop (xrf0);
	v16 =	vadd.s32 v43, v20;
	vm5 =	vmand vm5, vm12;
	vm15 =	vlt.s32 v51, v1  }
0x2f9: {  	v47 =	vld [tilespmem:s4+$0x30];
	vm1 =	vmor vm10, vm1;
	v45, _, _ =	vpop (xrf0);
	v12 =	vadd.s32 v44, v12;
	vm9 =	vlt.s32 v16, v1  }
0x2fa: {  	v53 =	vld [tilespmem:s4+$0xFFFFFFE0];
	vm3 =	vmand vm3, vm15;
	v2 =	vadd.s32 v45, v2;
	vm13 =	vlt.s32 v12, v1  }
0x2fb: {  	v49 =	vld [tilespmem:s4+$0x10];
	vm0 =	vlt.s32 v2, v1;
	vm7 =	vmand vm7, vm13;
	vm13 =	vgt.u32 v10, v0  }
0x2fc: {  	s5 =	sadd.s32 $0x80, s5;
	v58 =	vld [tilespmem:s4+$0x0];
	v59 =	vnsel vm1, $0x0, v50;
	vm0 =	vmand vm8, vm0;
	vm7 =	vmor vm13, vm7  }
0x2fd: {  	v52 =	vld [tilespmem:s4+$0xFFFFFFD0];
	[tilespmem:s5+$0xFFFFFFC0] =	vst v59;
	vm13 =	vgt.u32 v5, v0;
	vm0 =	vmor vm14, vm0;
	v55 =	vnsel vm7, $0x0, v48  }
0x2fe: {  	v56 =	vld [tilespmem:s4+$0xFFFFFFF0];
	vm6 =	vmand vm6, vm9;
	vm1 =	vmor vm13, vm4;
	v54 =	vnsel vm0, $0x0, v47;
	[tilespmem:s5+$0x20] =	vst v55  }
0x2ff: {  	vm15 =	vgt.u32 v7, v0;
	vm0 =	vmor vm11, vm6;
	v61 =	vnsel vm1, $0x0, v53;
	[tilespmem:s5+$0x30] =	vst v54  }
0x300: {  	vm12 =	vgt.u32 v4, v0;
	vm1 =	vmor vm15, vm3;
	v57 =	vnsel vm0, $0x0, v49;
	[tilespmem:s5+$0xFFFFFFE0] =	vst v61  }
0x301: {  	vm14 =	vgt.u32 v6, v0;
	vm0 =	vmor vm12, vm2;
	v63 =	vnsel vm1, $0x0, v58;
	[tilespmem:s5+$0x10] =	vst v57  }
0x302: {  	v60 =	vnsel vm0, $0x0, v52;
	vm0 =	vmor vm14, vm5;
	[tilespmem:s5+$0x0] =	vst v63  }
0x303: {  	s2 =	sadd.s32 s2, s3;
	[tilespmem:s5+$0xFFFFFFD0] =	vst v60;
	v62 =	vnsel vm0, $0x0, v56  }
0x304: {  	s29 =	simm.s32 $0x0;
	s30 =	simm.s32 $0x1700;
	s31 =	simm.s32 $0x3;
	[tilespmem:s5+$0xFFFFFFF0] =	vst v62  }
0x305: {  	[hbm4b:s2+s29] =	stream.linear.scatter [tilespmem:s30], [sflag:$0x3], $0x800, $0x38;
	[tilespmem:$0x20C0] =	vst v63  }
0x306: {  	_ =	swait.ge [sflag:s31], $0x800  }
0x307: {  	[sflag:s31] =	ssyncset.done $0x0  }
0x308: {  	[sflag:s31] =	ssyncadd.s32 $0xFFFFF800  }
0x309: {  	_ =	sfence.sel $0x180000  }
0x30a: {  	[bflag:$0x0] =	sbarrier.arrive $0xFFFF  }
0x30b: {  	p0 =	sne.s32 s1, $0x0;
	_ =	strace $0x90000047  }
0x30c: {  	s0 =	sadd.s32 @!p0 $0x100000, s0;
	[bflag:$0x2] =	sbarrier.arrive $0xFFFF  }
0x30d: {  	[sflag:s0] =	ssyncadd.tile.s32 @!p0 $0x1;
	_ =	shalt  }
.Lfunc_end2:
_tile_overlayer_lowered:
.L_overlay_start_2:
0x30e: {  	(tag) =	ssettag $0x2  }
0x30f: {  	s0 =	rddreg [dreg:$0x0];
	s2 =	stileid.u32  }
0x310: {  	s1 =	rddreg [dreg:$0x1];
	p0 =	sne.s32 s2, $0x0  }
0x311: {  	s3 =	rddreg [dreg:$0x2];
	[bflag:$0x3] =	sbarrier.arrive $0xFFFF;
	s2 =	simm.s32 @!p0 $0x1C03  }
0x312: {  	[timem:s3], [sflag:s2] =	dma.local @!p0 [hbm:s0], s1  }
0x313: {  	s0 =	simm.s32 @!p0 $0x3  }
0x314: {  	_ =	swait.ge @!p0 [sflag:s0], s1  }
0x315: {  	s1 =	ssub.s32 @!p0 $0x0, s1;
	[sflag:s0] =	ssyncset.done @!p0 $0x0  }
0x316: {  	[sflag:s0] =	ssyncadd.s32 @!p0 s1  }
0x317: {  	[bflag:$0x3] =	sbarrier.arrive $0xFFFF  }
0x318: {  	_ =	shalt  }

</sc_bundles>
